<compile_context>
chip_gen: v7x
topology: tpu7x:2x2x1
jax: 0.10.2.dev20260603
libtpu: 0.0.44.dev20260713+nightly
codegen_flags: <defaults>
</compile_context>

<pallas_src>
import functools

import jax
import jax.numpy as jnp
from jax import lax
from jax.experimental import pallas as pl
from jax.experimental.pallas import tpu as pltpu
from jax.experimental.pallas import tpu_sc as plsc

NUM_SC = 2
NUM_TILES = 16
LANES = 16
RW = 8

W = 128
NSUB = 8


def _sc_laplacian(B, N, F, NPAD, FPAD):
    CH = NPAD // NUM_TILES
    FCH = CH // NSUB
    PER_TILE = FPAD // NUM_TILES
    NWIN = PER_TILE // W
    assert CH % NSUB == 0 and FCH % 2 == 0
    assert FPAD % (NUM_TILES * W) == 0 and W % 8 == 0
    assert B == NUM_SC * 2

    mesh = plsc.VectorSubcoreMesh(
        core_axis_name="c", subcore_axis_name="s",
        num_cores=NUM_SC, num_subcores=NUM_TILES,
    )

    @functools.partial(
        pl.kernel,
        mesh=mesh,
        compiler_params=pltpu.CompilerParams(
            needs_layout_passes=False, use_tc_tiling_on_sc=False),
        out_type=jax.ShapeDtypeStruct((B, NPAD, RW), jnp.float32),
        scratch_types=[
            pltpu.VMEM_SHARED((2 * NPAD, RW), jnp.float32),
            pltpu.VMEM((W,), jnp.int32),
            pltpu.VMEM((W,), jnp.int32),
            pltpu.VMEM((W,), jnp.int32),
            pltpu.VMEM((W,), jnp.int32),
            pltpu.VMEM((W,), jnp.int32),
            pltpu.VMEM((W,), jnp.int32),
            pltpu.VMEM((W, RW), jnp.float32),
            pltpu.VMEM((W, RW), jnp.float32),
            pltpu.VMEM((W, RW), jnp.float32),
            pltpu.VMEM((W, RW), jnp.float32),
            pltpu.VMEM((FCH, RW), jnp.float32),
            pltpu.VMEM((FCH, RW), jnp.float32),
            pltpu.VMEM((FCH, RW), jnp.float32),
        ],
    )
    def lap(v4_hbm, ft_hbm, fto_hbm, z_hbm, out_hbm, sbuf,
            ig0, ig1, ig2, io0, io1, io2, r0, r1, r2, fsb,
            vchunk, schunk, ochunk):
        idxs = (ig0, ig1, ig2)
        oxs = (io0, io1, io2)
        rs = (r0, r1, r2)
        c = lax.axis_index("c")
        s = lax.axis_index("s")
        iota = lax.iota(jnp.int32, LANES)
        row2 = lax.shift_right_logical(iota, 3)
        col8 = lax.bitwise_and(iota, 7)
        lane3 = lax.bitwise_or(lax.bitwise_and(iota, 0), 3)

        assert NWIN % 2 == 0

        for bl in range(2):
            b = c * 2 + bl

            pltpu.sync_copy(z_hbm, ochunk)

            @pl.loop(0, NSUB)
            def _stage(k):
                sub = pl.ds(s * CH + k * FCH, FCH)
                ssub = pl.ds(NPAD + s * CH + k * FCH, FCH)
                pltpu.sync_copy(ochunk, sbuf.at[ssub])
                pltpu.sync_copy(v4_hbm.at[b, sub], vchunk)
                pltpu.sync_copy(vchunk, sbuf.at[sub])

            plsc.subcore_barrier()

            base0 = s * PER_TILE

            @pl.loop(0, NWIN)
            def _win(w):
                fbase = (b * 3) * FPAD + base0 + w * W
                for j in range(3):
                    sl = pl.ds(fbase + j * FPAD, W)
                    pltpu.sync_copy(ft_hbm.at[sl], idxs[j])
                    pltpu.sync_copy(fto_hbm.at[sl], oxs[j])
                pltpu.sync_copy(sbuf.at[idxs[0]], rs[0])
                pltpu.sync_copy(sbuf.at[idxs[1]], rs[1])
                pltpu.sync_copy(sbuf.at[idxs[2]], rs[2])

                @pl.loop(0, W * RW // LANES, unroll=8)
                def _fs(i):
                    row = i * 2 + row2
                    x0 = plsc.load_gather(rs[0], [row, col8])
                    x1 = plsc.load_gather(rs[1], [row, col8])
                    x2 = plsc.load_gather(rs[2], [row, col8])
                    plsc.store_scatter(fsb, [row, col8], x0 + x1 + x2)

                for j in range(3):
                    pltpu.sync_copy(fsb, sbuf.at[oxs[j]], add=True)

            plsc.subcore_barrier()

            @pl.loop(0, NSUB)
            def _fino(k):
                sub = pl.ds(s * CH + k * FCH, FCH)
                ssub = pl.ds(NPAD + s * CH + k * FCH, FCH)
                pltpu.sync_copy(sbuf.at[ssub], schunk)
                pltpu.sync_copy(sbuf.at[sub], vchunk)

                @pl.loop(0, FCH * RW // LANES, unroll=8)
                def _fin(i):
                    row = i * 2 + row2
                    sv = plsc.load_gather(schunk, [row, col8])
                    s3 = plsc.load_gather(schunk, [row, lane3])
                    vv = plsc.load_gather(vchunk, [row, col8])
                    o = (s3 * vv - sv) / (s3 * jnp.float32(2.0 / 3.0)
                                          + jnp.float32(1e-12))
                    plsc.store_scatter(ochunk, [row, col8], o)

                pltpu.sync_copy(ochunk, out_hbm.at[b, sub])

            if bl == 0:
                plsc.subcore_barrier()

    return lap


def kernel(verts, faces):
    B, N, D = verts.shape
    F = faces.shape[1]
    assert D == 3 and faces.shape == (B, F, 3)

    quantum = NUM_TILES * NSUB * 8
    NPAD = -(-(N + 64) // quantum) * quantum
    n_extra = NPAD - N
    FPAD = -(-F // (NUM_TILES * W)) * (NUM_TILES * W)

    v4 = jnp.concatenate(
        [verts, jnp.ones((B, N, 1), verts.dtype)], axis=-1)
    v4 = jnp.pad(v4, ((0, 0), (0, n_extra), (0, RW - 4)))

    spread = max(1, min(64, n_extra))
    pad_idx = N + (jnp.arange(FPAD - F, dtype=jnp.int32) % spread)
    ft = jnp.transpose(faces.astype(jnp.int32), (0, 2, 1))
    ft = jnp.concatenate(
        [ft, jnp.broadcast_to(pad_idx, (B, 3, FPAD - F))], axis=-1)
    ft = ft.reshape(-1)
    fto = ft + jnp.int32(NPAD)

    zchunk = jnp.zeros((NPAD // (NUM_TILES * NSUB), RW), jnp.float32)

    out8 = _sc_laplacian(B, N, F, NPAD, FPAD)(v4, ft, fto, zchunk)
    return out8[:, :N, :3]

# --- scband reference (transcript-rebuilt; emitter-appended) ---
"""Pipeline reference for scband-uniform-laplacian-39814346834440 (READ-ONLY COPY).

The authoritative reference and input builder live on the scoring server;
editing this copy changes nothing except your own understanding.
"""

import jax, jax.numpy as jnp
import numpy as np


def setup_inputs(seed: int = 0) -> dict:
    key = jax.random.key(seed)
    k1, k2 = jax.random.split(key)
    verts = jax.random.normal(k1, (4, 100000, 3), dtype=jnp.float32)
    faces = jax.random.randint(k2, (4, 200000, 3), 0, 100000).astype(jnp.int64)
    return {"verts": verts, "faces": faces}


def reference(verts, faces):
    # Faithful translation of UniformLaplacian.forward + computeLaplacian.
    # L = A + A^T + diag(Lii), where A has -1 at (row, col) for every
    # consecutive vertex pair in each face, and Lii = -rowsum(A + A^T)
    # (i.e. total directed degree with multiplicity).
    B, N, D = verts.shape
    Ldeg = faces.shape[-1]
    offset = (jnp.arange(B, dtype=faces.dtype) * N).reshape(-1, 1, 1)
    f = (faces + offset).reshape(-1, Ldeg)
    row = f.reshape(-1)
    # col order is [1, 2, ..., L-1, 0] == roll(-1) along face axis
    col = jnp.roll(f, shift=-1, axis=1).reshape(-1)
    V = verts.reshape(-1, D)
    BN = B * N
    ones = jnp.ones(row.shape[0], dtype=verts.dtype)
    # Lii = out_degree + in_degree (duplicates summed, as torch coo does)
    Lii = jnp.zeros(BN, dtype=verts.dtype).at[row].add(ones).at[col].add(ones)
    # x = (A + A^T + diag(Lii)) @ V
    out = Lii[:, None] * V
    out = out.at[row].add(-V[col])
    out = out.at[col].add(-V[row])
    out = out / (Lii[:, None] + 1e-12)
    return out.reshape(B, N, D)

if __name__ == "__main__":
    import jax
    _d = setup_inputs()
    print(jax.jit(kernel)(*tuple(_d.values())))

</pallas_src>

<mosaic_0001>
#map = affine_map<(d0, d1) -> (0, 0, 0)>
#map1 = affine_map<(d0, d1) -> (0)>
#map2 = affine_map<(d0, d1) -> (0, 0)>
module attributes {stable_mosaic.version = 14 : i64} {
  func.func @lap(%arg0: i32, %arg1: i32, %arg2: memref<4x100352x8xf32, #tpu.memory_space<hbm>>, %arg3: memref<2408448xi32, #tpu.memory_space<hbm>>, %arg4: memref<2408448xi32, #tpu.memory_space<hbm>>, %arg5: memref<784x8xf32, #tpu.memory_space<hbm>>, %arg6: memref<4x100352x8xf32, #tpu.memory_space<hbm>>, %arg7: memref<200704x8xf32, #tpu.memory_space<vmem_shared>>, %arg8: memref<128xi32, #tpu.memory_space<vmem>>, %arg9: memref<128xi32, #tpu.memory_space<vmem>>, %arg10: memref<128xi32, #tpu.memory_space<vmem>>, %arg11: memref<128xi32, #tpu.memory_space<vmem>>, %arg12: memref<128xi32, #tpu.memory_space<vmem>>, %arg13: memref<128xi32, #tpu.memory_space<vmem>>, %arg14: memref<128x8xf32, #tpu.memory_space<vmem>>, %arg15: memref<128x8xf32, #tpu.memory_space<vmem>>, %arg16: memref<128x8xf32, #tpu.memory_space<vmem>>, %arg17: memref<128x8xf32, #tpu.memory_space<vmem>>, %arg18: memref<784x8xf32, #tpu.memory_space<vmem>>, %arg19: memref<784x8xf32, #tpu.memory_space<vmem>>, %arg20: memref<784x8xf32, #tpu.memory_space<vmem>>) attributes {dimension_semantics = [#tpu.dimension_semantics<core_parallel>, #tpu.dimension_semantics<subcore_parallel>], iteration_bounds = array<i64: 2, 16>, scalar_prefetch = 0 : i64, scratch_operands = 14 : i64, tpu.core_type = #tpu.core_type<sc_vector_subcore>, window_params = [{transform_indices = #map}, {transform_indices = #map1}, {transform_indices = #map1}, {transform_indices = #map2}, {transform_indices = #map}]} {
    %iota3A = tpu.iota {dimensions = array<i32: 0>} : vector<16xi32>
    %shift_right_logical3A = arith.constant 3 : i32
    %shift_right_logical3A_0 = vector.broadcast %shift_right_logical3A : i32 to vector<16xi32>
    %shift_right_logical3A_1 = arith.shrui %iota3A, %shift_right_logical3A_0 : vector<16xi32>
    %and3A = arith.constant 7 : i32
    %and3A_2 = vector.broadcast %and3A : i32 to vector<16xi32>
    %and3A_3 = arith.andi %iota3A, %and3A_2 : vector<16xi32>
    %and3A_4 = arith.constant 0 : i32
    %and3A_5 = vector.broadcast %and3A_4 : i32 to vector<16xi32>
    %and3A_6 = arith.andi %iota3A, %and3A_5 : vector<16xi32>
    %or3A = arith.constant 3 : i32
    %or3A_7 = vector.broadcast %or3A : i32 to vector<16xi32>
    %or3A_8 = arith.ori %and3A_6, %or3A_7 : vector<16xi32>
    %mul3A = arith.constant 2 : i32
    %mul3A_9 = arith.muli %arg0, %mul3A : i32
    %add3A = arith.constant 0 : i32
    %add3A_10 = arith.addi %mul3A_9, %add3A : i32
    "tpu.region"() ({
      %run_scoped3A = tpu.sem_alloc : memref<!tpu.dma_semaphore, #tpu.memory_space<semaphore_mem>>
      tpu.enqueue_dma source(%arg5 : memref<784x8xf32, #tpu.memory_space<hbm>>) target(%arg20 : memref<784x8xf32, #tpu.memory_space<vmem>>) target_semaphore(%run_scoped3A : memref<!tpu.dma_semaphore, #tpu.memory_space<semaphore_mem>>)
      tpu.wait_dma2 semaphore(%run_scoped3A : memref<!tpu.dma_semaphore, #tpu.memory_space<semaphore_mem>>) src(%arg5 : memref<784x8xf32, #tpu.memory_space<hbm>>) dst(%arg20 : memref<784x8xf32, #tpu.memory_space<vmem>>)
      tpu.yield
    }) : () -> ()
    %scan3A = arith.constant 0 : i32
    %scan3A_11 = arith.constant 8 : i32
    %scan3A_12 = arith.addi %scan3A, %scan3A_11 : i32
    %scan3A_13 = arith.constant 1 : i32
    scf.for %scan3A_52 = %scan3A to %scan3A_12 step %scan3A_13  : i32 {
      %mul3A_53 = arith.constant 1 : i32
      %mul3A_54 = arith.muli %scan3A_52, %mul3A_53 : i32
      %add3A_55 = arith.constant 0 : i32
      %add3A_56 = arith.addi %add3A_55, %mul3A_54 : i32
      %mul3A_57 = arith.constant 6272 : i32
      %mul3A_58 = arith.muli %arg1, %mul3A_57 : i32
      %mul3A_59 = arith.constant 784 : i32
      %mul3A_60 = arith.muli %add3A_56, %mul3A_59 : i32
      %add3A_61 = arith.addi %mul3A_58, %mul3A_60 : i32
      %mul3A_62 = arith.constant 6272 : i32
      %mul3A_63 = arith.muli %arg1, %mul3A_62 : i32
      %add3A_64 = arith.constant 100352 : i32
      %add3A_65 = arith.addi %add3A_64, %mul3A_63 : i32
      %mul3A_66 = arith.constant 784 : i32
      %mul3A_67 = arith.muli %add3A_56, %mul3A_66 : i32
      %add3A_68 = arith.addi %add3A_65, %mul3A_67 : i32
      "tpu.region"() ({
        %run_scoped3A = tpu.sem_alloc : memref<!tpu.dma_semaphore, #tpu.memory_space<semaphore_mem>>
        %dma_start3A = arith.constant 0 : i32
        %dma_start3A_69 = tpu.memref_slice %arg7[%add3A_68, %dma_start3A] : memref<200704x8xf32, #tpu.memory_space<vmem_shared>> -> memref<784x8xf32, #tpu.memory_space<vmem_shared>>
        %dma_start3A_70 = arith.constant 0 : i32
        %dma_start3A_71 = tpu.memref_slice %arg7[%add3A_68, %dma_start3A_70] : memref<200704x8xf32, #tpu.memory_space<vmem_shared>> -> memref<784x8xf32, #tpu.memory_space<vmem_shared>>
        tpu.enqueue_dma source(%arg20 : memref<784x8xf32, #tpu.memory_space<vmem>>) target(%dma_start3A_71 : memref<784x8xf32, #tpu.memory_space<vmem_shared>>) target_semaphore(%run_scoped3A : memref<!tpu.dma_semaphore, #tpu.memory_space<semaphore_mem>>)
        %dma_wait3A = arith.constant 0 : i32
        %dma_wait3A_72 = tpu.memref_slice %arg7[%add3A_68, %dma_wait3A] : memref<200704x8xf32, #tpu.memory_space<vmem_shared>> -> memref<784x8xf32, #tpu.memory_space<vmem_shared>>
        %dma_wait3A_73 = arith.constant 0 : i32
        %dma_wait3A_74 = tpu.memref_slice %arg7[%add3A_68, %dma_wait3A_73] : memref<200704x8xf32, #tpu.memory_space<vmem_shared>> -> memref<784x8xf32, #tpu.memory_space<vmem_shared>>
        tpu.wait_dma2 semaphore(%run_scoped3A : memref<!tpu.dma_semaphore, #tpu.memory_space<semaphore_mem>>) src(%arg20 : memref<784x8xf32, #tpu.memory_space<vmem>>) dst(%dma_wait3A_74 : memref<784x8xf32, #tpu.memory_space<vmem_shared>>)
        tpu.yield
      }) : () -> ()
      "tpu.region"() ({
        %run_scoped3A = tpu.sem_alloc : memref<!tpu.dma_semaphore, #tpu.memory_space<semaphore_mem>>
        %dma_start3A = arith.constant 0 : i32
        %dma_start3A_69 = tpu.memref_slice %arg2[%add3A_10, %add3A_61, %dma_start3A] : memref<4x100352x8xf32, #tpu.memory_space<hbm>> -> memref<1x784x8xf32, #tpu.memory_space<hbm>>
        %dma_start3A_70 = tpu.memref_squeeze %dma_start3A_69 : memref<1x784x8xf32, #tpu.memory_space<hbm>> -> memref<784x8xf32, #tpu.memory_space<hbm>>
        %dma_start3A_71 = arith.constant 0 : i32
        %dma_start3A_72 = tpu.memref_slice %arg2[%add3A_10, %add3A_61, %dma_start3A_71] : memref<4x100352x8xf32, #tpu.memory_space<hbm>> -> memref<1x784x8xf32, #tpu.memory_space<hbm>>
        %dma_start3A_73 = tpu.memref_squeeze %dma_start3A_72 : memref<1x784x8xf32, #tpu.memory_space<hbm>> -> memref<784x8xf32, #tpu.memory_space<hbm>>
        tpu.enqueue_dma source(%dma_start3A_73 : memref<784x8xf32, #tpu.memory_space<hbm>>) target(%arg18 : memref<784x8xf32, #tpu.memory_space<vmem>>) target_semaphore(%run_scoped3A : memref<!tpu.dma_semaphore, #tpu.memory_space<semaphore_mem>>)
        %dma_wait3A = arith.constant 0 : i32
        %dma_wait3A_74 = tpu.memref_slice %arg2[%add3A_10, %add3A_61, %dma_wait3A] : memref<4x100352x8xf32, #tpu.memory_space<hbm>> -> memref<1x784x8xf32, #tpu.memory_space<hbm>>
        %dma_wait3A_75 = tpu.memref_squeeze %dma_wait3A_74 : memref<1x784x8xf32, #tpu.memory_space<hbm>> -> memref<784x8xf32, #tpu.memory_space<hbm>>
        %dma_wait3A_76 = arith.constant 0 : i32
        %dma_wait3A_77 = tpu.memref_slice %arg2[%add3A_10, %add3A_61, %dma_wait3A_76] : memref<4x100352x8xf32, #tpu.memory_space<hbm>> -> memref<1x784x8xf32, #tpu.memory_space<hbm>>
        %dma_wait3A_78 = tpu.memref_squeeze %dma_wait3A_77 : memref<1x784x8xf32, #tpu.memory_space<hbm>> -> memref<784x8xf32, #tpu.memory_space<hbm>>
        tpu.wait_dma2 semaphore(%run_scoped3A : memref<!tpu.dma_semaphore, #tpu.memory_space<semaphore_mem>>) src(%dma_wait3A_78 : memref<784x8xf32, #tpu.memory_space<hbm>>) dst(%arg18 : memref<784x8xf32, #tpu.memory_space<vmem>>)
        tpu.yield
      }) : () -> ()
      "tpu.region"() ({
        %run_scoped3A = tpu.sem_alloc : memref<!tpu.dma_semaphore, #tpu.memory_space<semaphore_mem>>
        %dma_start3A = arith.constant 0 : i32
        %dma_start3A_69 = tpu.memref_slice %arg7[%add3A_61, %dma_start3A] : memref<200704x8xf32, #tpu.memory_space<vmem_shared>> -> memref<784x8xf32, #tpu.memory_space<vmem_shared>>
        %dma_start3A_70 = arith.constant 0 : i32
        %dma_start3A_71 = tpu.memref_slice %arg7[%add3A_61, %dma_start3A_70] : memref<200704x8xf32, #tpu.memory_space<vmem_shared>> -> memref<784x8xf32, #tpu.memory_space<vmem_shared>>
        tpu.enqueue_dma source(%arg18 : memref<784x8xf32, #tpu.memory_space<vmem>>) target(%dma_start3A_71 : memref<784x8xf32, #tpu.memory_space<vmem_shared>>) target_semaphore(%run_scoped3A : memref<!tpu.dma_semaphore, #tpu.memory_space<semaphore_mem>>)
        %dma_wait3A = arith.constant 0 : i32
        %dma_wait3A_72 = tpu.memref_slice %arg7[%add3A_61, %dma_wait3A] : memref<200704x8xf32, #tpu.memory_space<vmem_shared>> -> memref<784x8xf32, #tpu.memory_space<vmem_shared>>
        %dma_wait3A_73 = arith.constant 0 : i32
        %dma_wait3A_74 = tpu.memref_slice %arg7[%add3A_61, %dma_wait3A_73] : memref<200704x8xf32, #tpu.memory_space<vmem_shared>> -> memref<784x8xf32, #tpu.memory_space<vmem_shared>>
        tpu.wait_dma2 semaphore(%run_scoped3A : memref<!tpu.dma_semaphore, #tpu.memory_space<semaphore_mem>>) src(%arg18 : memref<784x8xf32, #tpu.memory_space<vmem>>) dst(%dma_wait3A_74 : memref<784x8xf32, #tpu.memory_space<vmem_shared>>)
        tpu.yield
      }) : () -> ()
    }
    %scan3A_14 = arith.constant 8 : i32
    %barrier3A = arith.constant 0 : index
    tpu.barrier barrier_id(%barrier3A)
    %mul3A_15 = arith.constant 12544 : i32
    %mul3A_16 = arith.muli %arg1, %mul3A_15 : i32
    %scan3A_17 = arith.constant 0 : i32
    %scan3A_18 = arith.constant 98 : i32
    %scan3A_19 = arith.addi %scan3A_17, %scan3A_18 : i32
    %scan3A_20 = arith.constant 1 : i32
    scf.for %scan3A_52 = %scan3A_17 to %scan3A_19 step %scan3A_20  : i32 {
      %mul3A_53 = arith.constant 1 : i32
      %mul3A_54 = arith.muli %scan3A_52, %mul3A_53 : i32
      %add3A_55 = arith.constant 0 : i32
      %add3A_56 = arith.addi %add3A_55, %mul3A_54 : i32
      %mul3A_57 = arith.constant 3 : i32
      %mul3A_58 = arith.muli %add3A_10, %mul3A_57 : i32
      %mul3A_59 = arith.constant 200704 : i32
      %mul3A_60 = arith.muli %mul3A_58, %mul3A_59 : i32
      %add3A_61 = arith.addi %mul3A_60, %mul3A_16 : i32
      %mul3A_62 = arith.constant 128 : i32
      %mul3A_63 = arith.muli %add3A_56, %mul3A_62 : i32
      %add3A_64 = arith.addi %add3A_61, %mul3A_63 : i32
      %add3A_65 = arith.constant 0 : i32
      %add3A_66 = arith.addi %add3A_64, %add3A_65 : i32
      "tpu.region"() ({
        %run_scoped3A = tpu.sem_alloc : memref<!tpu.dma_semaphore, #tpu.memory_space<semaphore_mem>>
        %dma_start3A = tpu.memref_slice %arg3[%add3A_66] : memref<2408448xi32, #tpu.memory_space<hbm>> -> memref<128xi32, #tpu.memory_space<hbm>>
        %dma_start3A_76 = tpu.memref_slice %arg3[%add3A_66] : memref<2408448xi32, #tpu.memory_space<hbm>> -> memref<128xi32, #tpu.memory_space<hbm>>
        tpu.enqueue_dma source(%dma_start3A_76 : memref<128xi32, #tpu.memory_space<hbm>>) target(%arg8 : memref<128xi32, #tpu.memory_space<vmem>>) target_semaphore(%run_scoped3A : memref<!tpu.dma_semaphore, #tpu.memory_space<semaphore_mem>>)
        %dma_wait3A = tpu.memref_slice %arg3[%add3A_66] : memref<2408448xi32, #tpu.memory_space<hbm>> -> memref<128xi32, #tpu.memory_space<hbm>>
        %dma_wait3A_77 = tpu.memref_slice %arg3[%add3A_66] : memref<2408448xi32, #tpu.memory_space<hbm>> -> memref<128xi32, #tpu.memory_space<hbm>>
        tpu.wait_dma2 semaphore(%run_scoped3A : memref<!tpu.dma_semaphore, #tpu.memory_space<semaphore_mem>>) src(%dma_wait3A_77 : memref<128xi32, #tpu.memory_space<hbm>>) dst(%arg8 : memref<128xi32, #tpu.memory_space<vmem>>)
        tpu.yield
      }) : () -> ()
      "tpu.region"() ({
        %run_scoped3A = tpu.sem_alloc : memref<!tpu.dma_semaphore, #tpu.memory_space<semaphore_mem>>
        %dma_start3A = tpu.memref_slice %arg4[%add3A_66] : memref<2408448xi32, #tpu.memory_space<hbm>> -> memref<128xi32, #tpu.memory_space<hbm>>
        %dma_start3A_76 = tpu.memref_slice %arg4[%add3A_66] : memref<2408448xi32, #tpu.memory_space<hbm>> -> memref<128xi32, #tpu.memory_space<hbm>>
        tpu.enqueue_dma source(%dma_start3A_76 : memref<128xi32, #tpu.memory_space<hbm>>) target(%arg11 : memref<128xi32, #tpu.memory_space<vmem>>) target_semaphore(%run_scoped3A : memref<!tpu.dma_semaphore, #tpu.memory_space<semaphore_mem>>)
        %dma_wait3A = tpu.memref_slice %arg4[%add3A_66] : memref<2408448xi32, #tpu.memory_space<hbm>> -> memref<128xi32, #tpu.memory_space<hbm>>
        %dma_wait3A_77 = tpu.memref_slice %arg4[%add3A_66] : memref<2408448xi32, #tpu.memory_space<hbm>> -> memref<128xi32, #tpu.memory_space<hbm>>
        tpu.wait_dma2 semaphore(%run_scoped3A : memref<!tpu.dma_semaphore, #tpu.memory_space<semaphore_mem>>) src(%dma_wait3A_77 : memref<128xi32, #tpu.memory_space<hbm>>) dst(%arg11 : memref<128xi32, #tpu.memory_space<vmem>>)
        tpu.yield
      }) : () -> ()
      %add3A_67 = arith.constant 200704 : i32
      %add3A_68 = arith.addi %add3A_64, %add3A_67 : i32
      "tpu.region"() ({
        %run_scoped3A = tpu.sem_alloc : memref<!tpu.dma_semaphore, #tpu.memory_space<semaphore_mem>>
        %dma_start3A = tpu.memref_slice %arg3[%add3A_68] : memref<2408448xi32, #tpu.memory_space<hbm>> -> memref<128xi32, #tpu.memory_space<hbm>>
        %dma_start3A_76 = tpu.memref_slice %arg3[%add3A_68] : memref<2408448xi32, #tpu.memory_space<hbm>> -> memref<128xi32, #tpu.memory_space<hbm>>
        tpu.enqueue_dma source(%dma_start3A_76 : memref<128xi32, #tpu.memory_space<hbm>>) target(%arg9 : memref<128xi32, #tpu.memory_space<vmem>>) target_semaphore(%run_scoped3A : memref<!tpu.dma_semaphore, #tpu.memory_space<semaphore_mem>>)
        %dma_wait3A = tpu.memref_slice %arg3[%add3A_68] : memref<2408448xi32, #tpu.memory_space<hbm>> -> memref<128xi32, #tpu.memory_space<hbm>>
        %dma_wait3A_77 = tpu.memref_slice %arg3[%add3A_68] : memref<2408448xi32, #tpu.memory_space<hbm>> -> memref<128xi32, #tpu.memory_space<hbm>>
        tpu.wait_dma2 semaphore(%run_scoped3A : memref<!tpu.dma_semaphore, #tpu.memory_space<semaphore_mem>>) src(%dma_wait3A_77 : memref<128xi32, #tpu.memory_space<hbm>>) dst(%arg9 : memref<128xi32, #tpu.memory_space<vmem>>)
        tpu.yield
      }) : () -> ()
      "tpu.region"() ({
        %run_scoped3A = tpu.sem_alloc : memref<!tpu.dma_semaphore, #tpu.memory_space<semaphore_mem>>
        %dma_start3A = tpu.memref_slice %arg4[%add3A_68] : memref<2408448xi32, #tpu.memory_space<hbm>> -> memref<128xi32, #tpu.memory_space<hbm>>
        %dma_start3A_76 = tpu.memref_slice %arg4[%add3A_68] : memref<2408448xi32, #tpu.memory_space<hbm>> -> memref<128xi32, #tpu.memory_space<hbm>>
        tpu.enqueue_dma source(%dma_start3A_76 : memref<128xi32, #tpu.memory_space<hbm>>) target(%arg12 : memref<128xi32, #tpu.memory_space<vmem>>) target_semaphore(%run_scoped3A : memref<!tpu.dma_semaphore, #tpu.memory_space<semaphore_mem>>)
        %dma_wait3A = tpu.memref_slice %arg4[%add3A_68] : memref<2408448xi32, #tpu.memory_space<hbm>> -> memref<128xi32, #tpu.memory_space<hbm>>
        %dma_wait3A_77 = tpu.memref_slice %arg4[%add3A_68] : memref<2408448xi32, #tpu.memory_space<hbm>> -> memref<128xi32, #tpu.memory_space<hbm>>
        tpu.wait_dma2 semaphore(%run_scoped3A : memref<!tpu.dma_semaphore, #tpu.memory_space<semaphore_mem>>) src(%dma_wait3A_77 : memref<128xi32, #tpu.memory_space<hbm>>) dst(%arg12 : memref<128xi32, #tpu.memory_space<vmem>>)
        tpu.yield
      }) : () -> ()
      %add3A_69 = arith.constant 401408 : i32
      %add3A_70 = arith.addi %add3A_64, %add3A_69 : i32
      "tpu.region"() ({
        %run_scoped3A = tpu.sem_alloc : memref<!tpu.dma_semaphore, #tpu.memory_space<semaphore_mem>>
        %dma_start3A = tpu.memref_slice %arg3[%add3A_70] : memref<2408448xi32, #tpu.memory_space<hbm>> -> memref<128xi32, #tpu.memory_space<hbm>>
        %dma_start3A_76 = tpu.memref_slice %arg3[%add3A_70] : memref<2408448xi32, #tpu.memory_space<hbm>> -> memref<128xi32, #tpu.memory_space<hbm>>
        tpu.enqueue_dma source(%dma_start3A_76 : memref<128xi32, #tpu.memory_space<hbm>>) target(%arg10 : memref<128xi32, #tpu.memory_space<vmem>>) target_semaphore(%run_scoped3A : memref<!tpu.dma_semaphore, #tpu.memory_space<semaphore_mem>>)
        %dma_wait3A = tpu.memref_slice %arg3[%add3A_70] : memref<2408448xi32, #tpu.memory_space<hbm>> -> memref<128xi32, #tpu.memory_space<hbm>>
        %dma_wait3A_77 = tpu.memref_slice %arg3[%add3A_70] : memref<2408448xi32, #tpu.memory_space<hbm>> -> memref<128xi32, #tpu.memory_space<hbm>>
        tpu.wait_dma2 semaphore(%run_scoped3A : memref<!tpu.dma_semaphore, #tpu.memory_space<semaphore_mem>>) src(%dma_wait3A_77 : memref<128xi32, #tpu.memory_space<hbm>>) dst(%arg10 : memref<128xi32, #tpu.memory_space<vmem>>)
        tpu.yield
      }) : () -> ()
      "tpu.region"() ({
        %run_scoped3A = tpu.sem_alloc : memref<!tpu.dma_semaphore, #tpu.memory_space<semaphore_mem>>
        %dma_start3A = tpu.memref_slice %arg4[%add3A_70] : memref<2408448xi32, #tpu.memory_space<hbm>> -> memref<128xi32, #tpu.memory_space<hbm>>
        %dma_start3A_76 = tpu.memref_slice %arg4[%add3A_70] : memref<2408448xi32, #tpu.memory_space<hbm>> -> memref<128xi32, #tpu.memory_space<hbm>>
        tpu.enqueue_dma source(%dma_start3A_76 : memref<128xi32, #tpu.memory_space<hbm>>) target(%arg13 : memref<128xi32, #tpu.memory_space<vmem>>) target_semaphore(%run_scoped3A : memref<!tpu.dma_semaphore, #tpu.memory_space<semaphore_mem>>)
        %dma_wait3A = tpu.memref_slice %arg4[%add3A_70] : memref<2408448xi32, #tpu.memory_space<hbm>> -> memref<128xi32, #tpu.memory_space<hbm>>
        %dma_wait3A_77 = tpu.memref_slice %arg4[%add3A_70] : memref<2408448xi32, #tpu.memory_space<hbm>> -> memref<128xi32, #tpu.memory_space<hbm>>
        tpu.wait_dma2 semaphore(%run_scoped3A : memref<!tpu.dma_semaphore, #tpu.memory_space<semaphore_mem>>) src(%dma_wait3A_77 : memref<128xi32, #tpu.memory_space<hbm>>) dst(%arg13 : memref<128xi32, #tpu.memory_space<vmem>>)
        tpu.yield
      }) : () -> ()
      "tpu.region"() ({
        %run_scoped3A = tpu.sem_alloc : memref<!tpu.dma_semaphore, #tpu.memory_space<semaphore_mem>>
        %dma_start3A = arith.constant 0 : i32
        %dma_start3A_76 = arith.constant 0 : i32
        %dma_start3A_77 = tpu.memref_slice %arg7[%dma_start3A, %dma_start3A_76] : memref<200704x8xf32, #tpu.memory_space<vmem_shared>> -> memref<200704x8xf32, #tpu.memory_space<vmem_shared>>
        tpu.enqueue_indirect_dma source(%dma_start3A_77 : memref<200704x8xf32, #tpu.memory_space<vmem_shared>>) target(%arg14 : memref<128x8xf32, #tpu.memory_space<vmem>>) offsets(%arg8 : memref<128xi32, #tpu.memory_space<vmem>>) semaphore(%run_scoped3A : memref<!tpu.dma_semaphore, #tpu.memory_space<semaphore_mem>>)
        %dma_wait3A = arith.constant 0 : i32
        %dma_wait3A_78 = arith.constant 0 : i32
        %dma_wait3A_79 = tpu.memref_slice %arg7[%dma_wait3A, %dma_wait3A_78] : memref<200704x8xf32, #tpu.memory_space<vmem_shared>> -> memref<200704x8xf32, #tpu.memory_space<vmem_shared>>
        tpu.wait_indirect_dma semaphore(%run_scoped3A : memref<!tpu.dma_semaphore, #tpu.memory_space<semaphore_mem>>) src(%dma_wait3A_79 : memref<200704x8xf32, #tpu.memory_space<vmem_shared>>) dst(%arg14 : memref<128x8xf32, #tpu.memory_space<vmem>>)
        tpu.yield
      }) : () -> ()
      "tpu.region"() ({
        %run_scoped3A = tpu.sem_alloc : memref<!tpu.dma_semaphore, #tpu.memory_space<semaphore_mem>>
        %dma_start3A = arith.constant 0 : i32
        %dma_start3A_76 = arith.constant 0 : i32
        %dma_start3A_77 = tpu.memref_slice %arg7[%dma_start3A, %dma_start3A_76] : memref<200704x8xf32, #tpu.memory_space<vmem_shared>> -> memref<200704x8xf32, #tpu.memory_space<vmem_shared>>
        tpu.enqueue_indirect_dma source(%dma_start3A_77 : memref<200704x8xf32, #tpu.memory_space<vmem_shared>>) target(%arg15 : memref<128x8xf32, #tpu.memory_space<vmem>>) offsets(%arg9 : memref<128xi32, #tpu.memory_space<vmem>>) semaphore(%run_scoped3A : memref<!tpu.dma_semaphore, #tpu.memory_space<semaphore_mem>>)
        %dma_wait3A = arith.constant 0 : i32
        %dma_wait3A_78 = arith.constant 0 : i32
        %dma_wait3A_79 = tpu.memref_slice %arg7[%dma_wait3A, %dma_wait3A_78] : memref<200704x8xf32, #tpu.memory_space<vmem_shared>> -> memref<200704x8xf32, #tpu.memory_space<vmem_shared>>
        tpu.wait_indirect_dma semaphore(%run_scoped3A : memref<!tpu.dma_semaphore, #tpu.memory_space<semaphore_mem>>) src(%dma_wait3A_79 : memref<200704x8xf32, #tpu.memory_space<vmem_shared>>) dst(%arg15 : memref<128x8xf32, #tpu.memory_space<vmem>>)
        tpu.yield
      }) : () -> ()
      "tpu.region"() ({
        %run_scoped3A = tpu.sem_alloc : memref<!tpu.dma_semaphore, #tpu.memory_space<semaphore_mem>>
        %dma_start3A = arith.constant 0 : i32
        %dma_start3A_76 = arith.constant 0 : i32
        %dma_start3A_77 = tpu.memref_slice %arg7[%dma_start3A, %dma_start3A_76] : memref<200704x8xf32, #tpu.memory_space<vmem_shared>> -> memref<200704x8xf32, #tpu.memory_space<vmem_shared>>
        tpu.enqueue_indirect_dma source(%dma_start3A_77 : memref<200704x8xf32, #tpu.memory_space<vmem_shared>>) target(%arg16 : memref<128x8xf32, #tpu.memory_space<vmem>>) offsets(%arg10 : memref<128xi32, #tpu.memory_space<vmem>>) semaphore(%run_scoped3A : memref<!tpu.dma_semaphore, #tpu.memory_space<semaphore_mem>>)
        %dma_wait3A = arith.constant 0 : i32
        %dma_wait3A_78 = arith.constant 0 : i32
        %dma_wait3A_79 = tpu.memref_slice %arg7[%dma_wait3A, %dma_wait3A_78] : memref<200704x8xf32, #tpu.memory_space<vmem_shared>> -> memref<200704x8xf32, #tpu.memory_space<vmem_shared>>
        tpu.wait_indirect_dma semaphore(%run_scoped3A : memref<!tpu.dma_semaphore, #tpu.memory_space<semaphore_mem>>) src(%dma_wait3A_79 : memref<200704x8xf32, #tpu.memory_space<vmem_shared>>) dst(%arg16 : memref<128x8xf32, #tpu.memory_space<vmem>>)
        tpu.yield
      }) : () -> ()
      %scan3A_71 = arith.constant 0 : i32
      %scan3A_72 = arith.constant 64 : i32
      %scan3A_73 = arith.addi %scan3A_71, %scan3A_72 : i32
      %scan3A_74 = arith.constant 8 : i32
      scf.for %scan3A_76 = %scan3A_71 to %scan3A_73 step %scan3A_74  : i32 {
        %mul3A_77 = arith.constant 1 : i32
        %mul3A_78 = arith.muli %scan3A_76, %mul3A_77 : i32
        %add3A_79 = arith.constant 0 : i32
        %add3A_80 = arith.addi %add3A_79, %mul3A_78 : i32
        %mul3A_81 = arith.constant 2 : i32
        %mul3A_82 = arith.muli %add3A_80, %mul3A_81 : i32
        %add3A_83 = vector.broadcast %mul3A_82 : i32 to vector<16xi32>
        %add3A_84 = arith.addi %add3A_83, %shift_right_logical3A_1 : vector<16xi32>
        %gather3A = tpu.vector_load_idx %arg14[%add3A_84, %and3A_3] : memref<128x8xf32, #tpu.memory_space<vmem>>[vector<16xi32>, vector<16xi32>], vector<16xf32>,
        %gather3A_85 = tpu.vector_load_idx %arg15[%add3A_84, %and3A_3] : memref<128x8xf32, #tpu.memory_space<vmem>>[vector<16xi32>, vector<16xi32>], vector<16xf32>,
        %gather3A_86 = tpu.vector_load_idx %arg16[%add3A_84, %and3A_3] : memref<128x8xf32, #tpu.memory_space<vmem>>[vector<16xi32>, vector<16xi32>], vector<16xf32>,
        %add3A_87 = arith.addf %gather3A, %gather3A_85 : vector<16xf32>
        %add3A_88 = arith.addf %add3A_87, %gather3A_86 : vector<16xf32>
        tpu.vector_store_idx %arg17[%add3A_84, %and3A_3], %add3A_88 : memref<128x8xf32, #tpu.memory_space<vmem>>[vector<16xi32>, vector<16xi32>], vector<16xf32>,
        %scan3A_89 = arith.constant 1 : i32
        %scan3A_90 = arith.addi %scan3A_76, %scan3A_89 : i32
        %mul3A_91 = arith.constant 1 : i32
        %mul3A_92 = arith.muli %scan3A_90, %mul3A_91 : i32
        %add3A_93 = arith.constant 0 : i32
        %add3A_94 = arith.addi %add3A_93, %mul3A_92 : i32
        %mul3A_95 = arith.constant 2 : i32
        %mul3A_96 = arith.muli %add3A_94, %mul3A_95 : i32
        %add3A_97 = vector.broadcast %mul3A_96 : i32 to vector<16xi32>
        %add3A_98 = arith.addi %add3A_97, %shift_right_logical3A_1 : vector<16xi32>
        %gather3A_99 = tpu.vector_load_idx %arg14[%add3A_98, %and3A_3] : memref<128x8xf32, #tpu.memory_space<vmem>>[vector<16xi32>, vector<16xi32>], vector<16xf32>,
        %gather3A_100 = tpu.vector_load_idx %arg15[%add3A_98, %and3A_3] : memref<128x8xf32, #tpu.memory_space<vmem>>[vector<16xi32>, vector<16xi32>], vector<16xf32>,
        %gather3A_101 = tpu.vector_load_idx %arg16[%add3A_98, %and3A_3] : memref<128x8xf32, #tpu.memory_space<vmem>>[vector<16xi32>, vector<16xi32>], vector<16xf32>,
        %add3A_102 = arith.addf %gather3A_99, %gather3A_100 : vector<16xf32>
        %add3A_103 = arith.addf %add3A_102, %gather3A_101 : vector<16xf32>
        tpu.vector_store_idx %arg17[%add3A_98, %and3A_3], %add3A_103 : memref<128x8xf32, #tpu.memory_space<vmem>>[vector<16xi32>, vector<16xi32>], vector<16xf32>,
        %scan3A_104 = arith.constant 2 : i32
        %scan3A_105 = arith.addi %scan3A_76, %scan3A_104 : i32
        %mul3A_106 = arith.constant 1 : i32
        %mul3A_107 = arith.muli %scan3A_105, %mul3A_106 : i32
        %add3A_108 = arith.constant 0 : i32
        %add3A_109 = arith.addi %add3A_108, %mul3A_107 : i32
        %mul3A_110 = arith.constant 2 : i32
        %mul3A_111 = arith.muli %add3A_109, %mul3A_110 : i32
        %add3A_112 = vector.broadcast %mul3A_111 : i32 to vector<16xi32>
        %add3A_113 = arith.addi %add3A_112, %shift_right_logical3A_1 : vector<16xi32>
        %gather3A_114 = tpu.vector_load_idx %arg14[%add3A_113, %and3A_3] : memref<128x8xf32, #tpu.memory_space<vmem>>[vector<16xi32>, vector<16xi32>], vector<16xf32>,
        %gather3A_115 = tpu.vector_load_idx %arg15[%add3A_113, %and3A_3] : memref<128x8xf32, #tpu.memory_space<vmem>>[vector<16xi32>, vector<16xi32>], vector<16xf32>,
        %gather3A_116 = tpu.vector_load_idx %arg16[%add3A_113, %and3A_3] : memref<128x8xf32, #tpu.memory_space<vmem>>[vector<16xi32>, vector<16xi32>], vector<16xf32>,
        %add3A_117 = arith.addf %gather3A_114, %gather3A_115 : vector<16xf32>
        %add3A_118 = arith.addf %add3A_117, %gather3A_116 : vector<16xf32>
        tpu.vector_store_idx %arg17[%add3A_113, %and3A_3], %add3A_118 : memref<128x8xf32, #tpu.memory_space<vmem>>[vector<16xi32>, vector<16xi32>], vector<16xf32>,
        %scan3A_119 = arith.constant 3 : i32
        %scan3A_120 = arith.addi %scan3A_76, %scan3A_119 : i32
        %mul3A_121 = arith.constant 1 : i32
        %mul3A_122 = arith.muli %scan3A_120, %mul3A_121 : i32
        %add3A_123 = arith.constant 0 : i32
        %add3A_124 = arith.addi %add3A_123, %mul3A_122 : i32
        %mul3A_125 = arith.constant 2 : i32
        %mul3A_126 = arith.muli %add3A_124, %mul3A_125 : i32
        %add3A_127 = vector.broadcast %mul3A_126 : i32 to vector<16xi32>
        %add3A_128 = arith.addi %add3A_127, %shift_right_logical3A_1 : vector<16xi32>
        %gather3A_129 = tpu.vector_load_idx %arg14[%add3A_128, %and3A_3] : memref<128x8xf32, #tpu.memory_space<vmem>>[vector<16xi32>, vector<16xi32>], vector<16xf32>,
        %gather3A_130 = tpu.vector_load_idx %arg15[%add3A_128, %and3A_3] : memref<128x8xf32, #tpu.memory_space<vmem>>[vector<16xi32>, vector<16xi32>], vector<16xf32>,
        %gather3A_131 = tpu.vector_load_idx %arg16[%add3A_128, %and3A_3] : memref<128x8xf32, #tpu.memory_space<vmem>>[vector<16xi32>, vector<16xi32>], vector<16xf32>,
        %add3A_132 = arith.addf %gather3A_129, %gather3A_130 : vector<16xf32>
        %add3A_133 = arith.addf %add3A_132, %gather3A_131 : vector<16xf32>
        tpu.vector_store_idx %arg17[%add3A_128, %and3A_3], %add3A_133 : memref<128x8xf32, #tpu.memory_space<vmem>>[vector<16xi32>, vector<16xi32>], vector<16xf32>,
        %scan3A_134 = arith.constant 4 : i32
        %scan3A_135 = arith.addi %scan3A_76, %scan3A_134 : i32
        %mul3A_136 = arith.constant 1 : i32
        %mul3A_137 = arith.muli %scan3A_135, %mul3A_136 : i32
        %add3A_138 = arith.constant 0 : i32
        %add3A_139 = arith.addi %add3A_138, %mul3A_137 : i32
        %mul3A_140 = arith.constant 2 : i32
        %mul3A_141 = arith.muli %add3A_139, %mul3A_140 : i32
        %add3A_142 = vector.broadcast %mul3A_141 : i32 to vector<16xi32>
        %add3A_143 = arith.addi %add3A_142, %shift_right_logical3A_1 : vector<16xi32>
        %gather3A_144 = tpu.vector_load_idx %arg14[%add3A_143, %and3A_3] : memref<128x8xf32, #tpu.memory_space<vmem>>[vector<16xi32>, vector<16xi32>], vector<16xf32>,
        %gather3A_145 = tpu.vector_load_idx %arg15[%add3A_143, %and3A_3] : memref<128x8xf32, #tpu.memory_space<vmem>>[vector<16xi32>, vector<16xi32>], vector<16xf32>,
        %gather3A_146 = tpu.vector_load_idx %arg16[%add3A_143, %and3A_3] : memref<128x8xf32, #tpu.memory_space<vmem>>[vector<16xi32>, vector<16xi32>], vector<16xf32>,
        %add3A_147 = arith.addf %gather3A_144, %gather3A_145 : vector<16xf32>
        %add3A_148 = arith.addf %add3A_147, %gather3A_146 : vector<16xf32>
        tpu.vector_store_idx %arg17[%add3A_143, %and3A_3], %add3A_148 : memref<128x8xf32, #tpu.memory_space<vmem>>[vector<16xi32>, vector<16xi32>], vector<16xf32>,
        %scan3A_149 = arith.constant 5 : i32
        %scan3A_150 = arith.addi %scan3A_76, %scan3A_149 : i32
        %mul3A_151 = arith.constant 1 : i32
        %mul3A_152 = arith.muli %scan3A_150, %mul3A_151 : i32
        %add3A_153 = arith.constant 0 : i32
        %add3A_154 = arith.addi %add3A_153, %mul3A_152 : i32
        %mul3A_155 = arith.constant 2 : i32
        %mul3A_156 = arith.muli %add3A_154, %mul3A_155 : i32
        %add3A_157 = vector.broadcast %mul3A_156 : i32 to vector<16xi32>
        %add3A_158 = arith.addi %add3A_157, %shift_right_logical3A_1 : vector<16xi32>
        %gather3A_159 = tpu.vector_load_idx %arg14[%add3A_158, %and3A_3] : memref<128x8xf32, #tpu.memory_space<vmem>>[vector<16xi32>, vector<16xi32>], vector<16xf32>,
        %gather3A_160 = tpu.vector_load_idx %arg15[%add3A_158, %and3A_3] : memref<128x8xf32, #tpu.memory_space<vmem>>[vector<16xi32>, vector<16xi32>], vector<16xf32>,
        %gather3A_161 = tpu.vector_load_idx %arg16[%add3A_158, %and3A_3] : memref<128x8xf32, #tpu.memory_space<vmem>>[vector<16xi32>, vector<16xi32>], vector<16xf32>,
        %add3A_162 = arith.addf %gather3A_159, %gather3A_160 : vector<16xf32>
        %add3A_163 = arith.addf %add3A_162, %gather3A_161 : vector<16xf32>
        tpu.vector_store_idx %arg17[%add3A_158, %and3A_3], %add3A_163 : memref<128x8xf32, #tpu.memory_space<vmem>>[vector<16xi32>, vector<16xi32>], vector<16xf32>,
        %scan3A_164 = arith.constant 6 : i32
        %scan3A_165 = arith.addi %scan3A_76, %scan3A_164 : i32
        %mul3A_166 = arith.constant 1 : i32
        %mul3A_167 = arith.muli %scan3A_165, %mul3A_166 : i32
        %add3A_168 = arith.constant 0 : i32
        %add3A_169 = arith.addi %add3A_168, %mul3A_167 : i32
        %mul3A_170 = arith.constant 2 : i32
        %mul3A_171 = arith.muli %add3A_169, %mul3A_170 : i32
        %add3A_172 = vector.broadcast %mul3A_171 : i32 to vector<16xi32>
        %add3A_173 = arith.addi %add3A_172, %shift_right_logical3A_1 : vector<16xi32>
        %gather3A_174 = tpu.vector_load_idx %arg14[%add3A_173, %and3A_3] : memref<128x8xf32, #tpu.memory_space<vmem>>[vector<16xi32>, vector<16xi32>], vector<16xf32>,
        %gather3A_175 = tpu.vector_load_idx %arg15[%add3A_173, %and3A_3] : memref<128x8xf32, #tpu.memory_space<vmem>>[vector<16xi32>, vector<16xi32>], vector<16xf32>,
        %gather3A_176 = tpu.vector_load_idx %arg16[%add3A_173, %and3A_3] : memref<128x8xf32, #tpu.memory_space<vmem>>[vector<16xi32>, vector<16xi32>], vector<16xf32>,
        %add3A_177 = arith.addf %gather3A_174, %gather3A_175 : vector<16xf32>
        %add3A_178 = arith.addf %add3A_177, %gather3A_176 : vector<16xf32>
        tpu.vector_store_idx %arg17[%add3A_173, %and3A_3], %add3A_178 : memref<128x8xf32, #tpu.memory_space<vmem>>[vector<16xi32>, vector<16xi32>], vector<16xf32>,
        %scan3A_179 = arith.constant 7 : i32
        %scan3A_180 = arith.addi %scan3A_76, %scan3A_179 : i32
        %mul3A_181 = arith.constant 1 : i32
        %mul3A_182 = arith.muli %scan3A_180, %mul3A_181 : i32
        %add3A_183 = arith.constant 0 : i32
        %add3A_184 = arith.addi %add3A_183, %mul3A_182 : i32
        %mul3A_185 = arith.constant 2 : i32
        %mul3A_186 = arith.muli %add3A_184, %mul3A_185 : i32
        %add3A_187 = vector.broadcast %mul3A_186 : i32 to vector<16xi32>
        %add3A_188 = arith.addi %add3A_187, %shift_right_logical3A_1 : vector<16xi32>
        %gather3A_189 = tpu.vector_load_idx %arg14[%add3A_188, %and3A_3] : memref<128x8xf32, #tpu.memory_space<vmem>>[vector<16xi32>, vector<16xi32>], vector<16xf32>,
        %gather3A_190 = tpu.vector_load_idx %arg15[%add3A_188, %and3A_3] : memref<128x8xf32, #tpu.memory_space<vmem>>[vector<16xi32>, vector<16xi32>], vector<16xf32>,
        %gather3A_191 = tpu.vector_load_idx %arg16[%add3A_188, %and3A_3] : memref<128x8xf32, #tpu.memory_space<vmem>>[vector<16xi32>, vector<16xi32>], vector<16xf32>,
        %add3A_192 = arith.addf %gather3A_189, %gather3A_190 : vector<16xf32>
        %add3A_193 = arith.addf %add3A_192, %gather3A_191 : vector<16xf32>
        tpu.vector_store_idx %arg17[%add3A_188, %and3A_3], %add3A_193 : memref<128x8xf32, #tpu.memory_space<vmem>>[vector<16xi32>, vector<16xi32>], vector<16xf32>,
      }
      %scan3A_75 = arith.constant 64 : i32
      "tpu.region"() ({
        %run_scoped3A = tpu.sem_alloc : memref<!tpu.dma_semaphore, #tpu.memory_space<semaphore_mem>>
        %dma_start3A = arith.constant 0 : i32
        %dma_start3A_76 = arith.constant 0 : i32
        %dma_start3A_77 = tpu.memref_slice %arg7[%dma_start3A, %dma_start3A_76] : memref<200704x8xf32, #tpu.memory_space<vmem_shared>> -> memref<200704x8xf32, #tpu.memory_space<vmem_shared>>
        tpu.enqueue_indirect_dma source(%arg17 : memref<128x8xf32, #tpu.memory_space<vmem>>) target(%dma_start3A_77 : memref<200704x8xf32, #tpu.memory_space<vmem_shared>>) offsets(%arg11 : memref<128xi32, #tpu.memory_space<vmem>>) semaphore(%run_scoped3A : memref<!tpu.dma_semaphore, #tpu.memory_space<semaphore_mem>>) {add = true}
        %dma_wait3A = arith.constant 0 : i32
        %dma_wait3A_78 = arith.constant 0 : i32
        %dma_wait3A_79 = tpu.memref_slice %arg7[%dma_wait3A, %dma_wait3A_78] : memref<200704x8xf32, #tpu.memory_space<vmem_shared>> -> memref<200704x8xf32, #tpu.memory_space<vmem_shared>>
        tpu.wait_indirect_dma semaphore(%run_scoped3A : memref<!tpu.dma_semaphore, #tpu.memory_space<semaphore_mem>>) src(%arg17 : memref<128x8xf32, #tpu.memory_space<vmem>>) dst(%dma_wait3A_79 : memref<200704x8xf32, #tpu.memory_space<vmem_shared>>)
        tpu.yield
      }) : () -> ()
      "tpu.region"() ({
        %run_scoped3A = tpu.sem_alloc : memref<!tpu.dma_semaphore, #tpu.memory_space<semaphore_mem>>
        %dma_start3A = arith.constant 0 : i32
        %dma_start3A_76 = arith.constant 0 : i32
        %dma_start3A_77 = tpu.memref_slice %arg7[%dma_start3A, %dma_start3A_76] : memref<200704x8xf32, #tpu.memory_space<vmem_shared>> -> memref<200704x8xf32, #tpu.memory_space<vmem_shared>>
        tpu.enqueue_indirect_dma source(%arg17 : memref<128x8xf32, #tpu.memory_space<vmem>>) target(%dma_start3A_77 : memref<200704x8xf32, #tpu.memory_space<vmem_shared>>) offsets(%arg12 : memref<128xi32, #tpu.memory_space<vmem>>) semaphore(%run_scoped3A : memref<!tpu.dma_semaphore, #tpu.memory_space<semaphore_mem>>) {add = true}
        %dma_wait3A = arith.constant 0 : i32
        %dma_wait3A_78 = arith.constant 0 : i32
        %dma_wait3A_79 = tpu.memref_slice %arg7[%dma_wait3A, %dma_wait3A_78] : memref<200704x8xf32, #tpu.memory_space<vmem_shared>> -> memref<200704x8xf32, #tpu.memory_space<vmem_shared>>
        tpu.wait_indirect_dma semaphore(%run_scoped3A : memref<!tpu.dma_semaphore, #tpu.memory_space<semaphore_mem>>) src(%arg17 : memref<128x8xf32, #tpu.memory_space<vmem>>) dst(%dma_wait3A_79 : memref<200704x8xf32, #tpu.memory_space<vmem_shared>>)
        tpu.yield
      }) : () -> ()
      "tpu.region"() ({
        %run_scoped3A = tpu.sem_alloc : memref<!tpu.dma_semaphore, #tpu.memory_space<semaphore_mem>>
        %dma_start3A = arith.constant 0 : i32
        %dma_start3A_76 = arith.constant 0 : i32
        %dma_start3A_77 = tpu.memref_slice %arg7[%dma_start3A, %dma_start3A_76] : memref<200704x8xf32, #tpu.memory_space<vmem_shared>> -> memref<200704x8xf32, #tpu.memory_space<vmem_shared>>
        tpu.enqueue_indirect_dma source(%arg17 : memref<128x8xf32, #tpu.memory_space<vmem>>) target(%dma_start3A_77 : memref<200704x8xf32, #tpu.memory_space<vmem_shared>>) offsets(%arg13 : memref<128xi32, #tpu.memory_space<vmem>>) semaphore(%run_scoped3A : memref<!tpu.dma_semaphore, #tpu.memory_space<semaphore_mem>>) {add = true}
        %dma_wait3A = arith.constant 0 : i32
        %dma_wait3A_78 = arith.constant 0 : i32
        %dma_wait3A_79 = tpu.memref_slice %arg7[%dma_wait3A, %dma_wait3A_78] : memref<200704x8xf32, #tpu.memory_space<vmem_shared>> -> memref<200704x8xf32, #tpu.memory_space<vmem_shared>>
        tpu.wait_indirect_dma semaphore(%run_scoped3A : memref<!tpu.dma_semaphore, #tpu.memory_space<semaphore_mem>>) src(%arg17 : memref<128x8xf32, #tpu.memory_space<vmem>>) dst(%dma_wait3A_79 : memref<200704x8xf32, #tpu.memory_space<vmem_shared>>)
        tpu.yield
      }) : () -> ()
    }
    %scan3A_21 = arith.constant 98 : i32
    %barrier3A_22 = arith.constant 0 : index
    tpu.barrier barrier_id(%barrier3A_22)
    %scan3A_23 = arith.constant 0 : i32
    %scan3A_24 = arith.constant 8 : i32
    %scan3A_25 = arith.addi %scan3A_23, %scan3A_24 : i32
    %scan3A_26 = arith.constant 1 : i32
    scf.for %scan3A_52 = %scan3A_23 to %scan3A_25 step %scan3A_26  : i32 {
      %mul3A_53 = arith.constant 1 : i32
      %mul3A_54 = arith.muli %scan3A_52, %mul3A_53 : i32
      %add3A_55 = arith.constant 0 : i32
      %add3A_56 = arith.addi %add3A_55, %mul3A_54 : i32
      %mul3A_57 = arith.constant 6272 : i32
      %mul3A_58 = arith.muli %arg1, %mul3A_57 : i32
      %mul3A_59 = arith.constant 784 : i32
      %mul3A_60 = arith.muli %add3A_56, %mul3A_59 : i32
      %add3A_61 = arith.addi %mul3A_58, %mul3A_60 : i32
      %mul3A_62 = arith.constant 6272 : i32
      %mul3A_63 = arith.muli %arg1, %mul3A_62 : i32
      %add3A_64 = arith.constant 100352 : i32
      %add3A_65 = arith.addi %add3A_64, %mul3A_63 : i32
      %mul3A_66 = arith.constant 784 : i32
      %mul3A_67 = arith.muli %add3A_56, %mul3A_66 : i32
      %add3A_68 = arith.addi %add3A_65, %mul3A_67 : i32
      "tpu.region"() ({
        %run_scoped3A = tpu.sem_alloc : memref<!tpu.dma_semaphore, #tpu.memory_space<semaphore_mem>>
        %dma_start3A = arith.constant 0 : i32
        %dma_start3A_74 = tpu.memref_slice %arg7[%add3A_68, %dma_start3A] : memref<200704x8xf32, #tpu.memory_space<vmem_shared>> -> memref<784x8xf32, #tpu.memory_space<vmem_shared>>
        %dma_start3A_75 = arith.constant 0 : i32
        %dma_start3A_76 = tpu.memref_slice %arg7[%add3A_68, %dma_start3A_75] : memref<200704x8xf32, #tpu.memory_space<vmem_shared>> -> memref<784x8xf32, #tpu.memory_space<vmem_shared>>
        tpu.enqueue_dma source(%dma_start3A_76 : memref<784x8xf32, #tpu.memory_space<vmem_shared>>) target(%arg19 : memref<784x8xf32, #tpu.memory_space<vmem>>) target_semaphore(%run_scoped3A : memref<!tpu.dma_semaphore, #tpu.memory_space<semaphore_mem>>)
        %dma_wait3A = arith.constant 0 : i32
        %dma_wait3A_77 = tpu.memref_slice %arg7[%add3A_68, %dma_wait3A] : memref<200704x8xf32, #tpu.memory_space<vmem_shared>> -> memref<784x8xf32, #tpu.memory_space<vmem_shared>>
        %dma_wait3A_78 = arith.constant 0 : i32
        %dma_wait3A_79 = tpu.memref_slice %arg7[%add3A_68, %dma_wait3A_78] : memref<200704x8xf32, #tpu.memory_space<vmem_shared>> -> memref<784x8xf32, #tpu.memory_space<vmem_shared>>
        tpu.wait_dma2 semaphore(%run_scoped3A : memref<!tpu.dma_semaphore, #tpu.memory_space<semaphore_mem>>) src(%dma_wait3A_79 : memref<784x8xf32, #tpu.memory_space<vmem_shared>>) dst(%arg19 : memref<784x8xf32, #tpu.memory_space<vmem>>)
        tpu.yield
      }) : () -> ()
      "tpu.region"() ({
        %run_scoped3A = tpu.sem_alloc : memref<!tpu.dma_semaphore, #tpu.memory_space<semaphore_mem>>
        %dma_start3A = arith.constant 0 : i32
        %dma_start3A_74 = tpu.memref_slice %arg7[%add3A_61, %dma_start3A] : memref<200704x8xf32, #tpu.memory_space<vmem_shared>> -> memref<784x8xf32, #tpu.memory_space<vmem_shared>>
        %dma_start3A_75 = arith.constant 0 : i32
        %dma_start3A_76 = tpu.memref_slice %arg7[%add3A_61, %dma_start3A_75] : memref<200704x8xf32, #tpu.memory_space<vmem_shared>> -> memref<784x8xf32, #tpu.memory_space<vmem_shared>>
        tpu.enqueue_dma source(%dma_start3A_76 : memref<784x8xf32, #tpu.memory_space<vmem_shared>>) target(%arg18 : memref<784x8xf32, #tpu.memory_space<vmem>>) target_semaphore(%run_scoped3A : memref<!tpu.dma_semaphore, #tpu.memory_space<semaphore_mem>>)
        %dma_wait3A = arith.constant 0 : i32
        %dma_wait3A_77 = tpu.memref_slice %arg7[%add3A_61, %dma_wait3A] : memref<200704x8xf32, #tpu.memory_space<vmem_shared>> -> memref<784x8xf32, #tpu.memory_space<vmem_shared>>
        %dma_wait3A_78 = arith.constant 0 : i32
        %dma_wait3A_79 = tpu.memref_slice %arg7[%add3A_61, %dma_wait3A_78] : memref<200704x8xf32, #tpu.memory_space<vmem_shared>> -> memref<784x8xf32, #tpu.memory_space<vmem_shared>>
        tpu.wait_dma2 semaphore(%run_scoped3A : memref<!tpu.dma_semaphore, #tpu.memory_space<semaphore_mem>>) src(%dma_wait3A_79 : memref<784x8xf32, #tpu.memory_space<vmem_shared>>) dst(%arg18 : memref<784x8xf32, #tpu.memory_space<vmem>>)
        tpu.yield
      }) : () -> ()
      %scan3A_69 = arith.constant 0 : i32
      %scan3A_70 = arith.constant 392 : i32
      %scan3A_71 = arith.addi %scan3A_69, %scan3A_70 : i32
      %scan3A_72 = arith.constant 8 : i32
      scf.for %scan3A_74 = %scan3A_69 to %scan3A_71 step %scan3A_72  : i32 {
        %mul3A_75 = arith.constant 1 : i32
        %mul3A_76 = arith.muli %scan3A_74, %mul3A_75 : i32
        %add3A_77 = arith.constant 0 : i32
        %add3A_78 = arith.addi %add3A_77, %mul3A_76 : i32
        %mul3A_79 = arith.constant 2 : i32
        %mul3A_80 = arith.muli %add3A_78, %mul3A_79 : i32
        %add3A_81 = vector.broadcast %mul3A_80 : i32 to vector<16xi32>
        %add3A_82 = arith.addi %add3A_81, %shift_right_logical3A_1 : vector<16xi32>
        %gather3A = tpu.vector_load_idx %arg19[%add3A_82, %and3A_3] : memref<784x8xf32, #tpu.memory_space<vmem>>[vector<16xi32>, vector<16xi32>], vector<16xf32>,
        %gather3A_83 = tpu.vector_load_idx %arg19[%add3A_82, %or3A_8] : memref<784x8xf32, #tpu.memory_space<vmem>>[vector<16xi32>, vector<16xi32>], vector<16xf32>,
        %gather3A_84 = tpu.vector_load_idx %arg18[%add3A_82, %and3A_3] : memref<784x8xf32, #tpu.memory_space<vmem>>[vector<16xi32>, vector<16xi32>], vector<16xf32>,
        %mul3A_85 = arith.mulf %gather3A_83, %gather3A_84 : vector<16xf32>
        %sub3A = arith.subf %mul3A_85, %gather3A : vector<16xf32>
        %mul3A_86 = arith.constant 0.666666686 : f32
        %mul3A_87 = vector.broadcast %mul3A_86 : f32 to vector<16xf32>
        %mul3A_88 = arith.mulf %gather3A_83, %mul3A_87 : vector<16xf32>
        %add3A_89 = arith.constant 9.99999996E-13 : f32
        %add3A_90 = vector.broadcast %add3A_89 : f32 to vector<16xf32>
        %add3A_91 = arith.addf %mul3A_88, %add3A_90 : vector<16xf32>
        %div3A = arith.divf %sub3A, %add3A_91 : vector<16xf32>
        tpu.vector_store_idx %arg20[%add3A_82, %and3A_3], %div3A : memref<784x8xf32, #tpu.memory_space<vmem>>[vector<16xi32>, vector<16xi32>], vector<16xf32>,
        %scan3A_92 = arith.constant 1 : i32
        %scan3A_93 = arith.addi %scan3A_74, %scan3A_92 : i32
        %mul3A_94 = arith.constant 1 : i32
        %mul3A_95 = arith.muli %scan3A_93, %mul3A_94 : i32
        %add3A_96 = arith.constant 0 : i32
        %add3A_97 = arith.addi %add3A_96, %mul3A_95 : i32
        %mul3A_98 = arith.constant 2 : i32
        %mul3A_99 = arith.muli %add3A_97, %mul3A_98 : i32
        %add3A_100 = vector.broadcast %mul3A_99 : i32 to vector<16xi32>
        %add3A_101 = arith.addi %add3A_100, %shift_right_logical3A_1 : vector<16xi32>
        %gather3A_102 = tpu.vector_load_idx %arg19[%add3A_101, %and3A_3] : memref<784x8xf32, #tpu.memory_space<vmem>>[vector<16xi32>, vector<16xi32>], vector<16xf32>,
        %gather3A_103 = tpu.vector_load_idx %arg19[%add3A_101, %or3A_8] : memref<784x8xf32, #tpu.memory_space<vmem>>[vector<16xi32>, vector<16xi32>], vector<16xf32>,
        %gather3A_104 = tpu.vector_load_idx %arg18[%add3A_101, %and3A_3] : memref<784x8xf32, #tpu.memory_space<vmem>>[vector<16xi32>, vector<16xi32>], vector<16xf32>,
        %mul3A_105 = arith.mulf %gather3A_103, %gather3A_104 : vector<16xf32>
        %sub3A_106 = arith.subf %mul3A_105, %gather3A_102 : vector<16xf32>
        %mul3A_107 = arith.constant 0.666666686 : f32
        %mul3A_108 = vector.broadcast %mul3A_107 : f32 to vector<16xf32>
        %mul3A_109 = arith.mulf %gather3A_103, %mul3A_108 : vector<16xf32>
        %add3A_110 = arith.constant 9.99999996E-13 : f32
        %add3A_111 = vector.broadcast %add3A_110 : f32 to vector<16xf32>
        %add3A_112 = arith.addf %mul3A_109, %add3A_111 : vector<16xf32>
        %div3A_113 = arith.divf %sub3A_106, %add3A_112 : vector<16xf32>
        tpu.vector_store_idx %arg20[%add3A_101, %and3A_3], %div3A_113 : memref<784x8xf32, #tpu.memory_space<vmem>>[vector<16xi32>, vector<16xi32>], vector<16xf32>,
        %scan3A_114 = arith.constant 2 : i32
        %scan3A_115 = arith.addi %scan3A_74, %scan3A_114 : i32
        %mul3A_116 = arith.constant 1 : i32
        %mul3A_117 = arith.muli %scan3A_115, %mul3A_116 : i32
        %add3A_118 = arith.constant 0 : i32
        %add3A_119 = arith.addi %add3A_118, %mul3A_117 : i32
        %mul3A_120 = arith.constant 2 : i32
        %mul3A_121 = arith.muli %add3A_119, %mul3A_120 : i32
        %add3A_122 = vector.broadcast %mul3A_121 : i32 to vector<16xi32>
        %add3A_123 = arith.addi %add3A_122, %shift_right_logical3A_1 : vector<16xi32>
        %gather3A_124 = tpu.vector_load_idx %arg19[%add3A_123, %and3A_3] : memref<784x8xf32, #tpu.memory_space<vmem>>[vector<16xi32>, vector<16xi32>], vector<16xf32>,
        %gather3A_125 = tpu.vector_load_idx %arg19[%add3A_123, %or3A_8] : memref<784x8xf32, #tpu.memory_space<vmem>>[vector<16xi32>, vector<16xi32>], vector<16xf32>,
        %gather3A_126 = tpu.vector_load_idx %arg18[%add3A_123, %and3A_3] : memref<784x8xf32, #tpu.memory_space<vmem>>[vector<16xi32>, vector<16xi32>], vector<16xf32>,
        %mul3A_127 = arith.mulf %gather3A_125, %gather3A_126 : vector<16xf32>
        %sub3A_128 = arith.subf %mul3A_127, %gather3A_124 : vector<16xf32>
        %mul3A_129 = arith.constant 0.666666686 : f32
        %mul3A_130 = vector.broadcast %mul3A_129 : f32 to vector<16xf32>
        %mul3A_131 = arith.mulf %gather3A_125, %mul3A_130 : vector<16xf32>
        %add3A_132 = arith.constant 9.99999996E-13 : f32
        %add3A_133 = vector.broadcast %add3A_132 : f32 to vector<16xf32>
        %add3A_134 = arith.addf %mul3A_131, %add3A_133 : vector<16xf32>
        %div3A_135 = arith.divf %sub3A_128, %add3A_134 : vector<16xf32>
        tpu.vector_store_idx %arg20[%add3A_123, %and3A_3], %div3A_135 : memref<784x8xf32, #tpu.memory_space<vmem>>[vector<16xi32>, vector<16xi32>], vector<16xf32>,
        %scan3A_136 = arith.constant 3 : i32
        %scan3A_137 = arith.addi %scan3A_74, %scan3A_136 : i32
        %mul3A_138 = arith.constant 1 : i32
        %mul3A_139 = arith.muli %scan3A_137, %mul3A_138 : i32
        %add3A_140 = arith.constant 0 : i32
        %add3A_141 = arith.addi %add3A_140, %mul3A_139 : i32
        %mul3A_142 = arith.constant 2 : i32
        %mul3A_143 = arith.muli %add3A_141, %mul3A_142 : i32
        %add3A_144 = vector.broadcast %mul3A_143 : i32 to vector<16xi32>
        %add3A_145 = arith.addi %add3A_144, %shift_right_logical3A_1 : vector<16xi32>
        %gather3A_146 = tpu.vector_load_idx %arg19[%add3A_145, %and3A_3] : memref<784x8xf32, #tpu.memory_space<vmem>>[vector<16xi32>, vector<16xi32>], vector<16xf32>,
        %gather3A_147 = tpu.vector_load_idx %arg19[%add3A_145, %or3A_8] : memref<784x8xf32, #tpu.memory_space<vmem>>[vector<16xi32>, vector<16xi32>], vector<16xf32>,
        %gather3A_148 = tpu.vector_load_idx %arg18[%add3A_145, %and3A_3] : memref<784x8xf32, #tpu.memory_space<vmem>>[vector<16xi32>, vector<16xi32>], vector<16xf32>,
        %mul3A_149 = arith.mulf %gather3A_147, %gather3A_148 : vector<16xf32>
        %sub3A_150 = arith.subf %mul3A_149, %gather3A_146 : vector<16xf32>
        %mul3A_151 = arith.constant 0.666666686 : f32
        %mul3A_152 = vector.broadcast %mul3A_151 : f32 to vector<16xf32>
        %mul3A_153 = arith.mulf %gather3A_147, %mul3A_152 : vector<16xf32>
        %add3A_154 = arith.constant 9.99999996E-13 : f32
        %add3A_155 = vector.broadcast %add3A_154 : f32 to vector<16xf32>
        %add3A_156 = arith.addf %mul3A_153, %add3A_155 : vector<16xf32>
        %div3A_157 = arith.divf %sub3A_150, %add3A_156 : vector<16xf32>
        tpu.vector_store_idx %arg20[%add3A_145, %and3A_3], %div3A_157 : memref<784x8xf32, #tpu.memory_space<vmem>>[vector<16xi32>, vector<16xi32>], vector<16xf32>,
        %scan3A_158 = arith.constant 4 : i32
        %scan3A_159 = arith.addi %scan3A_74, %scan3A_158 : i32
        %mul3A_160 = arith.constant 1 : i32
        %mul3A_161 = arith.muli %scan3A_159, %mul3A_160 : i32
        %add3A_162 = arith.constant 0 : i32
        %add3A_163 = arith.addi %add3A_162, %mul3A_161 : i32
        %mul3A_164 = arith.constant 2 : i32
        %mul3A_165 = arith.muli %add3A_163, %mul3A_164 : i32
        %add3A_166 = vector.broadcast %mul3A_165 : i32 to vector<16xi32>
        %add3A_167 = arith.addi %add3A_166, %shift_right_logical3A_1 : vector<16xi32>
        %gather3A_168 = tpu.vector_load_idx %arg19[%add3A_167, %and3A_3] : memref<784x8xf32, #tpu.memory_space<vmem>>[vector<16xi32>, vector<16xi32>], vector<16xf32>,
        %gather3A_169 = tpu.vector_load_idx %arg19[%add3A_167, %or3A_8] : memref<784x8xf32, #tpu.memory_space<vmem>>[vector<16xi32>, vector<16xi32>], vector<16xf32>,
        %gather3A_170 = tpu.vector_load_idx %arg18[%add3A_167, %and3A_3] : memref<784x8xf32, #tpu.memory_space<vmem>>[vector<16xi32>, vector<16xi32>], vector<16xf32>,
        %mul3A_171 = arith.mulf %gather3A_169, %gather3A_170 : vector<16xf32>
        %sub3A_172 = arith.subf %mul3A_171, %gather3A_168 : vector<16xf32>
        %mul3A_173 = arith.constant 0.666666686 : f32
        %mul3A_174 = vector.broadcast %mul3A_173 : f32 to vector<16xf32>
        %mul3A_175 = arith.mulf %gather3A_169, %mul3A_174 : vector<16xf32>
        %add3A_176 = arith.constant 9.99999996E-13 : f32
        %add3A_177 = vector.broadcast %add3A_176 : f32 to vector<16xf32>
        %add3A_178 = arith.addf %mul3A_175, %add3A_177 : vector<16xf32>
        %div3A_179 = arith.divf %sub3A_172, %add3A_178 : vector<16xf32>
        tpu.vector_store_idx %arg20[%add3A_167, %and3A_3], %div3A_179 : memref<784x8xf32, #tpu.memory_space<vmem>>[vector<16xi32>, vector<16xi32>], vector<16xf32>,
        %scan3A_180 = arith.constant 5 : i32
        %scan3A_181 = arith.addi %scan3A_74, %scan3A_180 : i32
        %mul3A_182 = arith.constant 1 : i32
        %mul3A_183 = arith.muli %scan3A_181, %mul3A_182 : i32
        %add3A_184 = arith.constant 0 : i32
        %add3A_185 = arith.addi %add3A_184, %mul3A_183 : i32
        %mul3A_186 = arith.constant 2 : i32
        %mul3A_187 = arith.muli %add3A_185, %mul3A_186 : i32
        %add3A_188 = vector.broadcast %mul3A_187 : i32 to vector<16xi32>
        %add3A_189 = arith.addi %add3A_188, %shift_right_logical3A_1 : vector<16xi32>
        %gather3A_190 = tpu.vector_load_idx %arg19[%add3A_189, %and3A_3] : memref<784x8xf32, #tpu.memory_space<vmem>>[vector<16xi32>, vector<16xi32>], vector<16xf32>,
        %gather3A_191 = tpu.vector_load_idx %arg19[%add3A_189, %or3A_8] : memref<784x8xf32, #tpu.memory_space<vmem>>[vector<16xi32>, vector<16xi32>], vector<16xf32>,
        %gather3A_192 = tpu.vector_load_idx %arg18[%add3A_189, %and3A_3] : memref<784x8xf32, #tpu.memory_space<vmem>>[vector<16xi32>, vector<16xi32>], vector<16xf32>,
        %mul3A_193 = arith.mulf %gather3A_191, %gather3A_192 : vector<16xf32>
        %sub3A_194 = arith.subf %mul3A_193, %gather3A_190 : vector<16xf32>
        %mul3A_195 = arith.constant 0.666666686 : f32
        %mul3A_196 = vector.broadcast %mul3A_195 : f32 to vector<16xf32>
        %mul3A_197 = arith.mulf %gather3A_191, %mul3A_196 : vector<16xf32>
        %add3A_198 = arith.constant 9.99999996E-13 : f32
        %add3A_199 = vector.broadcast %add3A_198 : f32 to vector<16xf32>
        %add3A_200 = arith.addf %mul3A_197, %add3A_199 : vector<16xf32>
        %div3A_201 = arith.divf %sub3A_194, %add3A_200 : vector<16xf32>
        tpu.vector_store_idx %arg20[%add3A_189, %and3A_3], %div3A_201 : memref<784x8xf32, #tpu.memory_space<vmem>>[vector<16xi32>, vector<16xi32>], vector<16xf32>,
        %scan3A_202 = arith.constant 6 : i32
        %scan3A_203 = arith.addi %scan3A_74, %scan3A_202 : i32
        %mul3A_204 = arith.constant 1 : i32
        %mul3A_205 = arith.muli %scan3A_203, %mul3A_204 : i32
        %add3A_206 = arith.constant 0 : i32
        %add3A_207 = arith.addi %add3A_206, %mul3A_205 : i32
        %mul3A_208 = arith.constant 2 : i32
        %mul3A_209 = arith.muli %add3A_207, %mul3A_208 : i32
        %add3A_210 = vector.broadcast %mul3A_209 : i32 to vector<16xi32>
        %add3A_211 = arith.addi %add3A_210, %shift_right_logical3A_1 : vector<16xi32>
        %gather3A_212 = tpu.vector_load_idx %arg19[%add3A_211, %and3A_3] : memref<784x8xf32, #tpu.memory_space<vmem>>[vector<16xi32>, vector<16xi32>], vector<16xf32>,
        %gather3A_213 = tpu.vector_load_idx %arg19[%add3A_211, %or3A_8] : memref<784x8xf32, #tpu.memory_space<vmem>>[vector<16xi32>, vector<16xi32>], vector<16xf32>,
        %gather3A_214 = tpu.vector_load_idx %arg18[%add3A_211, %and3A_3] : memref<784x8xf32, #tpu.memory_space<vmem>>[vector<16xi32>, vector<16xi32>], vector<16xf32>,
        %mul3A_215 = arith.mulf %gather3A_213, %gather3A_214 : vector<16xf32>
        %sub3A_216 = arith.subf %mul3A_215, %gather3A_212 : vector<16xf32>
        %mul3A_217 = arith.constant 0.666666686 : f32
        %mul3A_218 = vector.broadcast %mul3A_217 : f32 to vector<16xf32>
        %mul3A_219 = arith.mulf %gather3A_213, %mul3A_218 : vector<16xf32>
        %add3A_220 = arith.constant 9.99999996E-13 : f32
        %add3A_221 = vector.broadcast %add3A_220 : f32 to vector<16xf32>
        %add3A_222 = arith.addf %mul3A_219, %add3A_221 : vector<16xf32>
        %div3A_223 = arith.divf %sub3A_216, %add3A_222 : vector<16xf32>
        tpu.vector_store_idx %arg20[%add3A_211, %and3A_3], %div3A_223 : memref<784x8xf32, #tpu.memory_space<vmem>>[vector<16xi32>, vector<16xi32>], vector<16xf32>,
        %scan3A_224 = arith.constant 7 : i32
        %scan3A_225 = arith.addi %scan3A_74, %scan3A_224 : i32
        %mul3A_226 = arith.constant 1 : i32
        %mul3A_227 = arith.muli %scan3A_225, %mul3A_226 : i32
        %add3A_228 = arith.constant 0 : i32
        %add3A_229 = arith.addi %add3A_228, %mul3A_227 : i32
        %mul3A_230 = arith.constant 2 : i32
        %mul3A_231 = arith.muli %add3A_229, %mul3A_230 : i32
        %add3A_232 = vector.broadcast %mul3A_231 : i32 to vector<16xi32>
        %add3A_233 = arith.addi %add3A_232, %shift_right_logical3A_1 : vector<16xi32>
        %gather3A_234 = tpu.vector_load_idx %arg19[%add3A_233, %and3A_3] : memref<784x8xf32, #tpu.memory_space<vmem>>[vector<16xi32>, vector<16xi32>], vector<16xf32>,
        %gather3A_235 = tpu.vector_load_idx %arg19[%add3A_233, %or3A_8] : memref<784x8xf32, #tpu.memory_space<vmem>>[vector<16xi32>, vector<16xi32>], vector<16xf32>,
        %gather3A_236 = tpu.vector_load_idx %arg18[%add3A_233, %and3A_3] : memref<784x8xf32, #tpu.memory_space<vmem>>[vector<16xi32>, vector<16xi32>], vector<16xf32>,
        %mul3A_237 = arith.mulf %gather3A_235, %gather3A_236 : vector<16xf32>
        %sub3A_238 = arith.subf %mul3A_237, %gather3A_234 : vector<16xf32>
        %mul3A_239 = arith.constant 0.666666686 : f32
        %mul3A_240 = vector.broadcast %mul3A_239 : f32 to vector<16xf32>
        %mul3A_241 = arith.mulf %gather3A_235, %mul3A_240 : vector<16xf32>
        %add3A_242 = arith.constant 9.99999996E-13 : f32
        %add3A_243 = vector.broadcast %add3A_242 : f32 to vector<16xf32>
        %add3A_244 = arith.addf %mul3A_241, %add3A_243 : vector<16xf32>
        %div3A_245 = arith.divf %sub3A_238, %add3A_244 : vector<16xf32>
        tpu.vector_store_idx %arg20[%add3A_233, %and3A_3], %div3A_245 : memref<784x8xf32, #tpu.memory_space<vmem>>[vector<16xi32>, vector<16xi32>], vector<16xf32>,
      }
      %scan3A_73 = arith.constant 392 : i32
      "tpu.region"() ({
        %run_scoped3A = tpu.sem_alloc : memref<!tpu.dma_semaphore, #tpu.memory_space<semaphore_mem>>
        %dma_start3A = arith.constant 0 : i32
        %dma_start3A_74 = tpu.memref_slice %arg6[%add3A_10, %add3A_61, %dma_start3A] : memref<4x100352x8xf32, #tpu.memory_space<hbm>> -> memref<1x784x8xf32, #tpu.memory_space<hbm>>
        %dma_start3A_75 = tpu.memref_squeeze %dma_start3A_74 : memref<1x784x8xf32, #tpu.memory_space<hbm>> -> memref<784x8xf32, #tpu.memory_space<hbm>>
        %dma_start3A_76 = arith.constant 0 : i32
        %dma_start3A_77 = tpu.memref_slice %arg6[%add3A_10, %add3A_61, %dma_start3A_76] : memref<4x100352x8xf32, #tpu.memory_space<hbm>> -> memref<1x784x8xf32, #tpu.memory_space<hbm>>
        %dma_start3A_78 = tpu.memref_squeeze %dma_start3A_77 : memref<1x784x8xf32, #tpu.memory_space<hbm>> -> memref<784x8xf32, #tpu.memory_space<hbm>>
        tpu.enqueue_dma source(%arg20 : memref<784x8xf32, #tpu.memory_space<vmem>>) target(%dma_start3A_78 : memref<784x8xf32, #tpu.memory_space<hbm>>) target_semaphore(%run_scoped3A : memref<!tpu.dma_semaphore, #tpu.memory_space<semaphore_mem>>)
        %dma_wait3A = arith.constant 0 : i32
        %dma_wait3A_79 = tpu.memref_slice %arg6[%add3A_10, %add3A_61, %dma_wait3A] : memref<4x100352x8xf32, #tpu.memory_space<hbm>> -> memref<1x784x8xf32, #tpu.memory_space<hbm>>
        %dma_wait3A_80 = tpu.memref_squeeze %dma_wait3A_79 : memref<1x784x8xf32, #tpu.memory_space<hbm>> -> memref<784x8xf32, #tpu.memory_space<hbm>>
        %dma_wait3A_81 = arith.constant 0 : i32
        %dma_wait3A_82 = tpu.memref_slice %arg6[%add3A_10, %add3A_61, %dma_wait3A_81] : memref<4x100352x8xf32, #tpu.memory_space<hbm>> -> memref<1x784x8xf32, #tpu.memory_space<hbm>>
        %dma_wait3A_83 = tpu.memref_squeeze %dma_wait3A_82 : memref<1x784x8xf32, #tpu.memory_space<hbm>> -> memref<784x8xf32, #tpu.memory_space<hbm>>
        tpu.wait_dma2 semaphore(%run_scoped3A : memref<!tpu.dma_semaphore, #tpu.memory_space<semaphore_mem>>) src(%arg20 : memref<784x8xf32, #tpu.memory_space<vmem>>) dst(%dma_wait3A_83 : memref<784x8xf32, #tpu.memory_space<hbm>>)
        tpu.yield
      }) : () -> ()
    }
    %scan3A_27 = arith.constant 8 : i32
    %barrier3A_28 = arith.constant 0 : index
    tpu.barrier barrier_id(%barrier3A_28)
    %mul3A_29 = arith.constant 2 : i32
    %mul3A_30 = arith.muli %arg0, %mul3A_29 : i32
    %add3A_31 = arith.constant 1 : i32
    %add3A_32 = arith.addi %mul3A_30, %add3A_31 : i32
    "tpu.region"() ({
      %run_scoped3A = tpu.sem_alloc : memref<!tpu.dma_semaphore, #tpu.memory_space<semaphore_mem>>
      tpu.enqueue_dma source(%arg5 : memref<784x8xf32, #tpu.memory_space<hbm>>) target(%arg20 : memref<784x8xf32, #tpu.memory_space<vmem>>) target_semaphore(%run_scoped3A : memref<!tpu.dma_semaphore, #tpu.memory_space<semaphore_mem>>)
      tpu.wait_dma2 semaphore(%run_scoped3A : memref<!tpu.dma_semaphore, #tpu.memory_space<semaphore_mem>>) src(%arg5 : memref<784x8xf32, #tpu.memory_space<hbm>>) dst(%arg20 : memref<784x8xf32, #tpu.memory_space<vmem>>)
      tpu.yield
    }) : () -> ()
    %scan3A_33 = arith.constant 0 : i32
    %scan3A_34 = arith.constant 8 : i32
    %scan3A_35 = arith.addi %scan3A_33, %scan3A_34 : i32
    %scan3A_36 = arith.constant 1 : i32
    scf.for %scan3A_52 = %scan3A_33 to %scan3A_35 step %scan3A_36  : i32 {
      %mul3A_53 = arith.constant 1 : i32
      %mul3A_54 = arith.muli %scan3A_52, %mul3A_53 : i32
      %add3A_55 = arith.constant 0 : i32
      %add3A_56 = arith.addi %add3A_55, %mul3A_54 : i32
      %mul3A_57 = arith.constant 6272 : i32
      %mul3A_58 = arith.muli %arg1, %mul3A_57 : i32
      %mul3A_59 = arith.constant 784 : i32
      %mul3A_60 = arith.muli %add3A_56, %mul3A_59 : i32
      %add3A_61 = arith.addi %mul3A_58, %mul3A_60 : i32
      %mul3A_62 = arith.constant 6272 : i32
      %mul3A_63 = arith.muli %arg1, %mul3A_62 : i32
      %add3A_64 = arith.constant 100352 : i32
      %add3A_65 = arith.addi %add3A_64, %mul3A_63 : i32
      %mul3A_66 = arith.constant 784 : i32
      %mul3A_67 = arith.muli %add3A_56, %mul3A_66 : i32
      %add3A_68 = arith.addi %add3A_65, %mul3A_67 : i32
      "tpu.region"() ({
        %run_scoped3A = tpu.sem_alloc : memref<!tpu.dma_semaphore, #tpu.memory_space<semaphore_mem>>
        %dma_start3A = arith.constant 0 : i32
        %dma_start3A_69 = tpu.memref_slice %arg7[%add3A_68, %dma_start3A] : memref<200704x8xf32, #tpu.memory_space<vmem_shared>> -> memref<784x8xf32, #tpu.memory_space<vmem_shared>>
        %dma_start3A_70 = arith.constant 0 : i32
        %dma_start3A_71 = tpu.memref_slice %arg7[%add3A_68, %dma_start3A_70] : memref<200704x8xf32, #tpu.memory_space<vmem_shared>> -> memref<784x8xf32, #tpu.memory_space<vmem_shared>>
        tpu.enqueue_dma source(%arg20 : memref<784x8xf32, #tpu.memory_space<vmem>>) target(%dma_start3A_71 : memref<784x8xf32, #tpu.memory_space<vmem_shared>>) target_semaphore(%run_scoped3A : memref<!tpu.dma_semaphore, #tpu.memory_space<semaphore_mem>>)
        %dma_wait3A = arith.constant 0 : i32
        %dma_wait3A_72 = tpu.memref_slice %arg7[%add3A_68, %dma_wait3A] : memref<200704x8xf32, #tpu.memory_space<vmem_shared>> -> memref<784x8xf32, #tpu.memory_space<vmem_shared>>
        %dma_wait3A_73 = arith.constant 0 : i32
        %dma_wait3A_74 = tpu.memref_slice %arg7[%add3A_68, %dma_wait3A_73] : memref<200704x8xf32, #tpu.memory_space<vmem_shared>> -> memref<784x8xf32, #tpu.memory_space<vmem_shared>>
        tpu.wait_dma2 semaphore(%run_scoped3A : memref<!tpu.dma_semaphore, #tpu.memory_space<semaphore_mem>>) src(%arg20 : memref<784x8xf32, #tpu.memory_space<vmem>>) dst(%dma_wait3A_74 : memref<784x8xf32, #tpu.memory_space<vmem_shared>>)
        tpu.yield
      }) : () -> ()
      "tpu.region"() ({
        %run_scoped3A = tpu.sem_alloc : memref<!tpu.dma_semaphore, #tpu.memory_space<semaphore_mem>>
        %dma_start3A = arith.constant 0 : i32
        %dma_start3A_69 = tpu.memref_slice %arg2[%add3A_32, %add3A_61, %dma_start3A] : memref<4x100352x8xf32, #tpu.memory_space<hbm>> -> memref<1x784x8xf32, #tpu.memory_space<hbm>>
        %dma_start3A_70 = tpu.memref_squeeze %dma_start3A_69 : memref<1x784x8xf32, #tpu.memory_space<hbm>> -> memref<784x8xf32, #tpu.memory_space<hbm>>
        %dma_start3A_71 = arith.constant 0 : i32
        %dma_start3A_72 = tpu.memref_slice %arg2[%add3A_32, %add3A_61, %dma_start3A_71] : memref<4x100352x8xf32, #tpu.memory_space<hbm>> -> memref<1x784x8xf32, #tpu.memory_space<hbm>>
        %dma_start3A_73 = tpu.memref_squeeze %dma_start3A_72 : memref<1x784x8xf32, #tpu.memory_space<hbm>> -> memref<784x8xf32, #tpu.memory_space<hbm>>
        tpu.enqueue_dma source(%dma_start3A_73 : memref<784x8xf32, #tpu.memory_space<hbm>>) target(%arg18 : memref<784x8xf32, #tpu.memory_space<vmem>>) target_semaphore(%run_scoped3A : memref<!tpu.dma_semaphore, #tpu.memory_space<semaphore_mem>>)
        %dma_wait3A = arith.constant 0 : i32
        %dma_wait3A_74 = tpu.memref_slice %arg2[%add3A_32, %add3A_61, %dma_wait3A] : memref<4x100352x8xf32, #tpu.memory_space<hbm>> -> memref<1x784x8xf32, #tpu.memory_space<hbm>>
        %dma_wait3A_75 = tpu.memref_squeeze %dma_wait3A_74 : memref<1x784x8xf32, #tpu.memory_space<hbm>> -> memref<784x8xf32, #tpu.memory_space<hbm>>
        %dma_wait3A_76 = arith.constant 0 : i32
        %dma_wait3A_77 = tpu.memref_slice %arg2[%add3A_32, %add3A_61, %dma_wait3A_76] : memref<4x100352x8xf32, #tpu.memory_space<hbm>> -> memref<1x784x8xf32, #tpu.memory_space<hbm>>
        %dma_wait3A_78 = tpu.memref_squeeze %dma_wait3A_77 : memref<1x784x8xf32, #tpu.memory_space<hbm>> -> memref<784x8xf32, #tpu.memory_space<hbm>>
        tpu.wait_dma2 semaphore(%run_scoped3A : memref<!tpu.dma_semaphore, #tpu.memory_space<semaphore_mem>>) src(%dma_wait3A_78 : memref<784x8xf32, #tpu.memory_space<hbm>>) dst(%arg18 : memref<784x8xf32, #tpu.memory_space<vmem>>)
        tpu.yield
      }) : () -> ()
      "tpu.region"() ({
        %run_scoped3A = tpu.sem_alloc : memref<!tpu.dma_semaphore, #tpu.memory_space<semaphore_mem>>
        %dma_start3A = arith.constant 0 : i32
        %dma_start3A_69 = tpu.memref_slice %arg7[%add3A_61, %dma_start3A] : memref<200704x8xf32, #tpu.memory_space<vmem_shared>> -> memref<784x8xf32, #tpu.memory_space<vmem_shared>>
        %dma_start3A_70 = arith.constant 0 : i32
        %dma_start3A_71 = tpu.memref_slice %arg7[%add3A_61, %dma_start3A_70] : memref<200704x8xf32, #tpu.memory_space<vmem_shared>> -> memref<784x8xf32, #tpu.memory_space<vmem_shared>>
        tpu.enqueue_dma source(%arg18 : memref<784x8xf32, #tpu.memory_space<vmem>>) target(%dma_start3A_71 : memref<784x8xf32, #tpu.memory_space<vmem_shared>>) target_semaphore(%run_scoped3A : memref<!tpu.dma_semaphore, #tpu.memory_space<semaphore_mem>>)
        %dma_wait3A = arith.constant 0 : i32
        %dma_wait3A_72 = tpu.memref_slice %arg7[%add3A_61, %dma_wait3A] : memref<200704x8xf32, #tpu.memory_space<vmem_shared>> -> memref<784x8xf32, #tpu.memory_space<vmem_shared>>
        %dma_wait3A_73 = arith.constant 0 : i32
        %dma_wait3A_74 = tpu.memref_slice %arg7[%add3A_61, %dma_wait3A_73] : memref<200704x8xf32, #tpu.memory_space<vmem_shared>> -> memref<784x8xf32, #tpu.memory_space<vmem_shared>>
        tpu.wait_dma2 semaphore(%run_scoped3A : memref<!tpu.dma_semaphore, #tpu.memory_space<semaphore_mem>>) src(%arg18 : memref<784x8xf32, #tpu.memory_space<vmem>>) dst(%dma_wait3A_74 : memref<784x8xf32, #tpu.memory_space<vmem_shared>>)
        tpu.yield
      }) : () -> ()
    }
    %scan3A_37 = arith.constant 8 : i32
    %barrier3A_38 = arith.constant 0 : index
    tpu.barrier barrier_id(%barrier3A_38)
    %mul3A_39 = arith.constant 12544 : i32
    %mul3A_40 = arith.muli %arg1, %mul3A_39 : i32
    %scan3A_41 = arith.constant 0 : i32
    %scan3A_42 = arith.constant 98 : i32
    %scan3A_43 = arith.addi %scan3A_41, %scan3A_42 : i32
    %scan3A_44 = arith.constant 1 : i32
    scf.for %scan3A_52 = %scan3A_41 to %scan3A_43 step %scan3A_44  : i32 {
      %mul3A_53 = arith.constant 1 : i32
      %mul3A_54 = arith.muli %scan3A_52, %mul3A_53 : i32
      %add3A_55 = arith.constant 0 : i32
      %add3A_56 = arith.addi %add3A_55, %mul3A_54 : i32
      %mul3A_57 = arith.constant 3 : i32
      %mul3A_58 = arith.muli %add3A_32, %mul3A_57 : i32
      %mul3A_59 = arith.constant 200704 : i32
      %mul3A_60 = arith.muli %mul3A_58, %mul3A_59 : i32
      %add3A_61 = arith.addi %mul3A_60, %mul3A_40 : i32
      %mul3A_62 = arith.constant 128 : i32
      %mul3A_63 = arith.muli %add3A_56, %mul3A_62 : i32
      %add3A_64 = arith.addi %add3A_61, %mul3A_63 : i32
      %add3A_65 = arith.constant 0 : i32
      %add3A_66 = arith.addi %add3A_64, %add3A_65 : i32
      "tpu.region"() ({
        %run_scoped3A = tpu.sem_alloc : memref<!tpu.dma_semaphore, #tpu.memory_space<semaphore_mem>>
        %dma_start3A = tpu.memref_slice %arg3[%add3A_66] : memref<2408448xi32, #tpu.memory_space<hbm>> -> memref<128xi32, #tpu.memory_space<hbm>>
        %dma_start3A_76 = tpu.memref_slice %arg3[%add3A_66] : memref<2408448xi32, #tpu.memory_space<hbm>> -> memref<128xi32, #tpu.memory_space<hbm>>
        tpu.enqueue_dma source(%dma_start3A_76 : memref<128xi32, #tpu.memory_space<hbm>>) target(%arg8 : memref<128xi32, #tpu.memory_space<vmem>>) target_semaphore(%run_scoped3A : memref<!tpu.dma_semaphore, #tpu.memory_space<semaphore_mem>>)
        %dma_wait3A = tpu.memref_slice %arg3[%add3A_66] : memref<2408448xi32, #tpu.memory_space<hbm>> -> memref<128xi32, #tpu.memory_space<hbm>>
        %dma_wait3A_77 = tpu.memref_slice %arg3[%add3A_66] : memref<2408448xi32, #tpu.memory_space<hbm>> -> memref<128xi32, #tpu.memory_space<hbm>>
        tpu.wait_dma2 semaphore(%run_scoped3A : memref<!tpu.dma_semaphore, #tpu.memory_space<semaphore_mem>>) src(%dma_wait3A_77 : memref<128xi32, #tpu.memory_space<hbm>>) dst(%arg8 : memref<128xi32, #tpu.memory_space<vmem>>)
        tpu.yield
      }) : () -> ()
      "tpu.region"() ({
        %run_scoped3A = tpu.sem_alloc : memref<!tpu.dma_semaphore, #tpu.memory_space<semaphore_mem>>
        %dma_start3A = tpu.memref_slice %arg4[%add3A_66] : memref<2408448xi32, #tpu.memory_space<hbm>> -> memref<128xi32, #tpu.memory_space<hbm>>
        %dma_start3A_76 = tpu.memref_slice %arg4[%add3A_66] : memref<2408448xi32, #tpu.memory_space<hbm>> -> memref<128xi32, #tpu.memory_space<hbm>>
        tpu.enqueue_dma source(%dma_start3A_76 : memref<128xi32, #tpu.memory_space<hbm>>) target(%arg11 : memref<128xi32, #tpu.memory_space<vmem>>) target_semaphore(%run_scoped3A : memref<!tpu.dma_semaphore, #tpu.memory_space<semaphore_mem>>)
        %dma_wait3A = tpu.memref_slice %arg4[%add3A_66] : memref<2408448xi32, #tpu.memory_space<hbm>> -> memref<128xi32, #tpu.memory_space<hbm>>
        %dma_wait3A_77 = tpu.memref_slice %arg4[%add3A_66] : memref<2408448xi32, #tpu.memory_space<hbm>> -> memref<128xi32, #tpu.memory_space<hbm>>
        tpu.wait_dma2 semaphore(%run_scoped3A : memref<!tpu.dma_semaphore, #tpu.memory_space<semaphore_mem>>) src(%dma_wait3A_77 : memref<128xi32, #tpu.memory_space<hbm>>) dst(%arg11 : memref<128xi32, #tpu.memory_space<vmem>>)
        tpu.yield
      }) : () -> ()
      %add3A_67 = arith.constant 200704 : i32
      %add3A_68 = arith.addi %add3A_64, %add3A_67 : i32
      "tpu.region"() ({
        %run_scoped3A = tpu.sem_alloc : memref<!tpu.dma_semaphore, #tpu.memory_space<semaphore_mem>>
        %dma_start3A = tpu.memref_slice %arg3[%add3A_68] : memref<2408448xi32, #tpu.memory_space<hbm>> -> memref<128xi32, #tpu.memory_space<hbm>>
        %dma_start3A_76 = tpu.memref_slice %arg3[%add3A_68] : memref<2408448xi32, #tpu.memory_space<hbm>> -> memref<128xi32, #tpu.memory_space<hbm>>
        tpu.enqueue_dma source(%dma_start3A_76 : memref<128xi32, #tpu.memory_space<hbm>>) target(%arg9 : memref<128xi32, #tpu.memory_space<vmem>>) target_semaphore(%run_scoped3A : memref<!tpu.dma_semaphore, #tpu.memory_space<semaphore_mem>>)
        %dma_wait3A = tpu.memref_slice %arg3[%add3A_68] : memref<2408448xi32, #tpu.memory_space<hbm>> -> memref<128xi32, #tpu.memory_space<hbm>>
        %dma_wait3A_77 = tpu.memref_slice %arg3[%add3A_68] : memref<2408448xi32, #tpu.memory_space<hbm>> -> memref<128xi32, #tpu.memory_space<hbm>>
        tpu.wait_dma2 semaphore(%run_scoped3A : memref<!tpu.dma_semaphore, #tpu.memory_space<semaphore_mem>>) src(%dma_wait3A_77 : memref<128xi32, #tpu.memory_space<hbm>>) dst(%arg9 : memref<128xi32, #tpu.memory_space<vmem>>)
        tpu.yield
      }) : () -> ()
      "tpu.region"() ({
        %run_scoped3A = tpu.sem_alloc : memref<!tpu.dma_semaphore, #tpu.memory_space<semaphore_mem>>
        %dma_start3A = tpu.memref_slice %arg4[%add3A_68] : memref<2408448xi32, #tpu.memory_space<hbm>> -> memref<128xi32, #tpu.memory_space<hbm>>
        %dma_start3A_76 = tpu.memref_slice %arg4[%add3A_68] : memref<2408448xi32, #tpu.memory_space<hbm>> -> memref<128xi32, #tpu.memory_space<hbm>>
        tpu.enqueue_dma source(%dma_start3A_76 : memref<128xi32, #tpu.memory_space<hbm>>) target(%arg12 : memref<128xi32, #tpu.memory_space<vmem>>) target_semaphore(%run_scoped3A : memref<!tpu.dma_semaphore, #tpu.memory_space<semaphore_mem>>)
        %dma_wait3A = tpu.memref_slice %arg4[%add3A_68] : memref<2408448xi32, #tpu.memory_space<hbm>> -> memref<128xi32, #tpu.memory_space<hbm>>
        %dma_wait3A_77 = tpu.memref_slice %arg4[%add3A_68] : memref<2408448xi32, #tpu.memory_space<hbm>> -> memref<128xi32, #tpu.memory_space<hbm>>
        tpu.wait_dma2 semaphore(%run_scoped3A : memref<!tpu.dma_semaphore, #tpu.memory_space<semaphore_mem>>) src(%dma_wait3A_77 : memref<128xi32, #tpu.memory_space<hbm>>) dst(%arg12 : memref<128xi32, #tpu.memory_space<vmem>>)
        tpu.yield
      }) : () -> ()
      %add3A_69 = arith.constant 401408 : i32
      %add3A_70 = arith.addi %add3A_64, %add3A_69 : i32
      "tpu.region"() ({
        %run_scoped3A = tpu.sem_alloc : memref<!tpu.dma_semaphore, #tpu.memory_space<semaphore_mem>>
        %dma_start3A = tpu.memref_slice %arg3[%add3A_70] : memref<2408448xi32, #tpu.memory_space<hbm>> -> memref<128xi32, #tpu.memory_space<hbm>>
        %dma_start3A_76 = tpu.memref_slice %arg3[%add3A_70] : memref<2408448xi32, #tpu.memory_space<hbm>> -> memref<128xi32, #tpu.memory_space<hbm>>
        tpu.enqueue_dma source(%dma_start3A_76 : memref<128xi32, #tpu.memory_space<hbm>>) target(%arg10 : memref<128xi32, #tpu.memory_space<vmem>>) target_semaphore(%run_scoped3A : memref<!tpu.dma_semaphore, #tpu.memory_space<semaphore_mem>>)
        %dma_wait3A = tpu.memref_slice %arg3[%add3A_70] : memref<2408448xi32, #tpu.memory_space<hbm>> -> memref<128xi32, #tpu.memory_space<hbm>>
        %dma_wait3A_77 = tpu.memref_slice %arg3[%add3A_70] : memref<2408448xi32, #tpu.memory_space<hbm>> -> memref<128xi32, #tpu.memory_space<hbm>>
        tpu.wait_dma2 semaphore(%run_scoped3A : memref<!tpu.dma_semaphore, #tpu.memory_space<semaphore_mem>>) src(%dma_wait3A_77 : memref<128xi32, #tpu.memory_space<hbm>>) dst(%arg10 : memref<128xi32, #tpu.memory_space<vmem>>)
        tpu.yield
      }) : () -> ()
      "tpu.region"() ({
        %run_scoped3A = tpu.sem_alloc : memref<!tpu.dma_semaphore, #tpu.memory_space<semaphore_mem>>
        %dma_start3A = tpu.memref_slice %arg4[%add3A_70] : memref<2408448xi32, #tpu.memory_space<hbm>> -> memref<128xi32, #tpu.memory_space<hbm>>
        %dma_start3A_76 = tpu.memref_slice %arg4[%add3A_70] : memref<2408448xi32, #tpu.memory_space<hbm>> -> memref<128xi32, #tpu.memory_space<hbm>>
        tpu.enqueue_dma source(%dma_start3A_76 : memref<128xi32, #tpu.memory_space<hbm>>) target(%arg13 : memref<128xi32, #tpu.memory_space<vmem>>) target_semaphore(%run_scoped3A : memref<!tpu.dma_semaphore, #tpu.memory_space<semaphore_mem>>)
        %dma_wait3A = tpu.memref_slice %arg4[%add3A_70] : memref<2408448xi32, #tpu.memory_space<hbm>> -> memref<128xi32, #tpu.memory_space<hbm>>
        %dma_wait3A_77 = tpu.memref_slice %arg4[%add3A_70] : memref<2408448xi32, #tpu.memory_space<hbm>> -> memref<128xi32, #tpu.memory_space<hbm>>
        tpu.wait_dma2 semaphore(%run_scoped3A : memref<!tpu.dma_semaphore, #tpu.memory_space<semaphore_mem>>) src(%dma_wait3A_77 : memref<128xi32, #tpu.memory_space<hbm>>) dst(%arg13 : memref<128xi32, #tpu.memory_space<vmem>>)
        tpu.yield
      }) : () -> ()
      "tpu.region"() ({
        %run_scoped3A = tpu.sem_alloc : memref<!tpu.dma_semaphore, #tpu.memory_space<semaphore_mem>>
        %dma_start3A = arith.constant 0 : i32
        %dma_start3A_76 = arith.constant 0 : i32
        %dma_start3A_77 = tpu.memref_slice %arg7[%dma_start3A, %dma_start3A_76] : memref<200704x8xf32, #tpu.memory_space<vmem_shared>> -> memref<200704x8xf32, #tpu.memory_space<vmem_shared>>
        tpu.enqueue_indirect_dma source(%dma_start3A_77 : memref<200704x8xf32, #tpu.memory_space<vmem_shared>>) target(%arg14 : memref<128x8xf32, #tpu.memory_space<vmem>>) offsets(%arg8 : memref<128xi32, #tpu.memory_space<vmem>>) semaphore(%run_scoped3A : memref<!tpu.dma_semaphore, #tpu.memory_space<semaphore_mem>>)
        %dma_wait3A = arith.constant 0 : i32
        %dma_wait3A_78 = arith.constant 0 : i32
        %dma_wait3A_79 = tpu.memref_slice %arg7[%dma_wait3A, %dma_wait3A_78] : memref<200704x8xf32, #tpu.memory_space<vmem_shared>> -> memref<200704x8xf32, #tpu.memory_space<vmem_shared>>
        tpu.wait_indirect_dma semaphore(%run_scoped3A : memref<!tpu.dma_semaphore, #tpu.memory_space<semaphore_mem>>) src(%dma_wait3A_79 : memref<200704x8xf32, #tpu.memory_space<vmem_shared>>) dst(%arg14 : memref<128x8xf32, #tpu.memory_space<vmem>>)
        tpu.yield
      }) : () -> ()
      "tpu.region"() ({
        %run_scoped3A = tpu.sem_alloc : memref<!tpu.dma_semaphore, #tpu.memory_space<semaphore_mem>>
        %dma_start3A = arith.constant 0 : i32
        %dma_start3A_76 = arith.constant 0 : i32
        %dma_start3A_77 = tpu.memref_slice %arg7[%dma_start3A, %dma_start3A_76] : memref<200704x8xf32, #tpu.memory_space<vmem_shared>> -> memref<200704x8xf32, #tpu.memory_space<vmem_shared>>
        tpu.enqueue_indirect_dma source(%dma_start3A_77 : memref<200704x8xf32, #tpu.memory_space<vmem_shared>>) target(%arg15 : memref<128x8xf32, #tpu.memory_space<vmem>>) offsets(%arg9 : memref<128xi32, #tpu.memory_space<vmem>>) semaphore(%run_scoped3A : memref<!tpu.dma_semaphore, #tpu.memory_space<semaphore_mem>>)
        %dma_wait3A = arith.constant 0 : i32
        %dma_wait3A_78 = arith.constant 0 : i32
        %dma_wait3A_79 = tpu.memref_slice %arg7[%dma_wait3A, %dma_wait3A_78] : memref<200704x8xf32, #tpu.memory_space<vmem_shared>> -> memref<200704x8xf32, #tpu.memory_space<vmem_shared>>
        tpu.wait_indirect_dma semaphore(%run_scoped3A : memref<!tpu.dma_semaphore, #tpu.memory_space<semaphore_mem>>) src(%dma_wait3A_79 : memref<200704x8xf32, #tpu.memory_space<vmem_shared>>) dst(%arg15 : memref<128x8xf32, #tpu.memory_space<vmem>>)
        tpu.yield
      }) : () -> ()
      "tpu.region"() ({
        %run_scoped3A = tpu.sem_alloc : memref<!tpu.dma_semaphore, #tpu.memory_space<semaphore_mem>>
        %dma_start3A = arith.constant 0 : i32
        %dma_start3A_76 = arith.constant 0 : i32
        %dma_start3A_77 = tpu.memref_slice %arg7[%dma_start3A, %dma_start3A_76] : memref<200704x8xf32, #tpu.memory_space<vmem_shared>> -> memref<200704x8xf32, #tpu.memory_space<vmem_shared>>
        tpu.enqueue_indirect_dma source(%dma_start3A_77 : memref<200704x8xf32, #tpu.memory_space<vmem_shared>>) target(%arg16 : memref<128x8xf32, #tpu.memory_space<vmem>>) offsets(%arg10 : memref<128xi32, #tpu.memory_space<vmem>>) semaphore(%run_scoped3A : memref<!tpu.dma_semaphore, #tpu.memory_space<semaphore_mem>>)
        %dma_wait3A = arith.constant 0 : i32
        %dma_wait3A_78 = arith.constant 0 : i32
        %dma_wait3A_79 = tpu.memref_slice %arg7[%dma_wait3A, %dma_wait3A_78] : memref<200704x8xf32, #tpu.memory_space<vmem_shared>> -> memref<200704x8xf32, #tpu.memory_space<vmem_shared>>
        tpu.wait_indirect_dma semaphore(%run_scoped3A : memref<!tpu.dma_semaphore, #tpu.memory_space<semaphore_mem>>) src(%dma_wait3A_79 : memref<200704x8xf32, #tpu.memory_space<vmem_shared>>) dst(%arg16 : memref<128x8xf32, #tpu.memory_space<vmem>>)
        tpu.yield
      }) : () -> ()
      %scan3A_71 = arith.constant 0 : i32
      %scan3A_72 = arith.constant 64 : i32
      %scan3A_73 = arith.addi %scan3A_71, %scan3A_72 : i32
      %scan3A_74 = arith.constant 8 : i32
      scf.for %scan3A_76 = %scan3A_71 to %scan3A_73 step %scan3A_74  : i32 {
        %mul3A_77 = arith.constant 1 : i32
        %mul3A_78 = arith.muli %scan3A_76, %mul3A_77 : i32
        %add3A_79 = arith.constant 0 : i32
        %add3A_80 = arith.addi %add3A_79, %mul3A_78 : i32
        %mul3A_81 = arith.constant 2 : i32
        %mul3A_82 = arith.muli %add3A_80, %mul3A_81 : i32
        %add3A_83 = vector.broadcast %mul3A_82 : i32 to vector<16xi32>
        %add3A_84 = arith.addi %add3A_83, %shift_right_logical3A_1 : vector<16xi32>
        %gather3A = tpu.vector_load_idx %arg14[%add3A_84, %and3A_3] : memref<128x8xf32, #tpu.memory_space<vmem>>[vector<16xi32>, vector<16xi32>], vector<16xf32>,
        %gather3A_85 = tpu.vector_load_idx %arg15[%add3A_84, %and3A_3] : memref<128x8xf32, #tpu.memory_space<vmem>>[vector<16xi32>, vector<16xi32>], vector<16xf32>,
        %gather3A_86 = tpu.vector_load_idx %arg16[%add3A_84, %and3A_3] : memref<128x8xf32, #tpu.memory_space<vmem>>[vector<16xi32>, vector<16xi32>], vector<16xf32>,
        %add3A_87 = arith.addf %gather3A, %gather3A_85 : vector<16xf32>
        %add3A_88 = arith.addf %add3A_87, %gather3A_86 : vector<16xf32>
        tpu.vector_store_idx %arg17[%add3A_84, %and3A_3], %add3A_88 : memref<128x8xf32, #tpu.memory_space<vmem>>[vector<16xi32>, vector<16xi32>], vector<16xf32>,
        %scan3A_89 = arith.constant 1 : i32
        %scan3A_90 = arith.addi %scan3A_76, %scan3A_89 : i32
        %mul3A_91 = arith.constant 1 : i32
        %mul3A_92 = arith.muli %scan3A_90, %mul3A_91 : i32
        %add3A_93 = arith.constant 0 : i32
        %add3A_94 = arith.addi %add3A_93, %mul3A_92 : i32
        %mul3A_95 = arith.constant 2 : i32
        %mul3A_96 = arith.muli %add3A_94, %mul3A_95 : i32
        %add3A_97 = vector.broadcast %mul3A_96 : i32 to vector<16xi32>
        %add3A_98 = arith.addi %add3A_97, %shift_right_logical3A_1 : vector<16xi32>
        %gather3A_99 = tpu.vector_load_idx %arg14[%add3A_98, %and3A_3] : memref<128x8xf32, #tpu.memory_space<vmem>>[vector<16xi32>, vector<16xi32>], vector<16xf32>,
        %gather3A_100 = tpu.vector_load_idx %arg15[%add3A_98, %and3A_3] : memref<128x8xf32, #tpu.memory_space<vmem>>[vector<16xi32>, vector<16xi32>], vector<16xf32>,
        %gather3A_101 = tpu.vector_load_idx %arg16[%add3A_98, %and3A_3] : memref<128x8xf32, #tpu.memory_space<vmem>>[vector<16xi32>, vector<16xi32>], vector<16xf32>,
        %add3A_102 = arith.addf %gather3A_99, %gather3A_100 : vector<16xf32>
        %add3A_103 = arith.addf %add3A_102, %gather3A_101 : vector<16xf32>
        tpu.vector_store_idx %arg17[%add3A_98, %and3A_3], %add3A_103 : memref<128x8xf32, #tpu.memory_space<vmem>>[vector<16xi32>, vector<16xi32>], vector<16xf32>,
        %scan3A_104 = arith.constant 2 : i32
        %scan3A_105 = arith.addi %scan3A_76, %scan3A_104 : i32
        %mul3A_106 = arith.constant 1 : i32
        %mul3A_107 = arith.muli %scan3A_105, %mul3A_106 : i32
        %add3A_108 = arith.constant 0 : i32
        %add3A_109 = arith.addi %add3A_108, %mul3A_107 : i32
        %mul3A_110 = arith.constant 2 : i32
        %mul3A_111 = arith.muli %add3A_109, %mul3A_110 : i32
        %add3A_112 = vector.broadcast %mul3A_111 : i32 to vector<16xi32>
        %add3A_113 = arith.addi %add3A_112, %shift_right_logical3A_1 : vector<16xi32>
        %gather3A_114 = tpu.vector_load_idx %arg14[%add3A_113, %and3A_3] : memref<128x8xf32, #tpu.memory_space<vmem>>[vector<16xi32>, vector<16xi32>], vector<16xf32>,
        %gather3A_115 = tpu.vector_load_idx %arg15[%add3A_113, %and3A_3] : memref<128x8xf32, #tpu.memory_space<vmem>>[vector<16xi32>, vector<16xi32>], vector<16xf32>,
        %gather3A_116 = tpu.vector_load_idx %arg16[%add3A_113, %and3A_3] : memref<128x8xf32, #tpu.memory_space<vmem>>[vector<16xi32>, vector<16xi32>], vector<16xf32>,
        %add3A_117 = arith.addf %gather3A_114, %gather3A_115 : vector<16xf32>
        %add3A_118 = arith.addf %add3A_117, %gather3A_116 : vector<16xf32>
        tpu.vector_store_idx %arg17[%add3A_113, %and3A_3], %add3A_118 : memref<128x8xf32, #tpu.memory_space<vmem>>[vector<16xi32>, vector<16xi32>], vector<16xf32>,
        %scan3A_119 = arith.constant 3 : i32
        %scan3A_120 = arith.addi %scan3A_76, %scan3A_119 : i32
        %mul3A_121 = arith.constant 1 : i32
        %mul3A_122 = arith.muli %scan3A_120, %mul3A_121 : i32
        %add3A_123 = arith.constant 0 : i32
        %add3A_124 = arith.addi %add3A_123, %mul3A_122 : i32
        %mul3A_125 = arith.constant 2 : i32
        %mul3A_126 = arith.muli %add3A_124, %mul3A_125 : i32
        %add3A_127 = vector.broadcast %mul3A_126 : i32 to vector<16xi32>
        %add3A_128 = arith.addi %add3A_127, %shift_right_logical3A_1 : vector<16xi32>
        %gather3A_129 = tpu.vector_load_idx %arg14[%add3A_128, %and3A_3] : memref<128x8xf32, #tpu.memory_space<vmem>>[vector<16xi32>, vector<16xi32>], vector<16xf32>,
        %gather3A_130 = tpu.vector_load_idx %arg15[%add3A_128, %and3A_3] : memref<128x8xf32, #tpu.memory_space<vmem>>[vector<16xi32>, vector<16xi32>], vector<16xf32>,
        %gather3A_131 = tpu.vector_load_idx %arg16[%add3A_128, %and3A_3] : memref<128x8xf32, #tpu.memory_space<vmem>>[vector<16xi32>, vector<16xi32>], vector<16xf32>,
        %add3A_132 = arith.addf %gather3A_129, %gather3A_130 : vector<16xf32>
        %add3A_133 = arith.addf %add3A_132, %gather3A_131 : vector<16xf32>
        tpu.vector_store_idx %arg17[%add3A_128, %and3A_3], %add3A_133 : memref<128x8xf32, #tpu.memory_space<vmem>>[vector<16xi32>, vector<16xi32>], vector<16xf32>,
        %scan3A_134 = arith.constant 4 : i32
        %scan3A_135 = arith.addi %scan3A_76, %scan3A_134 : i32
        %mul3A_136 = arith.constant 1 : i32
        %mul3A_137 = arith.muli %scan3A_135, %mul3A_136 : i32
        %add3A_138 = arith.constant 0 : i32
        %add3A_139 = arith.addi %add3A_138, %mul3A_137 : i32
        %mul3A_140 = arith.constant 2 : i32
        %mul3A_141 = arith.muli %add3A_139, %mul3A_140 : i32
        %add3A_142 = vector.broadcast %mul3A_141 : i32 to vector<16xi32>
        %add3A_143 = arith.addi %add3A_142, %shift_right_logical3A_1 : vector<16xi32>
        %gather3A_144 = tpu.vector_load_idx %arg14[%add3A_143, %and3A_3] : memref<128x8xf32, #tpu.memory_space<vmem>>[vector<16xi32>, vector<16xi32>], vector<16xf32>,
        %gather3A_145 = tpu.vector_load_idx %arg15[%add3A_143, %and3A_3] : memref<128x8xf32, #tpu.memory_space<vmem>>[vector<16xi32>, vector<16xi32>], vector<16xf32>,
        %gather3A_146 = tpu.vector_load_idx %arg16[%add3A_143, %and3A_3] : memref<128x8xf32, #tpu.memory_space<vmem>>[vector<16xi32>, vector<16xi32>], vector<16xf32>,
        %add3A_147 = arith.addf %gather3A_144, %gather3A_145 : vector<16xf32>
        %add3A_148 = arith.addf %add3A_147, %gather3A_146 : vector<16xf32>
        tpu.vector_store_idx %arg17[%add3A_143, %and3A_3], %add3A_148 : memref<128x8xf32, #tpu.memory_space<vmem>>[vector<16xi32>, vector<16xi32>], vector<16xf32>,
        %scan3A_149 = arith.constant 5 : i32
        %scan3A_150 = arith.addi %scan3A_76, %scan3A_149 : i32
        %mul3A_151 = arith.constant 1 : i32
        %mul3A_152 = arith.muli %scan3A_150, %mul3A_151 : i32
        %add3A_153 = arith.constant 0 : i32
        %add3A_154 = arith.addi %add3A_153, %mul3A_152 : i32
        %mul3A_155 = arith.constant 2 : i32
        %mul3A_156 = arith.muli %add3A_154, %mul3A_155 : i32
        %add3A_157 = vector.broadcast %mul3A_156 : i32 to vector<16xi32>
        %add3A_158 = arith.addi %add3A_157, %shift_right_logical3A_1 : vector<16xi32>
        %gather3A_159 = tpu.vector_load_idx %arg14[%add3A_158, %and3A_3] : memref<128x8xf32, #tpu.memory_space<vmem>>[vector<16xi32>, vector<16xi32>], vector<16xf32>,
        %gather3A_160 = tpu.vector_load_idx %arg15[%add3A_158, %and3A_3] : memref<128x8xf32, #tpu.memory_space<vmem>>[vector<16xi32>, vector<16xi32>], vector<16xf32>,
        %gather3A_161 = tpu.vector_load_idx %arg16[%add3A_158, %and3A_3] : memref<128x8xf32, #tpu.memory_space<vmem>>[vector<16xi32>, vector<16xi32>], vector<16xf32>,
        %add3A_162 = arith.addf %gather3A_159, %gather3A_160 : vector<16xf32>
        %add3A_163 = arith.addf %add3A_162, %gather3A_161 : vector<16xf32>
        tpu.vector_store_idx %arg17[%add3A_158, %and3A_3], %add3A_163 : memref<128x8xf32, #tpu.memory_space<vmem>>[vector<16xi32>, vector<16xi32>], vector<16xf32>,
        %scan3A_164 = arith.constant 6 : i32
        %scan3A_165 = arith.addi %scan3A_76, %scan3A_164 : i32
        %mul3A_166 = arith.constant 1 : i32
        %mul3A_167 = arith.muli %scan3A_165, %mul3A_166 : i32
        %add3A_168 = arith.constant 0 : i32
        %add3A_169 = arith.addi %add3A_168, %mul3A_167 : i32
        %mul3A_170 = arith.constant 2 : i32
        %mul3A_171 = arith.muli %add3A_169, %mul3A_170 : i32
        %add3A_172 = vector.broadcast %mul3A_171 : i32 to vector<16xi32>
        %add3A_173 = arith.addi %add3A_172, %shift_right_logical3A_1 : vector<16xi32>
        %gather3A_174 = tpu.vector_load_idx %arg14[%add3A_173, %and3A_3] : memref<128x8xf32, #tpu.memory_space<vmem>>[vector<16xi32>, vector<16xi32>], vector<16xf32>,
        %gather3A_175 = tpu.vector_load_idx %arg15[%add3A_173, %and3A_3] : memref<128x8xf32, #tpu.memory_space<vmem>>[vector<16xi32>, vector<16xi32>], vector<16xf32>,
        %gather3A_176 = tpu.vector_load_idx %arg16[%add3A_173, %and3A_3] : memref<128x8xf32, #tpu.memory_space<vmem>>[vector<16xi32>, vector<16xi32>], vector<16xf32>,
        %add3A_177 = arith.addf %gather3A_174, %gather3A_175 : vector<16xf32>
        %add3A_178 = arith.addf %add3A_177, %gather3A_176 : vector<16xf32>
        tpu.vector_store_idx %arg17[%add3A_173, %and3A_3], %add3A_178 : memref<128x8xf32, #tpu.memory_space<vmem>>[vector<16xi32>, vector<16xi32>], vector<16xf32>,
        %scan3A_179 = arith.constant 7 : i32
        %scan3A_180 = arith.addi %scan3A_76, %scan3A_179 : i32
        %mul3A_181 = arith.constant 1 : i32
        %mul3A_182 = arith.muli %scan3A_180, %mul3A_181 : i32
        %add3A_183 = arith.constant 0 : i32
        %add3A_184 = arith.addi %add3A_183, %mul3A_182 : i32
        %mul3A_185 = arith.constant 2 : i32
        %mul3A_186 = arith.muli %add3A_184, %mul3A_185 : i32
        %add3A_187 = vector.broadcast %mul3A_186 : i32 to vector<16xi32>
        %add3A_188 = arith.addi %add3A_187, %shift_right_logical3A_1 : vector<16xi32>
        %gather3A_189 = tpu.vector_load_idx %arg14[%add3A_188, %and3A_3] : memref<128x8xf32, #tpu.memory_space<vmem>>[vector<16xi32>, vector<16xi32>], vector<16xf32>,
        %gather3A_190 = tpu.vector_load_idx %arg15[%add3A_188, %and3A_3] : memref<128x8xf32, #tpu.memory_space<vmem>>[vector<16xi32>, vector<16xi32>], vector<16xf32>,
        %gather3A_191 = tpu.vector_load_idx %arg16[%add3A_188, %and3A_3] : memref<128x8xf32, #tpu.memory_space<vmem>>[vector<16xi32>, vector<16xi32>], vector<16xf32>,
        %add3A_192 = arith.addf %gather3A_189, %gather3A_190 : vector<16xf32>
        %add3A_193 = arith.addf %add3A_192, %gather3A_191 : vector<16xf32>
        tpu.vector_store_idx %arg17[%add3A_188, %and3A_3], %add3A_193 : memref<128x8xf32, #tpu.memory_space<vmem>>[vector<16xi32>, vector<16xi32>], vector<16xf32>,
      }
      %scan3A_75 = arith.constant 64 : i32
      "tpu.region"() ({
        %run_scoped3A = tpu.sem_alloc : memref<!tpu.dma_semaphore, #tpu.memory_space<semaphore_mem>>
        %dma_start3A = arith.constant 0 : i32
        %dma_start3A_76 = arith.constant 0 : i32
        %dma_start3A_77 = tpu.memref_slice %arg7[%dma_start3A, %dma_start3A_76] : memref<200704x8xf32, #tpu.memory_space<vmem_shared>> -> memref<200704x8xf32, #tpu.memory_space<vmem_shared>>
        tpu.enqueue_indirect_dma source(%arg17 : memref<128x8xf32, #tpu.memory_space<vmem>>) target(%dma_start3A_77 : memref<200704x8xf32, #tpu.memory_space<vmem_shared>>) offsets(%arg11 : memref<128xi32, #tpu.memory_space<vmem>>) semaphore(%run_scoped3A : memref<!tpu.dma_semaphore, #tpu.memory_space<semaphore_mem>>) {add = true}
        %dma_wait3A = arith.constant 0 : i32
        %dma_wait3A_78 = arith.constant 0 : i32
        %dma_wait3A_79 = tpu.memref_slice %arg7[%dma_wait3A, %dma_wait3A_78] : memref<200704x8xf32, #tpu.memory_space<vmem_shared>> -> memref<200704x8xf32, #tpu.memory_space<vmem_shared>>
        tpu.wait_indirect_dma semaphore(%run_scoped3A : memref<!tpu.dma_semaphore, #tpu.memory_space<semaphore_mem>>) src(%arg17 : memref<128x8xf32, #tpu.memory_space<vmem>>) dst(%dma_wait3A_79 : memref<200704x8xf32, #tpu.memory_space<vmem_shared>>)
        tpu.yield
      }) : () -> ()
      "tpu.region"() ({
        %run_scoped3A = tpu.sem_alloc : memref<!tpu.dma_semaphore, #tpu.memory_space<semaphore_mem>>
        %dma_start3A = arith.constant 0 : i32
        %dma_start3A_76 = arith.constant 0 : i32
        %dma_start3A_77 = tpu.memref_slice %arg7[%dma_start3A, %dma_start3A_76] : memref<200704x8xf32, #tpu.memory_space<vmem_shared>> -> memref<200704x8xf32, #tpu.memory_space<vmem_shared>>
        tpu.enqueue_indirect_dma source(%arg17 : memref<128x8xf32, #tpu.memory_space<vmem>>) target(%dma_start3A_77 : memref<200704x8xf32, #tpu.memory_space<vmem_shared>>) offsets(%arg12 : memref<128xi32, #tpu.memory_space<vmem>>) semaphore(%run_scoped3A : memref<!tpu.dma_semaphore, #tpu.memory_space<semaphore_mem>>) {add = true}
        %dma_wait3A = arith.constant 0 : i32
        %dma_wait3A_78 = arith.constant 0 : i32
        %dma_wait3A_79 = tpu.memref_slice %arg7[%dma_wait3A, %dma_wait3A_78] : memref<200704x8xf32, #tpu.memory_space<vmem_shared>> -> memref<200704x8xf32, #tpu.memory_space<vmem_shared>>
        tpu.wait_indirect_dma semaphore(%run_scoped3A : memref<!tpu.dma_semaphore, #tpu.memory_space<semaphore_mem>>) src(%arg17 : memref<128x8xf32, #tpu.memory_space<vmem>>) dst(%dma_wait3A_79 : memref<200704x8xf32, #tpu.memory_space<vmem_shared>>)
        tpu.yield
      }) : () -> ()
      "tpu.region"() ({
        %run_scoped3A = tpu.sem_alloc : memref<!tpu.dma_semaphore, #tpu.memory_space<semaphore_mem>>
        %dma_start3A = arith.constant 0 : i32
        %dma_start3A_76 = arith.constant 0 : i32
        %dma_start3A_77 = tpu.memref_slice %arg7[%dma_start3A, %dma_start3A_76] : memref<200704x8xf32, #tpu.memory_space<vmem_shared>> -> memref<200704x8xf32, #tpu.memory_space<vmem_shared>>
        tpu.enqueue_indirect_dma source(%arg17 : memref<128x8xf32, #tpu.memory_space<vmem>>) target(%dma_start3A_77 : memref<200704x8xf32, #tpu.memory_space<vmem_shared>>) offsets(%arg13 : memref<128xi32, #tpu.memory_space<vmem>>) semaphore(%run_scoped3A : memref<!tpu.dma_semaphore, #tpu.memory_space<semaphore_mem>>) {add = true}
        %dma_wait3A = arith.constant 0 : i32
        %dma_wait3A_78 = arith.constant 0 : i32
        %dma_wait3A_79 = tpu.memref_slice %arg7[%dma_wait3A, %dma_wait3A_78] : memref<200704x8xf32, #tpu.memory_space<vmem_shared>> -> memref<200704x8xf32, #tpu.memory_space<vmem_shared>>
        tpu.wait_indirect_dma semaphore(%run_scoped3A : memref<!tpu.dma_semaphore, #tpu.memory_space<semaphore_mem>>) src(%arg17 : memref<128x8xf32, #tpu.memory_space<vmem>>) dst(%dma_wait3A_79 : memref<200704x8xf32, #tpu.memory_space<vmem_shared>>)
        tpu.yield
      }) : () -> ()
    }
    %scan3A_45 = arith.constant 98 : i32
    %barrier3A_46 = arith.constant 0 : index
    tpu.barrier barrier_id(%barrier3A_46)
    %scan3A_47 = arith.constant 0 : i32
    %scan3A_48 = arith.constant 8 : i32
    %scan3A_49 = arith.addi %scan3A_47, %scan3A_48 : i32
    %scan3A_50 = arith.constant 1 : i32
    scf.for %scan3A_52 = %scan3A_47 to %scan3A_49 step %scan3A_50  : i32 {
      %mul3A_53 = arith.constant 1 : i32
      %mul3A_54 = arith.muli %scan3A_52, %mul3A_53 : i32
      %add3A_55 = arith.constant 0 : i32
      %add3A_56 = arith.addi %add3A_55, %mul3A_54 : i32
      %mul3A_57 = arith.constant 6272 : i32
      %mul3A_58 = arith.muli %arg1, %mul3A_57 : i32
      %mul3A_59 = arith.constant 784 : i32
      %mul3A_60 = arith.muli %add3A_56, %mul3A_59 : i32
      %add3A_61 = arith.addi %mul3A_58, %mul3A_60 : i32
      %mul3A_62 = arith.constant 6272 : i32
      %mul3A_63 = arith.muli %arg1, %mul3A_62 : i32
      %add3A_64 = arith.constant 100352 : i32
      %add3A_65 = arith.addi %add3A_64, %mul3A_63 : i32
      %mul3A_66 = arith.constant 784 : i32
      %mul3A_67 = arith.muli %add3A_56, %mul3A_66 : i32
      %add3A_68 = arith.addi %add3A_65, %mul3A_67 : i32
      "tpu.region"() ({
        %run_scoped3A = tpu.sem_alloc : memref<!tpu.dma_semaphore, #tpu.memory_space<semaphore_mem>>
        %dma_start3A = arith.constant 0 : i32
        %dma_start3A_74 = tpu.memref_slice %arg7[%add3A_68, %dma_start3A] : memref<200704x8xf32, #tpu.memory_space<vmem_shared>> -> memref<784x8xf32, #tpu.memory_space<vmem_shared>>
        %dma_start3A_75 = arith.constant 0 : i32
        %dma_start3A_76 = tpu.memref_slice %arg7[%add3A_68, %dma_start3A_75] : memref<200704x8xf32, #tpu.memory_space<vmem_shared>> -> memref<784x8xf32, #tpu.memory_space<vmem_shared>>
        tpu.enqueue_dma source(%dma_start3A_76 : memref<784x8xf32, #tpu.memory_space<vmem_shared>>) target(%arg19 : memref<784x8xf32, #tpu.memory_space<vmem>>) target_semaphore(%run_scoped3A : memref<!tpu.dma_semaphore, #tpu.memory_space<semaphore_mem>>)
        %dma_wait3A = arith.constant 0 : i32
        %dma_wait3A_77 = tpu.memref_slice %arg7[%add3A_68, %dma_wait3A] : memref<200704x8xf32, #tpu.memory_space<vmem_shared>> -> memref<784x8xf32, #tpu.memory_space<vmem_shared>>
        %dma_wait3A_78 = arith.constant 0 : i32
        %dma_wait3A_79 = tpu.memref_slice %arg7[%add3A_68, %dma_wait3A_78] : memref<200704x8xf32, #tpu.memory_space<vmem_shared>> -> memref<784x8xf32, #tpu.memory_space<vmem_shared>>
        tpu.wait_dma2 semaphore(%run_scoped3A : memref<!tpu.dma_semaphore, #tpu.memory_space<semaphore_mem>>) src(%dma_wait3A_79 : memref<784x8xf32, #tpu.memory_space<vmem_shared>>) dst(%arg19 : memref<784x8xf32, #tpu.memory_space<vmem>>)
        tpu.yield
      }) : () -> ()
      "tpu.region"() ({
        %run_scoped3A = tpu.sem_alloc : memref<!tpu.dma_semaphore, #tpu.memory_space<semaphore_mem>>
        %dma_start3A = arith.constant 0 : i32
        %dma_start3A_74 = tpu.memref_slice %arg7[%add3A_61, %dma_start3A] : memref<200704x8xf32, #tpu.memory_space<vmem_shared>> -> memref<784x8xf32, #tpu.memory_space<vmem_shared>>
        %dma_start3A_75 = arith.constant 0 : i32
        %dma_start3A_76 = tpu.memref_slice %arg7[%add3A_61, %dma_start3A_75] : memref<200704x8xf32, #tpu.memory_space<vmem_shared>> -> memref<784x8xf32, #tpu.memory_space<vmem_shared>>
        tpu.enqueue_dma source(%dma_start3A_76 : memref<784x8xf32, #tpu.memory_space<vmem_shared>>) target(%arg18 : memref<784x8xf32, #tpu.memory_space<vmem>>) target_semaphore(%run_scoped3A : memref<!tpu.dma_semaphore, #tpu.memory_space<semaphore_mem>>)
        %dma_wait3A = arith.constant 0 : i32
        %dma_wait3A_77 = tpu.memref_slice %arg7[%add3A_61, %dma_wait3A] : memref<200704x8xf32, #tpu.memory_space<vmem_shared>> -> memref<784x8xf32, #tpu.memory_space<vmem_shared>>
        %dma_wait3A_78 = arith.constant 0 : i32
        %dma_wait3A_79 = tpu.memref_slice %arg7[%add3A_61, %dma_wait3A_78] : memref<200704x8xf32, #tpu.memory_space<vmem_shared>> -> memref<784x8xf32, #tpu.memory_space<vmem_shared>>
        tpu.wait_dma2 semaphore(%run_scoped3A : memref<!tpu.dma_semaphore, #tpu.memory_space<semaphore_mem>>) src(%dma_wait3A_79 : memref<784x8xf32, #tpu.memory_space<vmem_shared>>) dst(%arg18 : memref<784x8xf32, #tpu.memory_space<vmem>>)
        tpu.yield
      }) : () -> ()
      %scan3A_69 = arith.constant 0 : i32
      %scan3A_70 = arith.constant 392 : i32
      %scan3A_71 = arith.addi %scan3A_69, %scan3A_70 : i32
      %scan3A_72 = arith.constant 8 : i32
      scf.for %scan3A_74 = %scan3A_69 to %scan3A_71 step %scan3A_72  : i32 {
        %mul3A_75 = arith.constant 1 : i32
        %mul3A_76 = arith.muli %scan3A_74, %mul3A_75 : i32
        %add3A_77 = arith.constant 0 : i32
        %add3A_78 = arith.addi %add3A_77, %mul3A_76 : i32
        %mul3A_79 = arith.constant 2 : i32
        %mul3A_80 = arith.muli %add3A_78, %mul3A_79 : i32
        %add3A_81 = vector.broadcast %mul3A_80 : i32 to vector<16xi32>
        %add3A_82 = arith.addi %add3A_81, %shift_right_logical3A_1 : vector<16xi32>
        %gather3A = tpu.vector_load_idx %arg19[%add3A_82, %and3A_3] : memref<784x8xf32, #tpu.memory_space<vmem>>[vector<16xi32>, vector<16xi32>], vector<16xf32>,
        %gather3A_83 = tpu.vector_load_idx %arg19[%add3A_82, %or3A_8] : memref<784x8xf32, #tpu.memory_space<vmem>>[vector<16xi32>, vector<16xi32>], vector<16xf32>,
        %gather3A_84 = tpu.vector_load_idx %arg18[%add3A_82, %and3A_3] : memref<784x8xf32, #tpu.memory_space<vmem>>[vector<16xi32>, vector<16xi32>], vector<16xf32>,
        %mul3A_85 = arith.mulf %gather3A_83, %gather3A_84 : vector<16xf32>
        %sub3A = arith.subf %mul3A_85, %gather3A : vector<16xf32>
        %mul3A_86 = arith.constant 0.666666686 : f32
        %mul3A_87 = vector.broadcast %mul3A_86 : f32 to vector<16xf32>
        %mul3A_88 = arith.mulf %gather3A_83, %mul3A_87 : vector<16xf32>
        %add3A_89 = arith.constant 9.99999996E-13 : f32
        %add3A_90 = vector.broadcast %add3A_89 : f32 to vector<16xf32>
        %add3A_91 = arith.addf %mul3A_88, %add3A_90 : vector<16xf32>
        %div3A = arith.divf %sub3A, %add3A_91 : vector<16xf32>
        tpu.vector_store_idx %arg20[%add3A_82, %and3A_3], %div3A : memref<784x8xf32, #tpu.memory_space<vmem>>[vector<16xi32>, vector<16xi32>], vector<16xf32>,
        %scan3A_92 = arith.constant 1 : i32
        %scan3A_93 = arith.addi %scan3A_74, %scan3A_92 : i32
        %mul3A_94 = arith.constant 1 : i32
        %mul3A_95 = arith.muli %scan3A_93, %mul3A_94 : i32
        %add3A_96 = arith.constant 0 : i32
        %add3A_97 = arith.addi %add3A_96, %mul3A_95 : i32
        %mul3A_98 = arith.constant 2 : i32
        %mul3A_99 = arith.muli %add3A_97, %mul3A_98 : i32
        %add3A_100 = vector.broadcast %mul3A_99 : i32 to vector<16xi32>
        %add3A_101 = arith.addi %add3A_100, %shift_right_logical3A_1 : vector<16xi32>
        %gather3A_102 = tpu.vector_load_idx %arg19[%add3A_101, %and3A_3] : memref<784x8xf32, #tpu.memory_space<vmem>>[vector<16xi32>, vector<16xi32>], vector<16xf32>,
        %gather3A_103 = tpu.vector_load_idx %arg19[%add3A_101, %or3A_8] : memref<784x8xf32, #tpu.memory_space<vmem>>[vector<16xi32>, vector<16xi32>], vector<16xf32>,
        %gather3A_104 = tpu.vector_load_idx %arg18[%add3A_101, %and3A_3] : memref<784x8xf32, #tpu.memory_space<vmem>>[vector<16xi32>, vector<16xi32>], vector<16xf32>,
        %mul3A_105 = arith.mulf %gather3A_103, %gather3A_104 : vector<16xf32>
        %sub3A_106 = arith.subf %mul3A_105, %gather3A_102 : vector<16xf32>
        %mul3A_107 = arith.constant 0.666666686 : f32
        %mul3A_108 = vector.broadcast %mul3A_107 : f32 to vector<16xf32>
        %mul3A_109 = arith.mulf %gather3A_103, %mul3A_108 : vector<16xf32>
        %add3A_110 = arith.constant 9.99999996E-13 : f32
        %add3A_111 = vector.broadcast %add3A_110 : f32 to vector<16xf32>
        %add3A_112 = arith.addf %mul3A_109, %add3A_111 : vector<16xf32>
        %div3A_113 = arith.divf %sub3A_106, %add3A_112 : vector<16xf32>
        tpu.vector_store_idx %arg20[%add3A_101, %and3A_3], %div3A_113 : memref<784x8xf32, #tpu.memory_space<vmem>>[vector<16xi32>, vector<16xi32>], vector<16xf32>,
        %scan3A_114 = arith.constant 2 : i32
        %scan3A_115 = arith.addi %scan3A_74, %scan3A_114 : i32
        %mul3A_116 = arith.constant 1 : i32
        %mul3A_117 = arith.muli %scan3A_115, %mul3A_116 : i32
        %add3A_118 = arith.constant 0 : i32
        %add3A_119 = arith.addi %add3A_118, %mul3A_117 : i32
        %mul3A_120 = arith.constant 2 : i32
        %mul3A_121 = arith.muli %add3A_119, %mul3A_120 : i32
        %add3A_122 = vector.broadcast %mul3A_121 : i32 to vector<16xi32>
        %add3A_123 = arith.addi %add3A_122, %shift_right_logical3A_1 : vector<16xi32>
        %gather3A_124 = tpu.vector_load_idx %arg19[%add3A_123, %and3A_3] : memref<784x8xf32, #tpu.memory_space<vmem>>[vector<16xi32>, vector<16xi32>], vector<16xf32>,
        %gather3A_125 = tpu.vector_load_idx %arg19[%add3A_123, %or3A_8] : memref<784x8xf32, #tpu.memory_space<vmem>>[vector<16xi32>, vector<16xi32>], vector<16xf32>,
        %gather3A_126 = tpu.vector_load_idx %arg18[%add3A_123, %and3A_3] : memref<784x8xf32, #tpu.memory_space<vmem>>[vector<16xi32>, vector<16xi32>], vector<16xf32>,
        %mul3A_127 = arith.mulf %gather3A_125, %gather3A_126 : vector<16xf32>
        %sub3A_128 = arith.subf %mul3A_127, %gather3A_124 : vector<16xf32>
        %mul3A_129 = arith.constant 0.666666686 : f32
        %mul3A_130 = vector.broadcast %mul3A_129 : f32 to vector<16xf32>
        %mul3A_131 = arith.mulf %gather3A_125, %mul3A_130 : vector<16xf32>
        %add3A_132 = arith.constant 9.99999996E-13 : f32
        %add3A_133 = vector.broadcast %add3A_132 : f32 to vector<16xf32>
        %add3A_134 = arith.addf %mul3A_131, %add3A_133 : vector<16xf32>
        %div3A_135 = arith.divf %sub3A_128, %add3A_134 : vector<16xf32>
        tpu.vector_store_idx %arg20[%add3A_123, %and3A_3], %div3A_135 : memref<784x8xf32, #tpu.memory_space<vmem>>[vector<16xi32>, vector<16xi32>], vector<16xf32>,
        %scan3A_136 = arith.constant 3 : i32
        %scan3A_137 = arith.addi %scan3A_74, %scan3A_136 : i32
        %mul3A_138 = arith.constant 1 : i32
        %mul3A_139 = arith.muli %scan3A_137, %mul3A_138 : i32
        %add3A_140 = arith.constant 0 : i32
        %add3A_141 = arith.addi %add3A_140, %mul3A_139 : i32
        %mul3A_142 = arith.constant 2 : i32
        %mul3A_143 = arith.muli %add3A_141, %mul3A_142 : i32
        %add3A_144 = vector.broadcast %mul3A_143 : i32 to vector<16xi32>
        %add3A_145 = arith.addi %add3A_144, %shift_right_logical3A_1 : vector<16xi32>
        %gather3A_146 = tpu.vector_load_idx %arg19[%add3A_145, %and3A_3] : memref<784x8xf32, #tpu.memory_space<vmem>>[vector<16xi32>, vector<16xi32>], vector<16xf32>,
        %gather3A_147 = tpu.vector_load_idx %arg19[%add3A_145, %or3A_8] : memref<784x8xf32, #tpu.memory_space<vmem>>[vector<16xi32>, vector<16xi32>], vector<16xf32>,
        %gather3A_148 = tpu.vector_load_idx %arg18[%add3A_145, %and3A_3] : memref<784x8xf32, #tpu.memory_space<vmem>>[vector<16xi32>, vector<16xi32>], vector<16xf32>,
        %mul3A_149 = arith.mulf %gather3A_147, %gather3A_148 : vector<16xf32>
        %sub3A_150 = arith.subf %mul3A_149, %gather3A_146 : vector<16xf32>
        %mul3A_151 = arith.constant 0.666666686 : f32
        %mul3A_152 = vector.broadcast %mul3A_151 : f32 to vector<16xf32>
        %mul3A_153 = arith.mulf %gather3A_147, %mul3A_152 : vector<16xf32>
        %add3A_154 = arith.constant 9.99999996E-13 : f32
        %add3A_155 = vector.broadcast %add3A_154 : f32 to vector<16xf32>
        %add3A_156 = arith.addf %mul3A_153, %add3A_155 : vector<16xf32>
        %div3A_157 = arith.divf %sub3A_150, %add3A_156 : vector<16xf32>
        tpu.vector_store_idx %arg20[%add3A_145, %and3A_3], %div3A_157 : memref<784x8xf32, #tpu.memory_space<vmem>>[vector<16xi32>, vector<16xi32>], vector<16xf32>,
        %scan3A_158 = arith.constant 4 : i32
        %scan3A_159 = arith.addi %scan3A_74, %scan3A_158 : i32
        %mul3A_160 = arith.constant 1 : i32
        %mul3A_161 = arith.muli %scan3A_159, %mul3A_160 : i32
        %add3A_162 = arith.constant 0 : i32
        %add3A_163 = arith.addi %add3A_162, %mul3A_161 : i32
        %mul3A_164 = arith.constant 2 : i32
        %mul3A_165 = arith.muli %add3A_163, %mul3A_164 : i32
        %add3A_166 = vector.broadcast %mul3A_165 : i32 to vector<16xi32>
        %add3A_167 = arith.addi %add3A_166, %shift_right_logical3A_1 : vector<16xi32>
        %gather3A_168 = tpu.vector_load_idx %arg19[%add3A_167, %and3A_3] : memref<784x8xf32, #tpu.memory_space<vmem>>[vector<16xi32>, vector<16xi32>], vector<16xf32>,
        %gather3A_169 = tpu.vector_load_idx %arg19[%add3A_167, %or3A_8] : memref<784x8xf32, #tpu.memory_space<vmem>>[vector<16xi32>, vector<16xi32>], vector<16xf32>,
        %gather3A_170 = tpu.vector_load_idx %arg18[%add3A_167, %and3A_3] : memref<784x8xf32, #tpu.memory_space<vmem>>[vector<16xi32>, vector<16xi32>], vector<16xf32>,
        %mul3A_171 = arith.mulf %gather3A_169, %gather3A_170 : vector<16xf32>
        %sub3A_172 = arith.subf %mul3A_171, %gather3A_168 : vector<16xf32>
        %mul3A_173 = arith.constant 0.666666686 : f32
        %mul3A_174 = vector.broadcast %mul3A_173 : f32 to vector<16xf32>
        %mul3A_175 = arith.mulf %gather3A_169, %mul3A_174 : vector<16xf32>
        %add3A_176 = arith.constant 9.99999996E-13 : f32
        %add3A_177 = vector.broadcast %add3A_176 : f32 to vector<16xf32>
        %add3A_178 = arith.addf %mul3A_175, %add3A_177 : vector<16xf32>
        %div3A_179 = arith.divf %sub3A_172, %add3A_178 : vector<16xf32>
        tpu.vector_store_idx %arg20[%add3A_167, %and3A_3], %div3A_179 : memref<784x8xf32, #tpu.memory_space<vmem>>[vector<16xi32>, vector<16xi32>], vector<16xf32>,
        %scan3A_180 = arith.constant 5 : i32
        %scan3A_181 = arith.addi %scan3A_74, %scan3A_180 : i32
        %mul3A_182 = arith.constant 1 : i32
        %mul3A_183 = arith.muli %scan3A_181, %mul3A_182 : i32
        %add3A_184 = arith.constant 0 : i32
        %add3A_185 = arith.addi %add3A_184, %mul3A_183 : i32
        %mul3A_186 = arith.constant 2 : i32
        %mul3A_187 = arith.muli %add3A_185, %mul3A_186 : i32
        %add3A_188 = vector.broadcast %mul3A_187 : i32 to vector<16xi32>
        %add3A_189 = arith.addi %add3A_188, %shift_right_logical3A_1 : vector<16xi32>
        %gather3A_190 = tpu.vector_load_idx %arg19[%add3A_189, %and3A_3] : memref<784x8xf32, #tpu.memory_space<vmem>>[vector<16xi32>, vector<16xi32>], vector<16xf32>,
        %gather3A_191 = tpu.vector_load_idx %arg19[%add3A_189, %or3A_8] : memref<784x8xf32, #tpu.memory_space<vmem>>[vector<16xi32>, vector<16xi32>], vector<16xf32>,
        %gather3A_192 = tpu.vector_load_idx %arg18[%add3A_189, %and3A_3] : memref<784x8xf32, #tpu.memory_space<vmem>>[vector<16xi32>, vector<16xi32>], vector<16xf32>,
        %mul3A_193 = arith.mulf %gather3A_191, %gather3A_192 : vector<16xf32>
        %sub3A_194 = arith.subf %mul3A_193, %gather3A_190 : vector<16xf32>
        %mul3A_195 = arith.constant 0.666666686 : f32
        %mul3A_196 = vector.broadcast %mul3A_195 : f32 to vector<16xf32>
        %mul3A_197 = arith.mulf %gather3A_191, %mul3A_196 : vector<16xf32>
        %add3A_198 = arith.constant 9.99999996E-13 : f32
        %add3A_199 = vector.broadcast %add3A_198 : f32 to vector<16xf32>
        %add3A_200 = arith.addf %mul3A_197, %add3A_199 : vector<16xf32>
        %div3A_201 = arith.divf %sub3A_194, %add3A_200 : vector<16xf32>
        tpu.vector_store_idx %arg20[%add3A_189, %and3A_3], %div3A_201 : memref<784x8xf32, #tpu.memory_space<vmem>>[vector<16xi32>, vector<16xi32>], vector<16xf32>,
        %scan3A_202 = arith.constant 6 : i32
        %scan3A_203 = arith.addi %scan3A_74, %scan3A_202 : i32
        %mul3A_204 = arith.constant 1 : i32
        %mul3A_205 = arith.muli %scan3A_203, %mul3A_204 : i32
        %add3A_206 = arith.constant 0 : i32
        %add3A_207 = arith.addi %add3A_206, %mul3A_205 : i32
        %mul3A_208 = arith.constant 2 : i32
        %mul3A_209 = arith.muli %add3A_207, %mul3A_208 : i32
        %add3A_210 = vector.broadcast %mul3A_209 : i32 to vector<16xi32>
        %add3A_211 = arith.addi %add3A_210, %shift_right_logical3A_1 : vector<16xi32>
        %gather3A_212 = tpu.vector_load_idx %arg19[%add3A_211, %and3A_3] : memref<784x8xf32, #tpu.memory_space<vmem>>[vector<16xi32>, vector<16xi32>], vector<16xf32>,
        %gather3A_213 = tpu.vector_load_idx %arg19[%add3A_211, %or3A_8] : memref<784x8xf32, #tpu.memory_space<vmem>>[vector<16xi32>, vector<16xi32>], vector<16xf32>,
        %gather3A_214 = tpu.vector_load_idx %arg18[%add3A_211, %and3A_3] : memref<784x8xf32, #tpu.memory_space<vmem>>[vector<16xi32>, vector<16xi32>], vector<16xf32>,
        %mul3A_215 = arith.mulf %gather3A_213, %gather3A_214 : vector<16xf32>
        %sub3A_216 = arith.subf %mul3A_215, %gather3A_212 : vector<16xf32>
        %mul3A_217 = arith.constant 0.666666686 : f32
        %mul3A_218 = vector.broadcast %mul3A_217 : f32 to vector<16xf32>
        %mul3A_219 = arith.mulf %gather3A_213, %mul3A_218 : vector<16xf32>
        %add3A_220 = arith.constant 9.99999996E-13 : f32
        %add3A_221 = vector.broadcast %add3A_220 : f32 to vector<16xf32>
        %add3A_222 = arith.addf %mul3A_219, %add3A_221 : vector<16xf32>
        %div3A_223 = arith.divf %sub3A_216, %add3A_222 : vector<16xf32>
        tpu.vector_store_idx %arg20[%add3A_211, %and3A_3], %div3A_223 : memref<784x8xf32, #tpu.memory_space<vmem>>[vector<16xi32>, vector<16xi32>], vector<16xf32>,
        %scan3A_224 = arith.constant 7 : i32
        %scan3A_225 = arith.addi %scan3A_74, %scan3A_224 : i32
        %mul3A_226 = arith.constant 1 : i32
        %mul3A_227 = arith.muli %scan3A_225, %mul3A_226 : i32
        %add3A_228 = arith.constant 0 : i32
        %add3A_229 = arith.addi %add3A_228, %mul3A_227 : i32
        %mul3A_230 = arith.constant 2 : i32
        %mul3A_231 = arith.muli %add3A_229, %mul3A_230 : i32
        %add3A_232 = vector.broadcast %mul3A_231 : i32 to vector<16xi32>
        %add3A_233 = arith.addi %add3A_232, %shift_right_logical3A_1 : vector<16xi32>
        %gather3A_234 = tpu.vector_load_idx %arg19[%add3A_233, %and3A_3] : memref<784x8xf32, #tpu.memory_space<vmem>>[vector<16xi32>, vector<16xi32>], vector<16xf32>,
        %gather3A_235 = tpu.vector_load_idx %arg19[%add3A_233, %or3A_8] : memref<784x8xf32, #tpu.memory_space<vmem>>[vector<16xi32>, vector<16xi32>], vector<16xf32>,
        %gather3A_236 = tpu.vector_load_idx %arg18[%add3A_233, %and3A_3] : memref<784x8xf32, #tpu.memory_space<vmem>>[vector<16xi32>, vector<16xi32>], vector<16xf32>,
        %mul3A_237 = arith.mulf %gather3A_235, %gather3A_236 : vector<16xf32>
        %sub3A_238 = arith.subf %mul3A_237, %gather3A_234 : vector<16xf32>
        %mul3A_239 = arith.constant 0.666666686 : f32
        %mul3A_240 = vector.broadcast %mul3A_239 : f32 to vector<16xf32>
        %mul3A_241 = arith.mulf %gather3A_235, %mul3A_240 : vector<16xf32>
        %add3A_242 = arith.constant 9.99999996E-13 : f32
        %add3A_243 = vector.broadcast %add3A_242 : f32 to vector<16xf32>
        %add3A_244 = arith.addf %mul3A_241, %add3A_243 : vector<16xf32>
        %div3A_245 = arith.divf %sub3A_238, %add3A_244 : vector<16xf32>
        tpu.vector_store_idx %arg20[%add3A_233, %and3A_3], %div3A_245 : memref<784x8xf32, #tpu.memory_space<vmem>>[vector<16xi32>, vector<16xi32>], vector<16xf32>,
      }
      %scan3A_73 = arith.constant 392 : i32
      "tpu.region"() ({
        %run_scoped3A = tpu.sem_alloc : memref<!tpu.dma_semaphore, #tpu.memory_space<semaphore_mem>>
        %dma_start3A = arith.constant 0 : i32
        %dma_start3A_74 = tpu.memref_slice %arg6[%add3A_32, %add3A_61, %dma_start3A] : memref<4x100352x8xf32, #tpu.memory_space<hbm>> -> memref<1x784x8xf32, #tpu.memory_space<hbm>>
        %dma_start3A_75 = tpu.memref_squeeze %dma_start3A_74 : memref<1x784x8xf32, #tpu.memory_space<hbm>> -> memref<784x8xf32, #tpu.memory_space<hbm>>
        %dma_start3A_76 = arith.constant 0 : i32
        %dma_start3A_77 = tpu.memref_slice %arg6[%add3A_32, %add3A_61, %dma_start3A_76] : memref<4x100352x8xf32, #tpu.memory_space<hbm>> -> memref<1x784x8xf32, #tpu.memory_space<hbm>>
        %dma_start3A_78 = tpu.memref_squeeze %dma_start3A_77 : memref<1x784x8xf32, #tpu.memory_space<hbm>> -> memref<784x8xf32, #tpu.memory_space<hbm>>
        tpu.enqueue_dma source(%arg20 : memref<784x8xf32, #tpu.memory_space<vmem>>) target(%dma_start3A_78 : memref<784x8xf32, #tpu.memory_space<hbm>>) target_semaphore(%run_scoped3A : memref<!tpu.dma_semaphore, #tpu.memory_space<semaphore_mem>>)
        %dma_wait3A = arith.constant 0 : i32
        %dma_wait3A_79 = tpu.memref_slice %arg6[%add3A_32, %add3A_61, %dma_wait3A] : memref<4x100352x8xf32, #tpu.memory_space<hbm>> -> memref<1x784x8xf32, #tpu.memory_space<hbm>>
        %dma_wait3A_80 = tpu.memref_squeeze %dma_wait3A_79 : memref<1x784x8xf32, #tpu.memory_space<hbm>> -> memref<784x8xf32, #tpu.memory_space<hbm>>
        %dma_wait3A_81 = arith.constant 0 : i32
        %dma_wait3A_82 = tpu.memref_slice %arg6[%add3A_32, %add3A_61, %dma_wait3A_81] : memref<4x100352x8xf32, #tpu.memory_space<hbm>> -> memref<1x784x8xf32, #tpu.memory_space<hbm>>
        %dma_wait3A_83 = tpu.memref_squeeze %dma_wait3A_82 : memref<1x784x8xf32, #tpu.memory_space<hbm>> -> memref<784x8xf32, #tpu.memory_space<hbm>>
        tpu.wait_dma2 semaphore(%run_scoped3A : memref<!tpu.dma_semaphore, #tpu.memory_space<semaphore_mem>>) src(%arg20 : memref<784x8xf32, #tpu.memory_space<vmem>>) dst(%dma_wait3A_83 : memref<784x8xf32, #tpu.memory_space<hbm>>)
        tpu.yield
      }) : () -> ()
    }
    %scan3A_51 = arith.constant 8 : i32
    return
  }
}

</mosaic_0001>

<sc_bundles>
// kernel: kernel.3.cloned.1.call-start
scs
__scs_entry_jumppad:
0x0: {  	(pc) =	sbr.rel $0x88, $3  }
0x1: {  	(tag) =	ssettag $0x0;
	lr =	simm.s32 $0x1  }
0x2: {  	[smem:$0x3F9F] =	sst lr;
	_ =	strace $0xD0000000  }
0x3: {  	_ = 	snop  }
0x4: {  	_ = 	snop  }
0x5: {  	_ = 	snop  }
0x6: {  	_ = 	snop  }
0x7: {  	_ = 	snop  }
__scs_overlays_trampoline_lowered:
0x8: {  	[smem:$0x3FAE] =	sst s0  }
0x9: {  	[smem:$0x3FAF] =	sst s1  }
0xa: {  	[smem:$0x3FB0] =	sst s2  }
0xb: {  	[smem:$0x3FB1] =	sst s3  }
0xc: {  	[smem:$0x3FB2] =	sst s4  }
0xd: {  	[smem:$0x3FB3] =	sst s5  }
0xe: {  	[smem:$0x3FB4] =	sst s6  }
0xf: {  	[smem:$0x3FB5] =	sst s7  }
0x10: {  	[smem:$0x3FB6] =	sst s8  }
0x11: {  	[smem:$0x3FB7] =	sst s9;
	s0 =	simm.s32 @!p0 $0x0  }
0x12: {  	s1 =	sld [smem:$0x3F9D];
	s0 =	simm.s32 @p0 $0x1  }
0x13: {  	[smem:$0x3FB8] =	sst s0;
	s0 =	simm.s32 @!p1 $0x0  }
0x14: {  	s2 =	sld [smem:$0x3F9C];
	s0 =	simm.s32 @p1 $0x1  }
0x15: {  	[smem:$0x3FB9] =	sst s0;
	s0 =	simm.s32 @!p2 $0x0  }
0x16: {  	s3 =	sld [smem:$0x3FDB];
	s0 =	simm.s32 @p2 $0x1  }
0x17: {  	s4 =	simm.s32 $0x1BF5;
	[smem:$0x3FBB] =	sst s0  }
0x18: {  	s0 =	sld [smem:$0x3F9E];
	_ =	swait.ge [sflag:s4], $0x0  }
0x19: {  	s7 =	sld [smem:$0x3F9F]  }
0x1a: {  	s8 =	sadd.s32 $0xFFFFE003, lr  }
0x1b: {  	s9 =	sadd.s32 $0xFFFFFEF7, lr;
	s5 =	simm.s32 $0xFFFFFFFF;
	p2 =	slt.u32 s8, $0xFFFFF086  }
0x1c: {  	p1 =	slt.u32 s9, $0xF7A;
	s5 =	simm.s32 @!p2 $0x0  }
0x1d: {  	s5 =	simm.s32 @p1 $0x1;
	p0 =	seq.s32 s7, s2  }
0x1e: {  	s7 =	smul.u32 @!p0 $0xF7A, s2;
	p2 =	seq.s32 @!p0 s5, $0x0  }
0x1f: {  	s9 =	smul.u32 $0xF7A, s1;
	s8 =	simm.s32 @!p0 $0x1BF5;
	p2 =	por !p2, p0  }
0x20: {  	[sflag:s8] =	ssyncset.s32 @!p0 $0xFFFFF086;
	s6 =	sadd.s32 @!p0 s3, s7;
	s7 =	simm.s32 @!p0 $0x108  }
0x21: {  	s3 =	sadd.s32 s3, s9;
	s6 =	sadd.s32 @!p0 $0x88, s6;
	s7 =	simm.s32 @p2 $0x1082  }
0x22: {  	[simem:s7], [sflag:s8] =	dma.local @!p0 [hbm:s6], $0xF7A  }
0x23: {  	s9 =	sor.u32 $0xD0000000, s2;
	s6 =	simm.s32 $0x108;
	_ =	swait.ge @!p0 [sflag:s8], $0x0  }
0x24: {  	s3 =	sadd.s32 $0x88, s3;
	s6 =	simm.s32 @!p1 $0x1082;
	[sflag:s4] =	ssyncset.s32 $0xFFFFF086  }
0x25: {  	[simem:s6], [sflag:s4] =	dma.local [hbm:s3], $0xF7A  }
0x26: {  	[smem:$0x3F9F] =	sst s1;
	(tag) =	ssettag s2;
	_ =	strace s9  }
0x27: {  	s1 =	sld [smem:$0x3FAF]  }
0x28: {  	s2 =	sld [smem:$0x3FB0]  }
0x29: {  	s4 =	sld [smem:$0x3FB2]  }
0x2a: {  	p0 =	seq.s32 s5, $0x0;
	s5 =	sld [smem:$0x3FB3]  }
0x2b: {  	s6 =	sld [smem:$0x3FB4]  }
0x2c: {  	s7 =	sld [smem:$0x3FB5]  }
0x2d: {  	s3 =	simm.s32 $0x108;
	s8 =	sld [smem:$0x3FB6]  }
0x2e: {  	s3 =	simm.s32 @!p0 $0x1082;
	s9 =	sld [smem:$0x3FB7]  }
0x2f: {  	lr =	sadd.s32 s0, s3;
	s0 =	sld [smem:$0x3FAE]  }
0x30: {  	s3 =	sld [smem:$0x3FB1]  }
0x31: {  	[smem:$0x3FBA] =	sst s10  }
0x32: {  	s10 =	sld [smem:$0x3FB8];
	_ =	sdelay $0x3  }
0x33: {  	p0 =	seq.s32 s10, $0x1;
	s10 =	sld [smem:$0x3FBA];
	_ =	sdelay $0x3  }
0x34: {  	[smem:$0x3FBA] =	sst s10  }
0x35: {  	s10 =	sld [smem:$0x3FB9];
	_ =	sdelay $0x3  }
0x36: {  	p1 =	seq.s32 s10, $0x1;
	s10 =	sld [smem:$0x3FBA];
	_ =	sdelay $0x3  }
0x37: {  	[smem:$0x3FBA] =	sst s10  }
0x38: {  	s10 =	sld [smem:$0x3FBB]  }
0x39: {  	_ = 	snop;
	(pc) =	sbr.ind lr, $3  }
0x3a: {  	_ = 	snop  }
0x3b: {  	_ = 	snop  }
0x3c: {  	p2 =	seq.s32 s10, $0x1;
	s10 =	sld [smem:$0x3FBA]  }
0x3d: {  	_ =	shalt  }
0x3e: {  	_ =	shalt  }
0x3f: {  	_ =	shalt  }
0x40: {  	_ =	shalt  }
0x41: {  	_ =	shalt  }
0x42: {  	_ =	shalt  }
0x43: {  	_ =	shalt  }
0x44: {  	_ =	shalt  }
0x45: {  	_ =	shalt  }
0x46: {  	_ =	shalt  }
0x47: {  	_ =	shalt  }
0x48: {  	_ =	shalt  }
0x49: {  	_ =	shalt  }
0x4a: {  	_ =	shalt  }
0x4b: {  	_ =	shalt  }
0x4c: {  	_ =	shalt  }
0x4d: {  	_ =	shalt  }
0x4e: {  	_ =	shalt  }
0x4f: {  	_ =	shalt  }
0x50: {  	_ =	shalt  }
0x51: {  	_ =	shalt  }
0x52: {  	_ =	shalt  }
0x53: {  	_ =	shalt  }
0x54: {  	_ =	shalt  }
0x55: {  	_ =	shalt  }
0x56: {  	_ =	shalt  }
0x57: {  	_ =	shalt  }
0x58: {  	_ =	shalt  }
0x59: {  	_ =	shalt  }
0x5a: {  	_ =	shalt  }
0x5b: {  	_ =	shalt  }
0x5c: {  	_ =	shalt  }
0x5d: {  	_ =	shalt  }
0x5e: {  	_ =	shalt  }
0x5f: {  	_ =	shalt  }
0x60: {  	_ =	shalt  }
0x61: {  	_ =	shalt  }
0x62: {  	_ =	shalt  }
0x63: {  	_ =	shalt  }
0x64: {  	_ =	shalt  }
0x65: {  	_ =	shalt  }
0x66: {  	_ =	shalt  }
0x67: {  	_ =	shalt  }
0x68: {  	_ =	shalt  }
0x69: {  	_ =	shalt  }
0x6a: {  	_ =	shalt  }
0x6b: {  	_ =	shalt  }
0x6c: {  	_ =	shalt  }
0x6d: {  	_ =	shalt  }
0x6e: {  	_ =	shalt  }
0x6f: {  	_ =	shalt  }
0x70: {  	_ =	shalt  }
0x71: {  	_ =	shalt  }
0x72: {  	_ =	shalt  }
0x73: {  	_ =	shalt  }
0x74: {  	_ =	shalt  }
0x75: {  	_ =	shalt  }
0x76: {  	_ =	shalt  }
0x77: {  	_ =	shalt  }
0x78: {  	_ =	shalt  }
0x79: {  	_ =	shalt  }
0x7a: {  	_ =	shalt  }
0x7b: {  	_ =	shalt  }
0x7c: {  	_ =	shalt  }
0x7d: {  	_ =	shalt  }
0x7e: {  	_ =	shalt  }
0x7f: {  	_ =	shalt  }
0x80: {  	_ =	shalt  }
0x81: {  	_ =	shalt  }
0x82: {  	_ =	shalt  }
0x83: {  	_ =	shalt  }
0x84: {  	_ =	shalt  }
0x85: {  	_ =	shalt  }
0x86: {  	_ =	shalt  }
0x87: {  	_ =	shalt  }
.Lfunc_end0:
.L_simem_size_0:
called_computation_lowered:
.L_overlay_start_0:
0x88: {  	s2 =	sld [smem:$0x3FD9]  }
0x89: {  	s3 =	sld [smem:$0x3FFE];
	_ =	sdelay $0x1  }
0x8a: {  	s1 =	srdreg.scid  }
0x8b: {  	s0 =	sand.u32 $0x1, s1  }
0x8c: {  	s17 =	sshll.u32 s0, $0xA;
	s2 =	sadd.s32 s3, s2  }
0x8d: {  	s2 =	sadd.s32 s2, s17  }
0x8e: {  	[smem:$0x3FC6] =	sst s2  }
0x8f: {  	_ = 	snop  }
0x90: {  	s2 =	sld [smem:$0x3FD0];
	(tm) =	ssettm $0x1  }
0x91: {  	s18 =	sld [smem:$0x3FFB];
	_ =	sdelay $0x3  }
0x92: {  	_ =	strace s18  }
0x93: {  	s3 =	sld [smem:$0x3FFC];
	_ =	sdelay $0x3  }
0x94: {  	_ =	strace s3  }
0x95: {  	s3 =	sld [smem:$0x3FFD];
	_ =	sdelay $0x3  }
0x96: {  	_ =	strace s3  }
0x97: {  	_ =	strace $0x8FFFFFFF  }
0x98: {  	s19 =	sld [smem:$0x3FDB];
	_ =	sdelay $0x1  }
0x99: {  	s4 =	simm.s32 $_scs_section_size  }
0x9a: {  	s5 =	simm.s32 $_size__tile_overlayer_lowered;
	s6 =	simm.s32 $_tile_overlayer_lowered  }
0x9b: {  	s22 =	simm.s32 $0x1BFF;
	s21 =	sshll.u32 s6, $0x1;
	s3 =	sadd.s32 s4, s19  }
0x9c: {  	s7 =	simm.s32 $0x0;
	s20 =	sshll.u32 s5, $0x1;
	s5 =	sadd.s32 s21, s3  }
0x9d: {  	[timem:s7], [sflag:s22] =	dma.local [hbm:s5], s20  }
0x9e: {  	_ =	swait.ge [sflag:s22], s20  }
0x9f: {  	s4 =	ssub.s32 $0x0, s20;
	[sflag:s22] =	ssyncset.done $0x0  }
0xa0: {  	[sflag:s22] =	ssyncadd.s32 s4;
	_ =	sdelay $0x1  }
0xa1: {  	s23 =	simm.s32 $0x1B8B  }
0xa2: {  	_ =	swait.ge [sflag:s23], $0x1  }
0xa3: {  	[sflag:s23] =	ssyncset.done $0x0  }
0xa4: {  	s25 =	simm.s32 $0x1B8E;
	s24 =	sld [smem:$0x3FFE];
	[sflag:s23] =	ssyncadd.s32 $0xFFFFFFFF  }
0xa5: {  	s26 =	simm.s32 $execute0_lowered;
	[smem:$0x3FD2] =	sst s25  }
0xa6: {  	s5 =	sshll.u32 s26, $0x1;
	_ =	strace $0x80000046;
	[dreg:$0x1] =	wrdreg $0xFFFFFFFF  }
0xa7: {  	s28 =	simm.s32 $_size_execute0_lowered;
	s3 =	sadd.s32 s3, s5;
	[dreg:$0x0] =	wrdreg $0x0  }
0xa8: {  	s5 =	sshll.u32 s28, $0x1;
	[dreg:$0x2] =	wrdreg s3  }
0xa9: {  	[dreg:$0x3] =	wrdreg s5  }
0xaa: {  	[dreg:$0x4] =	wrdreg $0xC0  }
0xab: {  	_ =	task [dreg:s7], $0x5FFFF  }
0xac: {  	[dreg:$0x1] =	wrdreg $0xFFFFFFFF  }
0xad: {  	[dreg:$0x0] =	wrdreg $0x60  }
0xae: {  	[dreg:$0x2] =	wrdreg s24  }
0xaf: {  	[dreg:$0x3] =	wrdreg s2  }
0xb0: {  	[dreg:$0x4] =	wrdreg $0x0  }
0xb1: {  	[dreg:$0x5] =	wrdreg $0x9  }
0xb2: {  	_ =	task.clear_ibuf [dreg:s7], $0x6FFFF;
	_ =	strace $0x90000046  }
0xb3: {  	s29 =	simm.s32 $0x9;
	_ =	strace $0x80000048  }
0xb4: {  	_ =	swait.ge [sflag:s29], $0x1  }
0xb5: {  	[sflag:s29] =	ssyncadd.s32 $0xFFFFFFFF  }
0xb6: {  	_ =	strace $0x90000048  }
0xb7: {  	_ =	sfence  }
0xb8: {  	s30 =	sld [smem:$0x0];
	_ =	sdelay $0x2  }
0xb9: {  	s31 =	sshll.u32 s1, $0xD;
	s1 =	sshrl.u32 s1, $0x2  }
0xba: {  	s3 =	sand.u32 $0x4000, s31;
	s1 =	sadd.s32 s1, s30  }
0xbb: {  	s0 =	sor.u32 s3, s0;
	s1 =	sshll.u32 s1, $0x11  }
0xbc: {  	s0 =	sor.u32 s1, s0  }
0xbd: {  	s0 =	sadd.s32 $0x8F2B, s0  }
0xbe: {  	[sflag:s0] =	ssyncadd.remote.s32 $0x1  }
0xbf: {  	_ =	sfence.sel $0xFFFF  }
0xc0: {  	[dreg:$0x0] =	wrdreg $0xFFFFFFFF;
	(pc) =	sbr.abs _section_cstart, $3  }
0xc1: {  	[dreg:$0x1] =	wrdreg $0xFFFFFFFF  }
0xc2: {  	_ =	task.clear_ibuf [dreg:s7], $0x2FFFF;
	_ =	strace $0x9FFFFFFF  }
0xc3: {  	(tm) =	ssettm $0x7FFFFFFF  }
tec
execute0_lowered:
.L_overlay_start_1:
0x0: {  	(tag) =	ssettag $0x1  }
0x1: {  	s0 =	rddreg [dreg:$0x0]  }
0x2: {  	s3 =	rddreg [dreg:$0x2];
	s15 =	stileid.u32  }
0x3: {  	s4 =	simm.s32 $0x0;
	s1 =	srdreg.scid;
	s5 =	smul.u32 $0x1880, s15  }
0x4: {  	[smem:$0x7FF] =	sst s4;
	s1 =	sand.u32 $0x1, s1;
	s11 =	smul.u32 $0x3100, s15  }
0x5: {  	s2 =	sadd.s32 $0xA00, s0;
	s6 =	sadd.s32 $0x62A00, s0;
	s15 =	smul.u32 $0x31000, s15  }
0x6: {  	s7 =	sadd.s32 $0xAC200, s0;
	s0 =	sadd.s32 $0xF5A00, s0;
	s10 =	smul.u32 $0x31000, s1  }
0x7: {  	s8 =	ssub.s32 $0x2, s1;
	s9 =	smul.u32 $0x126000, s1;
	s1 =	sshllo.u32 s1, $0x1  }
0x8: {  	_ =	strace $0x80000047;
	s12 =	sshrl.u32 s8, $0x1;
	s13 =	smul.u32 $0x18800, s1  }
0x9: {  	s1 =	smul.u32 $0x93000, s1;
	s19 =	sshrl.u32 s15, $0x2;
	s14 =	ssub.s32 s8, s12  }
0xa: {  	s8 =	sadd.s32 $0x18800, s5;
	s16 =	sadd.s32 s2, s10;
	s9 =	sadd.s32 s11, s9  }
0xb: {  	s10 =	sadd.s32 s0, s10;
	s15 =	sadd.s32 s19, s3;
	s2 =	sadd.s32 s2, s13  }
0xc: {  	s11 =	sadd.s32 s11, s1;
	s12 =	sadd.s32 s0, s13;
	s18 =	sshll.u32 s8, $0x3  }
0xd: {  	s20 =	smax.u32 s14, $0x1;
	s1 =	sadd.s32 $0x620, s5;
	[dreg:$0x6] =	wrdreg s15  }
0xe: {  	s13 =	sadd.s32 $0x930, s5;
	s26 =	sadd.s32 s5, s16;
	[dreg:$0x4] =	wrdreg s20  }
0xf: {  	s0 =	sadd.s32 s18, s3;
	s17 =	sshll.u32 s1, $0x3;
	[dreg:$0xd] =	wrdreg s26  }
0x10: {  	s18 =	sshll.u32 s13, $0x3;
	[dreg:$0x5] =	wrdreg s0;
	s22 =	sadd.s32 s17, s3  }
0x11: {  	s0 =	sadd.s32 $0x310, s5;
	s23 =	sadd.s32 s18, s3;
	[dreg:$0x8] =	wrdreg s22  }
0x12: {  	s17 =	sadd.s32 $0xF50, s5;
	[dreg:$0x9] =	wrdreg s23;
	s30 =	sadd.s32 s0, s16  }
0x13: {  	s21 =	sshll.u32 s0, $0x3;
	s0 =	sadd.s32 s0, s2;
	[dreg:$0xe] =	wrdreg s30  }
0x14: {  	s20 =	sshll.u32 s17, $0x3;
	s14 =	sadd.s32 s21, s3;
	[dreg:$0x16] =	wrdreg s0  }
0x15: {  	s24 =	sadd.s32 s20, s3;
	[dreg:$0x7] =	wrdreg s14  }
0x16: {  	s18 =	sadd.s32 $0x1260, s5;
	s20 =	sadd.s32 s1, s16;
	[dreg:$0xb] =	wrdreg s24  }
0x17: {  	s21 =	sshll.u32 s18, $0x3;
	s1 =	sadd.s32 s1, s2;
	[dreg:$0xf] =	wrdreg s20  }
0x18: {  	s25 =	sadd.s32 s21, s3;
	[dreg:$0x17] =	wrdreg s1  }
0x19: {  	s23 =	sadd.s32 $0x1570, s5;
	s21 =	sadd.s32 s13, s16;
	[dreg:$0xc] =	wrdreg s25  }
0x1a: {  	s26 =	sshll.u32 s23, $0x3;
	s24 =	sadd.s32 s17, s16;
	[dreg:$0x10] =	wrdreg s21  }
0x1b: {  	s30 =	sadd.s32 s26, s3;
	[dreg:$0x12] =	wrdreg s24  }
0x1c: {  	s13 =	sadd.s32 s13, s2;
	[dreg:$0x15] =	wrdreg s30  }
0x1d: {  	s31 =	simm.s32 $0x19300;
	s17 =	sadd.s32 s17, s2;
	[dreg:$0x18] =	wrdreg s13  }
0x1e: {  	s28 =	simm.s32 $0x1B380;
	s20 =	sadd.s32 s5, s2;
	[dreg:$0x1a] =	wrdreg s17  }
0x1f: {  	s14 =	sadd.s32 $0xC40, s5;
	s26 =	sadd.s32 $0xCD300, s15;
	[dreg:$0x1d] =	wrdreg s20  }
0x20: {  	s29 =	simm.s32 $0x0;
	s22 =	sadd.s32 s14, s16;
	[smem:$0x7FC] =	sst s26  }
0x21: {  	s19 =	sshll.u32 s14, $0x3;
	s25 =	sadd.s32 s18, s16;
	[dreg:$0x11] =	wrdreg s22  }
0x22: {  	s16 =	sadd.s32 s23, s16;
	s18 =	sadd.s32 s18, s2;
	[dreg:$0x13] =	wrdreg s25  }
0x23: {  	s21 =	sadd.s32 $0xC5880, s15;
	s24 =	sadd.s32 $0xCA200, s15;
	[dreg:$0x14] =	wrdreg s16  }
0x24: {  	s30 =	sadd.s32 $0xCEB80, s15;
	s13 =	simm.s32 $0x1CC00;
	[dreg:$0x1b] =	wrdreg s18  }
0x25: {  	s17 =	simm.s32 $0x18900;
	s20 =	simm.s32 $0x18B00;
	[dreg:$0x1e] =	wrdreg s21  }
0x26: {  	s26 =	simm.s32 $0x19700;
	s19 =	sadd.s32 s19, s3;
	[smem:$0x7FA] =	sst s24  }
0x27: {  	s16 =	sadd.s32 s14, s2;
	s22 =	sadd.s32 $0xC7100, s15;
	[smem:$0x7FD] =	sst s30  }
0x28: {  	s25 =	sadd.s32 $0xCBA80, s15;
	s24 =	simm.s32 $0x18800;
	[dreg:$0xa] =	wrdreg s19  }
0x29: {  	s14 =	simm.s32 $0x18880;
	s18 =	simm.s32 $0x18A80;
	[dreg:$0x19] =	wrdreg s16  }
0x2a: {  	s21 =	simm.s32 $0x18F00;
	s19 =	sadd.s32 s23, s2;
	[dreg:$0x1f] =	wrdreg s22  }
0x2b: {  	v1 =	vlaneseq.u32;
	s23 =	sadd.s32 $0xC8980, s15;
	[smem:$0x7FB] =	sst s25;
	s22 =	simm.s32 $0x1  }
0x2c: {  	v0 =	vshrl.u32 v1, $0x3;
	s25 =	simm.s32 $0x18980;
	s16 =	simm.s32 $0x18A00;
	[dreg:$0x1c] =	wrdreg s19  }
0x2d: {  	v1 =	vand.u32 $0x7, v1;
	v0 =	vmul.u32 $0x8, v0;
	[smem:$0x7F9] =	sst s23;
	s23 =	simm.s32 $0x19B00;
	s19 =	simm.s32 $0x80  }
.LBB2_1:
0x2e: {  	s0 =	rddreg [dreg:$0x1]  }
0x2f: {  	[tilespmem:s13], [sflag:$0x1] =	stream.linear.gather [hbm4b:s0+s4], $0x1880, $0x38;
	[tilespmem:$0x1E480] =	vst v63  }
0x30: {  	_ =	swait.ge [sflag:s22], $0x1880  }
0x31: {  	[sflag:s22] =	ssyncset.done $0x0  }
0x32: {  	s1 =	rddreg [dreg:$0x5];
	[sflag:s22] =	ssyncadd.s32 $0xFFFFE780  }
0x33: {  	[spmem:s1] =	stream.linear.scatter [tilespmem:s13], [sflag:$0x1], $0x1880, $0x38;
	[tilespmem:$0x1E480] =	vst v63  }
0x34: {  	_ =	swait.ge [sflag:s22], $0x1880  }
0x35: {  	[sflag:s22] =	ssyncset.done $0x0  }
0x36: {  	s2 =	rddreg [dreg:$0xd];
	[sflag:s22] =	ssyncadd.s32 $0xFFFFE780  }
0x37: {  	[tilespmem:s23], [sflag:$0x1] =	stream.linear.gather [hbm4b:s2+s4], $0x1880, $0x38;
	[tilespmem:$0x1E480] =	vst v63  }
0x38: {  	_ =	swait.ge [sflag:s22], $0x1880  }
0x39: {  	[sflag:s22] =	ssyncset.done $0x0  }
0x3a: {  	s15 =	rddreg [dreg:$0x6];
	[sflag:s22] =	ssyncadd.s32 $0xFFFFE780  }
0x3b: {  	[spmem:s15] =	stream.linear.scatter [tilespmem:s23], [sflag:$0x1], $0x1880, $0x38;
	[tilespmem:$0x1E480] =	vst v63  }
0x3c: {  	_ =	swait.ge [sflag:s22], $0x1880  }
0x3d: {  	[sflag:s22] =	ssyncset.done $0x0  }
0x3e: {  	s30 =	rddreg [dreg:$0x1e];
	[sflag:s22] =	ssyncadd.s32 $0xFFFFE780  }
0x3f: {  	[spmem:s30] =	stream.linear.scatter [tilespmem:s13], [sflag:$0x1], $0x1880, $0x38;
	[tilespmem:$0x1E480] =	vst v63  }
0x40: {  	_ =	swait.ge [sflag:s22], $0x1880  }
0x41: {  	[sflag:s22] =	ssyncset.done $0x0  }
0x42: {  	s1 =	rddreg [dreg:$0xe];
	[sflag:s22] =	ssyncadd.s32 $0xFFFFE780  }
0x43: {  	[tilespmem:s23], [sflag:$0x1] =	stream.linear.gather [hbm4b:s1+s4], $0x1880, $0x38;
	[tilespmem:$0x1E480] =	vst v63  }
0x44: {  	_ =	swait.ge [sflag:s22], $0x1880  }
0x45: {  	[sflag:s22] =	ssyncset.done $0x0  }
0x46: {  	s2 =	rddreg [dreg:$0x7];
	[sflag:s22] =	ssyncadd.s32 $0xFFFFE780  }
0x47: {  	[spmem:s2] =	stream.linear.scatter [tilespmem:s23], [sflag:$0x1], $0x1880, $0x38;
	[tilespmem:$0x1E480] =	vst v63  }
0x48: {  	_ =	swait.ge [sflag:s22], $0x1880  }
0x49: {  	[sflag:s22] =	ssyncset.done $0x0  }
0x4a: {  	s15 =	rddreg [dreg:$0x1f];
	[sflag:s22] =	ssyncadd.s32 $0xFFFFE780  }
0x4b: {  	[spmem:s15] =	stream.linear.scatter [tilespmem:s13], [sflag:$0x1], $0x1880, $0x38;
	[tilespmem:$0x1E480] =	vst v63  }
0x4c: {  	_ =	swait.ge [sflag:s22], $0x1880  }
0x4d: {  	[sflag:s22] =	ssyncset.done $0x0  }
0x4e: {  	s30 =	rddreg [dreg:$0xf];
	[sflag:s22] =	ssyncadd.s32 $0xFFFFE780  }
0x4f: {  	[tilespmem:s23], [sflag:$0x1] =	stream.linear.gather [hbm4b:s30+s4], $0x1880, $0x38;
	[tilespmem:$0x1E480] =	vst v63  }
0x50: {  	_ =	swait.ge [sflag:s22], $0x1880  }
0x51: {  	[sflag:s22] =	ssyncset.done $0x0  }
0x52: {  	s1 =	rddreg [dreg:$0x8];
	[sflag:s22] =	ssyncadd.s32 $0xFFFFE780  }
0x53: {  	[spmem:s1] =	stream.linear.scatter [tilespmem:s23], [sflag:$0x1], $0x1880, $0x38;
	[tilespmem:$0x1E480] =	vst v63  }
0x54: {  	_ =	swait.ge [sflag:s22], $0x1880  }
0x55: {  	s2 =	sld [smem:$0x7F9]  }
0x56: {  	[sflag:s22] =	ssyncset.done $0x0  }
0x57: {  	[sflag:s22] =	ssyncadd.s32 $0xFFFFE780  }
0x58: {  	[spmem:s2] =	stream.linear.scatter [tilespmem:s13], [sflag:$0x1], $0x1880, $0x38;
	[tilespmem:$0x1E480] =	vst v63  }
0x59: {  	_ =	swait.ge [sflag:s22], $0x1880  }
0x5a: {  	[sflag:s22] =	ssyncset.done $0x0  }
0x5b: {  	s15 =	rddreg [dreg:$0x10];
	[sflag:s22] =	ssyncadd.s32 $0xFFFFE780  }
0x5c: {  	[tilespmem:s23], [sflag:$0x1] =	stream.linear.gather [hbm4b:s15+s4], $0x1880, $0x38;
	[tilespmem:$0x1E480] =	vst v63  }
0x5d: {  	_ =	swait.ge [sflag:s22], $0x1880  }
0x5e: {  	[sflag:s22] =	ssyncset.done $0x0  }
0x5f: {  	s30 =	rddreg [dreg:$0x9];
	[sflag:s22] =	ssyncadd.s32 $0xFFFFE780  }
0x60: {  	[spmem:s30] =	stream.linear.scatter [tilespmem:s23], [sflag:$0x1], $0x1880, $0x38;
	[tilespmem:$0x1E480] =	vst v63  }
0x61: {  	_ =	swait.ge [sflag:s22], $0x1880  }
0x62: {  	s1 =	sld [smem:$0x7FA]  }
0x63: {  	[sflag:s22] =	ssyncset.done $0x0  }
0x64: {  	[sflag:s22] =	ssyncadd.s32 $0xFFFFE780  }
0x65: {  	[spmem:s1] =	stream.linear.scatter [tilespmem:s13], [sflag:$0x1], $0x1880, $0x38;
	[tilespmem:$0x1E480] =	vst v63  }
0x66: {  	_ =	swait.ge [sflag:s22], $0x1880  }
0x67: {  	[sflag:s22] =	ssyncset.done $0x0  }
0x68: {  	s2 =	rddreg [dreg:$0x11];
	[sflag:s22] =	ssyncadd.s32 $0xFFFFE780  }
0x69: {  	[tilespmem:s23], [sflag:$0x1] =	stream.linear.gather [hbm4b:s2+s4], $0x1880, $0x38;
	[tilespmem:$0x1E480] =	vst v63  }
0x6a: {  	_ =	swait.ge [sflag:s22], $0x1880  }
0x6b: {  	[sflag:s22] =	ssyncset.done $0x0  }
0x6c: {  	s15 =	rddreg [dreg:$0xa];
	[sflag:s22] =	ssyncadd.s32 $0xFFFFE780  }
0x6d: {  	[spmem:s15] =	stream.linear.scatter [tilespmem:s23], [sflag:$0x1], $0x1880, $0x38;
	[tilespmem:$0x1E480] =	vst v63  }
0x6e: {  	_ =	swait.ge [sflag:s22], $0x1880  }
0x6f: {  	s30 =	sld [smem:$0x7FB]  }
0x70: {  	[sflag:s22] =	ssyncset.done $0x0  }
0x71: {  	[sflag:s22] =	ssyncadd.s32 $0xFFFFE780  }
0x72: {  	[spmem:s30] =	stream.linear.scatter [tilespmem:s13], [sflag:$0x1], $0x1880, $0x38;
	[tilespmem:$0x1E480] =	vst v63  }
0x73: {  	_ =	swait.ge [sflag:s22], $0x1880  }
0x74: {  	[sflag:s22] =	ssyncset.done $0x0  }
0x75: {  	s1 =	rddreg [dreg:$0x12];
	[sflag:s22] =	ssyncadd.s32 $0xFFFFE780  }
0x76: {  	[tilespmem:s23], [sflag:$0x1] =	stream.linear.gather [hbm4b:s1+s4], $0x1880, $0x38;
	[tilespmem:$0x1E480] =	vst v63  }
0x77: {  	_ =	swait.ge [sflag:s22], $0x1880  }
0x78: {  	[sflag:s22] =	ssyncset.done $0x0  }
0x79: {  	s2 =	rddreg [dreg:$0xb];
	[sflag:s22] =	ssyncadd.s32 $0xFFFFE780  }
0x7a: {  	[spmem:s2] =	stream.linear.scatter [tilespmem:s23], [sflag:$0x1], $0x1880, $0x38;
	[tilespmem:$0x1E480] =	vst v63  }
0x7b: {  	_ =	swait.ge [sflag:s22], $0x1880  }
0x7c: {  	s15 =	sld [smem:$0x7FC]  }
0x7d: {  	[sflag:s22] =	ssyncset.done $0x0  }
0x7e: {  	[sflag:s22] =	ssyncadd.s32 $0xFFFFE780  }
0x7f: {  	[spmem:s15] =	stream.linear.scatter [tilespmem:s13], [sflag:$0x1], $0x1880, $0x38;
	[tilespmem:$0x1E480] =	vst v63  }
0x80: {  	_ =	swait.ge [sflag:s22], $0x1880  }
0x81: {  	[sflag:s22] =	ssyncset.done $0x0  }
0x82: {  	s30 =	rddreg [dreg:$0x13];
	[sflag:s22] =	ssyncadd.s32 $0xFFFFE780  }
0x83: {  	[tilespmem:s23], [sflag:$0x1] =	stream.linear.gather [hbm4b:s30+s4], $0x1880, $0x38;
	[tilespmem:$0x1E480] =	vst v63  }
0x84: {  	_ =	swait.ge [sflag:s22], $0x1880  }
0x85: {  	[sflag:s22] =	ssyncset.done $0x0  }
0x86: {  	s1 =	rddreg [dreg:$0xc];
	[sflag:s22] =	ssyncadd.s32 $0xFFFFE780  }
0x87: {  	[spmem:s1] =	stream.linear.scatter [tilespmem:s23], [sflag:$0x1], $0x1880, $0x38;
	[tilespmem:$0x1E480] =	vst v63  }
0x88: {  	_ =	swait.ge [sflag:s22], $0x1880  }
0x89: {  	s2 =	sld [smem:$0x7FD]  }
0x8a: {  	[sflag:s22] =	ssyncset.done $0x0  }
0x8b: {  	[sflag:s22] =	ssyncadd.s32 $0xFFFFE780  }
0x8c: {  	[spmem:s2] =	stream.linear.scatter [tilespmem:s13], [sflag:$0x1], $0x1880, $0x38;
	[tilespmem:$0x1E480] =	vst v63  }
0x8d: {  	_ =	swait.ge [sflag:s22], $0x1880  }
0x8e: {  	[sflag:s22] =	ssyncset.done $0x0  }
0x8f: {  	s15 =	rddreg [dreg:$0x14];
	[sflag:s22] =	ssyncadd.s32 $0xFFFFE780  }
0x90: {  	[tilespmem:s23], [sflag:$0x1] =	stream.linear.gather [hbm4b:s15+s4], $0x1880, $0x38;
	[tilespmem:$0x1E480] =	vst v63  }
0x91: {  	_ =	swait.ge [sflag:s22], $0x1880  }
0x92: {  	[sflag:s22] =	ssyncset.done $0x0  }
0x93: {  	s30 =	rddreg [dreg:$0x15];
	[sflag:s22] =	ssyncadd.s32 $0xFFFFE780  }
0x94: {  	[spmem:s30] =	stream.linear.scatter [tilespmem:s23], [sflag:$0x1], $0x1880, $0x38;
	[tilespmem:$0x1E480] =	vst v63  }
0x95: {  	_ =	swait.ge [sflag:s22], $0x1880  }
0x96: {  	[sflag:s22] =	ssyncset.done $0x0  }
0x97: {  	[sflag:s22] =	ssyncadd.s32 $0xFFFFE780  }
0x98: {  	s0 =	simm.s32 $0x0;
	[bflag:$0x0] =	sbarrier.arrive $0xFFFF  }
.LBB2_2:
0x99: {  	s1 =	sshll.u32 s0, $0x7  }
0x9a: {  	s1 =	sadd.s32 s1, s9  }
0x9b: {  	s1 =	sshrl.u32 s1, $0x3  }
0x9c: {  	s2 =	sadd.s32 s6, s1  }
0x9d: {  	[tilespmem:s24], [sflag:$0x1] =	stream.linear.gather [hbm4b:s2+s4], $0x80, $0x38;
	[tilespmem:$0x1E480] =	vst v63  }
0x9e: {  	_ =	swait.ge [sflag:s22], $0x80  }
0x9f: {  	[sflag:s22] =	ssyncset.done $0x0  }
0xa0: {  	s30 =	sadd.s32 s7, s1;
	[sflag:s22] =	ssyncadd.s32 $0xFFFFFF80  }
0xa1: {  	[tilespmem:s25], [sflag:$0x1] =	stream.linear.gather [hbm4b:s30+s4], $0x80, $0x38;
	[tilespmem:$0x1E480] =	vst v63  }
0xa2: {  	_ =	swait.ge [sflag:s22], $0x80  }
0xa3: {  	s15 =	sadd.s32 $0x6200, s1;
	[sflag:s22] =	ssyncset.done $0x0  }
0xa4: {  	s30 =	sadd.s32 s6, s15;
	[sflag:s22] =	ssyncadd.s32 $0xFFFFFF80  }
0xa5: {  	[tilespmem:s14], [sflag:$0x1] =	stream.linear.gather [hbm4b:s30+s4], $0x80, $0x38;
	[tilespmem:$0x1E480] =	vst v63  }
0xa6: {  	_ =	swait.ge [sflag:s22], $0x80  }
0xa7: {  	[sflag:s22] =	ssyncset.done $0x0  }
0xa8: {  	s2 =	sadd.s32 s7, s15;
	[sflag:s22] =	ssyncadd.s32 $0xFFFFFF80  }
0xa9: {  	[tilespmem:s16], [sflag:$0x1] =	stream.linear.gather [hbm4b:s2+s4], $0x80, $0x38;
	[tilespmem:$0x1E480] =	vst v63  }
0xaa: {  	_ =	swait.ge [sflag:s22], $0x80  }
0xab: {  	s1 =	sadd.s32 $0xC400, s1;
	[sflag:s22] =	ssyncset.done $0x0  }
0xac: {  	s30 =	sadd.s32 s6, s1;
	[sflag:s22] =	ssyncadd.s32 $0xFFFFFF80  }
0xad: {  	[tilespmem:s17], [sflag:$0x1] =	stream.linear.gather [hbm4b:s30+s4], $0x80, $0x38;
	[tilespmem:$0x1E480] =	vst v63  }
0xae: {  	_ =	swait.ge [sflag:s22], $0x80  }
0xaf: {  	[sflag:s22] =	ssyncset.done $0x0  }
0xb0: {  	s1 =	sadd.s32 s7, s1;
	[sflag:s22] =	ssyncadd.s32 $0xFFFFFF80  }
0xb1: {  	[tilespmem:s18], [sflag:$0x1] =	stream.linear.gather [hbm4b:s1+s4], $0x80, $0x38;
	[tilespmem:$0x1E480] =	vst v63  }
0xb2: {  	_ =	swait.ge [sflag:s22], $0x80  }
0xb3: {  	[sflag:s22] =	ssyncset.done $0x0  }
0xb4: {  	[sflag:s22] =	ssyncadd.s32 $0xFFFFFF80  }
0xb5: {  	[tilespmem:s20], [sflag:$0x1] =	stream.indirect.gather [spmem:s3], $0x8, s24, s19, $0xb8;
	[tilespmem:$0x1E480] =	vst v63  }
0xb6: {  	_ =	swait.ge [sflag:s22], $0x400  }
0xb7: {  	[sflag:s22] =	ssyncset.done $0x0  }
0xb8: {  	s15 =	simm.s32 $0x0;
	[sflag:s22] =	ssyncadd.s32 $0xFFFFFC00  }
0xb9: {  	v2 =	vmov s15;
	[tilespmem:s21], [sflag:$0x1] =	stream.indirect.gather [spmem:s3], $0x8, s14, s19, $0xb8;
	[tilespmem:$0x1E480] =	vst v63  }
0xba: {  	v2 =	vshll.u32 v2, $0x3;
	_ =	swait.ge [sflag:s22], $0x400  }
0xbb: {  	v2 =	vor.u32 v0, v2;
	[sflag:s22] =	ssyncset.done $0x0  }
0xbc: {  	v2 =	vor.u32 v1, v2;
	[sflag:s22] =	ssyncadd.s32 $0xFFFFFC00  }
0xbd: {  	[tilespmem:s31], [sflag:$0x1] =	stream.indirect.gather [spmem:s3], $0x8, s17, s19, $0xb8;
	[tilespmem:$0x1E480] =	vst v63  }
0xbe: {  	_ =	swait.ge [sflag:s22], $0x400  }
0xbf: {  	[sflag:s22] =	ssyncset.done $0x0  }
0xc0: {  	[sflag:s22] =	ssyncadd.s32 $0xFFFFFC00  }
0xc1: {  	v3 =	vld.idx.msk [tilespmem:v2+s20+$0x0], $0xffff  }
0xc2: {  	v4 =	vld.idx.msk [tilespmem:v2+s21+$0x0], $0xffff  }
0xc3: {  	s30 =	simm.s32 $0x2  }
0xc4: {  	v6 =	vmov s30;
	v5 =	vld.idx.msk [tilespmem:v2+s31+$0x0], $0xffff  }
0xc5: {  	v6 =	vshll.u32 v6, $0x3  }
0xc6: {  	v6 =	vor.u32 v0, v6  }
0xc7: {  	v3 =	vadd.f32 v4, v3;
	v4 =	vor.u32 v1, v6;
	_ =	sdelay $0x1  }
0xc8: {  	v3 =	vadd.f32 v5, v3;
	_ =	sdelay $0x1  }
0xc9: {  	[tilespmem:v2+s26+$0x0] =	vst.idx.msk $0xffff, v3  }
0xca: {  	v2 =	vld.idx.msk [tilespmem:v4+s20+$0x0], $0xffff  }
0xcb: {  	v3 =	vld.idx.msk [tilespmem:v4+s21+$0x0], $0xffff  }
0xcc: {  	s2 =	simm.s32 $0x4  }
0xcd: {  	v6 =	vmov s2;
	v5 =	vld.idx.msk [tilespmem:v4+s31+$0x0], $0xffff  }
0xce: {  	v6 =	vshll.u32 v6, $0x3  }
0xcf: {  	v6 =	vor.u32 v0, v6  }
0xd0: {  	v2 =	vadd.f32 v3, v2;
	v3 =	vor.u32 v1, v6;
	_ =	sdelay $0x1  }
0xd1: {  	v2 =	vadd.f32 v5, v2;
	_ =	sdelay $0x1  }
0xd2: {  	[tilespmem:v4+s26+$0x0] =	vst.idx.msk $0xffff, v2  }
0xd3: {  	v2 =	vld.idx.msk [tilespmem:v3+s20+$0x0], $0xffff  }
0xd4: {  	v4 =	vld.idx.msk [tilespmem:v3+s21+$0x0], $0xffff  }
0xd5: {  	s15 =	simm.s32 $0x6  }
0xd6: {  	v6 =	vmov s15;
	v5 =	vld.idx.msk [tilespmem:v3+s31+$0x0], $0xffff  }
0xd7: {  	v6 =	vshll.u32 v6, $0x3  }
0xd8: {  	v6 =	vor.u32 v0, v6  }
0xd9: {  	v2 =	vadd.f32 v4, v2;
	v4 =	vor.u32 v1, v6;
	_ =	sdelay $0x1  }
0xda: {  	v2 =	vadd.f32 v5, v2;
	_ =	sdelay $0x1  }
0xdb: {  	[tilespmem:v3+s26+$0x0] =	vst.idx.msk $0xffff, v2  }
0xdc: {  	v2 =	vld.idx.msk [tilespmem:v4+s20+$0x0], $0xffff  }
0xdd: {  	v3 =	vld.idx.msk [tilespmem:v4+s21+$0x0], $0xffff  }
0xde: {  	s30 =	simm.s32 $0x8  }
0xdf: {  	v6 =	vmov s30;
	v5 =	vld.idx.msk [tilespmem:v4+s31+$0x0], $0xffff  }
0xe0: {  	v6 =	vshll.u32 v6, $0x3  }
0xe1: {  	v6 =	vor.u32 v0, v6  }
0xe2: {  	v2 =	vadd.f32 v3, v2;
	v3 =	vor.u32 v1, v6;
	_ =	sdelay $0x1  }
0xe3: {  	v2 =	vadd.f32 v5, v2;
	_ =	sdelay $0x1  }
0xe4: {  	[tilespmem:v4+s26+$0x0] =	vst.idx.msk $0xffff, v2  }
0xe5: {  	v2 =	vld.idx.msk [tilespmem:v3+s20+$0x0], $0xffff  }
0xe6: {  	v4 =	vld.idx.msk [tilespmem:v3+s21+$0x0], $0xffff  }
0xe7: {  	s2 =	simm.s32 $0xA  }
0xe8: {  	v6 =	vmov s2;
	v5 =	vld.idx.msk [tilespmem:v3+s31+$0x0], $0xffff  }
0xe9: {  	v6 =	vshll.u32 v6, $0x3  }
0xea: {  	v6 =	vor.u32 v0, v6  }
0xeb: {  	v2 =	vadd.f32 v4, v2;
	v4 =	vor.u32 v1, v6;
	_ =	sdelay $0x1  }
0xec: {  	v2 =	vadd.f32 v5, v2;
	_ =	sdelay $0x1  }
0xed: {  	[tilespmem:v3+s26+$0x0] =	vst.idx.msk $0xffff, v2  }
0xee: {  	v2 =	vld.idx.msk [tilespmem:v4+s20+$0x0], $0xffff  }
0xef: {  	v3 =	vld.idx.msk [tilespmem:v4+s21+$0x0], $0xffff  }
0xf0: {  	s15 =	simm.s32 $0xC  }
0xf1: {  	v6 =	vmov s15;
	v5 =	vld.idx.msk [tilespmem:v4+s31+$0x0], $0xffff  }
0xf2: {  	v6 =	vshll.u32 v6, $0x3  }
0xf3: {  	v6 =	vor.u32 v0, v6  }
0xf4: {  	v2 =	vadd.f32 v3, v2;
	v3 =	vor.u32 v1, v6;
	_ =	sdelay $0x1  }
0xf5: {  	v2 =	vadd.f32 v5, v2;
	_ =	sdelay $0x1  }
0xf6: {  	[tilespmem:v4+s26+$0x0] =	vst.idx.msk $0xffff, v2  }
0xf7: {  	v2 =	vld.idx.msk [tilespmem:v3+s20+$0x0], $0xffff  }
0xf8: {  	v4 =	vld.idx.msk [tilespmem:v3+s21+$0x0], $0xffff  }
0xf9: {  	s30 =	simm.s32 $0xE  }
0xfa: {  	v6 =	vmov s30;
	v5 =	vld.idx.msk [tilespmem:v3+s31+$0x0], $0xffff  }
0xfb: {  	v6 =	vshll.u32 v6, $0x3  }
0xfc: {  	v6 =	vor.u32 v0, v6  }
0xfd: {  	v4 =	vadd.f32 v4, v2;
	v2 =	vor.u32 v1, v6;
	_ =	sdelay $0x1  }
0xfe: {  	v4 =	vadd.f32 v5, v4;
	_ =	sdelay $0x1  }
0xff: {  	[tilespmem:v3+s26+$0x0] =	vst.idx.msk $0xffff, v4  }
0x100: {  	v3 =	vld.idx.msk [tilespmem:v2+s20+$0x0], $0xffff  }
0x101: {  	s1 =	simm.s32 $0x1E;
	s2 =	simm.s32 $0x8;
	v4 =	vld.idx.msk [tilespmem:v2+s21+$0x0], $0xffff  }
.LBB2_3:
0x102: {  	s2 =	sadd.s32 $0x8, s2;
	s30 =	sadd.s32 $0xFFFFFFF2, s1;
	v5 =	vld.idx.msk [tilespmem:v2+s31+$0x0], $0xffff  }
0x103: {  	p0 =	slt.u32 s2, $0x38;
	v6 =	vmov s30  }
0x104: {  	v6 =	vshll.u32 v6, $0x3  }
0x105: {  	v6 =	vor.u32 v0, v6  }
0x106: {  	v6 =	vor.u32 v1, v6  }
0x107: {  	v3 =	vadd.f32 v4, v3;
	_ =	sdelay $0x1  }
0x108: {  	v3 =	vadd.f32 v5, v3;
	_ =	sdelay $0x1  }
0x109: {  	[tilespmem:v2+s26+$0x0] =	vst.idx.msk $0xffff, v3  }
0x10a: {  	v2 =	vld.idx.msk [tilespmem:v6+s20+$0x0], $0xffff  }
0x10b: {  	v3 =	vld.idx.msk [tilespmem:v6+s21+$0x0], $0xffff  }
0x10c: {  	v4 =	vld.idx.msk [tilespmem:v6+s31+$0x0], $0xffff  }
0x10d: {  	s30 =	sadd.s32 $0xFFFFFFF4, s1  }
0x10e: {  	v5 =	vmov s30  }
0x10f: {  	v5 =	vshll.u32 v5, $0x3  }
0x110: {  	v5 =	vor.u32 v0, v5  }
0x111: {  	v2 =	vadd.f32 v3, v2;
	v3 =	vor.u32 v1, v5;
	_ =	sdelay $0x1  }
0x112: {  	v2 =	vadd.f32 v4, v2;
	_ =	sdelay $0x1  }
0x113: {  	[tilespmem:v6+s26+$0x0] =	vst.idx.msk $0xffff, v2  }
0x114: {  	v2 =	vld.idx.msk [tilespmem:v3+s20+$0x0], $0xffff  }
0x115: {  	v4 =	vld.idx.msk [tilespmem:v3+s21+$0x0], $0xffff;
	_ =	sdelay $0x1  }
0x116: {  	s30 =	sadd.s32 $0xFFFFFFF6, s1;
	v5 =	vld.idx.msk [tilespmem:v3+s31+$0x0], $0xffff  }
0x117: {  	v6 =	vmov s30  }
0x118: {  	v6 =	vshll.u32 v6, $0x3  }
0x119: {  	v6 =	vor.u32 v0, v6  }
0x11a: {  	v2 =	vadd.f32 v4, v2;
	v4 =	vor.u32 v1, v6;
	_ =	sdelay $0x1  }
0x11b: {  	v2 =	vadd.f32 v5, v2;
	_ =	sdelay $0x1  }
0x11c: {  	[tilespmem:v3+s26+$0x0] =	vst.idx.msk $0xffff, v2  }
0x11d: {  	v2 =	vld.idx.msk [tilespmem:v4+s20+$0x0], $0xffff  }
0x11e: {  	v3 =	vld.idx.msk [tilespmem:v4+s21+$0x0], $0xffff;
	_ =	sdelay $0x1  }
0x11f: {  	s30 =	sadd.s32 $0xFFFFFFF8, s1;
	v5 =	vld.idx.msk [tilespmem:v4+s31+$0x0], $0xffff  }
0x120: {  	v6 =	vmov s30  }
0x121: {  	v6 =	vshll.u32 v6, $0x3  }
0x122: {  	v6 =	vor.u32 v0, v6  }
0x123: {  	v2 =	vadd.f32 v3, v2;
	v3 =	vor.u32 v1, v6;
	_ =	sdelay $0x1  }
0x124: {  	v2 =	vadd.f32 v5, v2;
	_ =	sdelay $0x1  }
0x125: {  	[tilespmem:v4+s26+$0x0] =	vst.idx.msk $0xffff, v2  }
0x126: {  	v2 =	vld.idx.msk [tilespmem:v3+s20+$0x0], $0xffff  }
0x127: {  	v4 =	vld.idx.msk [tilespmem:v3+s21+$0x0], $0xffff;
	_ =	sdelay $0x1  }
0x128: {  	s30 =	sadd.s32 $0xFFFFFFFA, s1;
	v5 =	vld.idx.msk [tilespmem:v3+s31+$0x0], $0xffff  }
0x129: {  	v6 =	vmov s30  }
0x12a: {  	v6 =	vshll.u32 v6, $0x3  }
0x12b: {  	v6 =	vor.u32 v0, v6  }
0x12c: {  	v2 =	vadd.f32 v4, v2;
	v4 =	vor.u32 v1, v6;
	_ =	sdelay $0x1  }
0x12d: {  	v2 =	vadd.f32 v5, v2;
	_ =	sdelay $0x1  }
0x12e: {  	[tilespmem:v3+s26+$0x0] =	vst.idx.msk $0xffff, v2  }
0x12f: {  	v2 =	vld.idx.msk [tilespmem:v4+s20+$0x0], $0xffff  }
0x130: {  	v3 =	vld.idx.msk [tilespmem:v4+s21+$0x0], $0xffff  }
0x131: {  	v5 =	vld.idx.msk [tilespmem:v4+s31+$0x0], $0xffff  }
0x132: {  	s30 =	sadd.s32 $0xFFFFFFFC, s1  }
0x133: {  	v6 =	vmov s30  }
0x134: {  	v6 =	vshll.u32 v6, $0x3  }
0x135: {  	v6 =	vor.u32 v0, v6  }
0x136: {  	v2 =	vadd.f32 v3, v2;
	v3 =	vor.u32 v1, v6;
	_ =	sdelay $0x1  }
0x137: {  	v2 =	vadd.f32 v5, v2;
	_ =	sdelay $0x1  }
0x138: {  	[tilespmem:v4+s26+$0x0] =	vst.idx.msk $0xffff, v2  }
0x139: {  	v2 =	vld.idx.msk [tilespmem:v3+s20+$0x0], $0xffff  }
0x13a: {  	v4 =	vld.idx.msk [tilespmem:v3+s21+$0x0], $0xffff  }
0x13b: {  	v5 =	vld.idx.msk [tilespmem:v3+s31+$0x0], $0xffff  }
0x13c: {  	s30 =	sadd.s32 $0xFFFFFFFE, s1  }
0x13d: {  	v6 =	vmov s30  }
0x13e: {  	v6 =	vshll.u32 v6, $0x3  }
0x13f: {  	v6 =	vor.u32 v0, v6  }
0x140: {  	v2 =	vadd.f32 v4, v2;
	v4 =	vor.u32 v1, v6;
	_ =	sdelay $0x1  }
0x141: {  	v2 =	vadd.f32 v5, v2;
	_ =	sdelay $0x1  }
0x142: {  	[tilespmem:v3+s26+$0x0] =	vst.idx.msk $0xffff, v2  }
0x143: {  	v2 =	vld.idx.msk [tilespmem:v4+s20+$0x0], $0xffff  }
0x144: {  	v3 =	vld.idx.msk [tilespmem:v4+s21+$0x0], $0xffff  }
0x145: {  	v5 =	vld.idx.msk [tilespmem:v4+s31+$0x0], $0xffff;
	_ =	sdelay $0x1  }
0x146: {  	v6 =	vmov s1  }
0x147: {  	v6 =	vshll.u32 v6, $0x3  }
0x148: {  	v6 =	vor.u32 v0, v6  }
0x149: {  	v3 =	vadd.f32 v3, v2;
	v2 =	vor.u32 v1, v6;
	_ =	sdelay $0x1  }
.Ltmp0:
0x14a: {  	v3 =	vadd.f32 v5, v3;
	(pc) =	sbr.rel @p0 .LBB2_3-.Ltmp0, $4  }
0x14b: {  	_ = 	snop  }
0x14c: {  	[tilespmem:v4+s26+$0x0] =	vst.idx.msk $0xffff, v3  }
0x14d: {  	v3 =	vld.idx.msk [tilespmem:v2+s20+$0x0], $0xffff  }
0x14e: {  	s1 =	sadd.s32 $0x10, s1;
	v4 =	vld.idx.msk [tilespmem:v2+s21+$0x0], $0xffff  }
0x14f: {  	_ =	sdelay $0x2  }
0x150: {  	s2 =	sadd.s32 $0xFFFFFFF2, s1  }
0x151: {  	v5 =	vld.idx.msk [tilespmem:v2+s31+$0x0], $0xffff;
	v6 =	vmov s2  }
0x152: {  	v6 =	vshll.u32 v6, $0x3  }
0x153: {  	v6 =	vor.u32 v0, v6  }
0x154: {  	v6 =	vor.u32 v1, v6;
	v3 =	vadd.f32 v4, v3;
	_ =	sdelay $0x1  }
0x155: {  	v3 =	vadd.f32 v5, v3;
	_ =	sdelay $0x1  }
0x156: {  	[tilespmem:v2+s26+$0x0] =	vst.idx.msk $0xffff, v3  }
0x157: {  	v2 =	vld.idx.msk [tilespmem:v6+s20+$0x0], $0xffff  }
0x158: {  	v3 =	vld.idx.msk [tilespmem:v6+s21+$0x0], $0xffff  }
0x159: {  	s15 =	sadd.s32 $0xFFFFFFF4, s1  }
0x15a: {  	v47 =	vmov s15;
	v46 =	vld.idx.msk [tilespmem:v6+s31+$0x0], $0xffff  }
0x15b: {  	v5 =	vshll.u32 v47, $0x3  }
0x15c: {  	v5 =	vor.u32 v0, v5  }
0x15d: {  	v2 =	vadd.f32 v3, v2;
	v3 =	vor.u32 v1, v5;
	_ =	sdelay $0x1  }
0x15e: {  	v2 =	vadd.f32 v46, v2;
	_ =	sdelay $0x1  }
0x15f: {  	[tilespmem:v6+s26+$0x0] =	vst.idx.msk $0xffff, v2  }
0x160: {  	v2 =	vld.idx.msk [tilespmem:v3+s20+$0x0], $0xffff  }
0x161: {  	v48 =	vld.idx.msk [tilespmem:v3+s21+$0x0], $0xffff  }
0x162: {  	s30 =	sadd.s32 $0xFFFFFFF6, s1  }
0x163: {  	v49 =	vmov s30;
	v5 =	vld.idx.msk [tilespmem:v3+s31+$0x0], $0xffff  }
0x164: {  	v6 =	vshll.u32 v49, $0x3  }
0x165: {  	v6 =	vor.u32 v0, v6  }
0x166: {  	v50 =	vor.u32 v1, v6;
	v2 =	vadd.f32 v48, v2;
	_ =	sdelay $0x1  }
0x167: {  	v2 =	vadd.f32 v5, v2;
	_ =	sdelay $0x1  }
0x168: {  	[tilespmem:v3+s26+$0x0] =	vst.idx.msk $0xffff, v2  }
0x169: {  	v2 =	vld.idx.msk [tilespmem:v50+s20+$0x0], $0xffff  }
0x16a: {  	v3 =	vld.idx.msk [tilespmem:v50+s21+$0x0], $0xffff  }
0x16b: {  	s15 =	sadd.s32 $0xFFFFFFF8, s1  }
0x16c: {  	v52 =	vmov s15;
	v51 =	vld.idx.msk [tilespmem:v50+s31+$0x0], $0xffff  }
0x16d: {  	v6 =	vshll.u32 v52, $0x3  }
0x16e: {  	v6 =	vor.u32 v0, v6  }
0x16f: {  	v2 =	vadd.f32 v3, v2;
	v3 =	vor.u32 v1, v6;
	_ =	sdelay $0x1  }
0x170: {  	v2 =	vadd.f32 v51, v2;
	_ =	sdelay $0x1  }
0x171: {  	[tilespmem:v50+s26+$0x0] =	vst.idx.msk $0xffff, v2  }
0x172: {  	v2 =	vld.idx.msk [tilespmem:v3+s20+$0x0], $0xffff  }
0x173: {  	v4 =	vld.idx.msk [tilespmem:v3+s21+$0x0], $0xffff  }
0x174: {  	s30 =	sadd.s32 $0xFFFFFFFA, s1  }
0x175: {  	v54 =	vmov s30;
	v53 =	vld.idx.msk [tilespmem:v3+s31+$0x0], $0xffff  }
0x176: {  	v6 =	vshll.u32 v54, $0x3  }
0x177: {  	v6 =	vor.u32 v0, v6  }
0x178: {  	v55 =	vor.u32 v1, v6;
	v2 =	vadd.f32 v4, v2;
	_ =	sdelay $0x1  }
0x179: {  	v2 =	vadd.f32 v53, v2;
	_ =	sdelay $0x1  }
0x17a: {  	[tilespmem:v3+s26+$0x0] =	vst.idx.msk $0xffff, v2  }
0x17b: {  	v2 =	vld.idx.msk [tilespmem:v55+s20+$0x0], $0xffff  }
0x17c: {  	v3 =	vld.idx.msk [tilespmem:v55+s21+$0x0], $0xffff  }
0x17d: {  	s15 =	sadd.s32 $0xFFFFFFFC, s1  }
0x17e: {  	v57 =	vmov s15;
	v56 =	vld.idx.msk [tilespmem:v55+s31+$0x0], $0xffff  }
0x17f: {  	v6 =	vshll.u32 v57, $0x3  }
0x180: {  	v6 =	vor.u32 v0, v6  }
0x181: {  	v2 =	vadd.f32 v3, v2;
	v3 =	vor.u32 v1, v6;
	_ =	sdelay $0x1  }
0x182: {  	v2 =	vadd.f32 v56, v2;
	_ =	sdelay $0x1  }
0x183: {  	[tilespmem:v55+s26+$0x0] =	vst.idx.msk $0xffff, v2  }
0x184: {  	v2 =	vld.idx.msk [tilespmem:v3+s20+$0x0], $0xffff  }
0x185: {  	v4 =	vld.idx.msk [tilespmem:v3+s21+$0x0], $0xffff  }
0x186: {  	s30 =	sadd.s32 $0xFFFFFFFE, s1  }
0x187: {  	v59 =	vmov s30;
	v58 =	vld.idx.msk [tilespmem:v3+s31+$0x0], $0xffff  }
0x188: {  	v6 =	vshll.u32 v59, $0x3  }
0x189: {  	v6 =	vor.u32 v0, v6  }
0x18a: {  	v60 =	vor.u32 v1, v6;
	v2 =	vadd.f32 v4, v2;
	_ =	sdelay $0x1  }
0x18b: {  	v2 =	vadd.f32 v58, v2;
	_ =	sdelay $0x1  }
0x18c: {  	[tilespmem:v3+s26+$0x0] =	vst.idx.msk $0xffff, v2  }
0x18d: {  	v2 =	vld.idx.msk [tilespmem:v60+s20+$0x0], $0xffff  }
0x18e: {  	v3 =	vld.idx.msk [tilespmem:v60+s21+$0x0], $0xffff;
	_ =	sdelay $0x1  }
0x18f: {  	v62 =	vmov s1;
	v61 =	vld.idx.msk [tilespmem:v60+s31+$0x0], $0xffff  }
0x190: {  	v6 =	vshll.u32 v62, $0x3  }
0x191: {  	v6 =	vor.u32 v0, v6  }
0x192: {  	v2 =	vadd.f32 v3, v2;
	v3 =	vor.u32 v1, v6;
	_ =	sdelay $0x1  }
0x193: {  	v2 =	vadd.f32 v61, v2;
	_ =	sdelay $0x1  }
0x194: {  	[tilespmem:v60+s26+$0x0] =	vst.idx.msk $0xffff, v2  }
0x195: {  	v2 =	vld.idx.msk [tilespmem:v3+s20+$0x0], $0xffff  }
0x196: {  	v4 =	vld.idx.msk [tilespmem:v3+s21+$0x0], $0xffff;
	_ =	sdelay $0x1  }
0x197: {  	v63 =	vld.idx.msk [tilespmem:v3+s31+$0x0], $0xffff;
	_ =	sdelay $0x2  }
0x198: {  	v2 =	vadd.f32 v4, v2;
	_ =	sdelay $0x1  }
0x199: {  	v2 =	vadd.f32 v63, v2;
	_ =	sdelay $0x1  }
0x19a: {  	[tilespmem:v3+s26+$0x0] =	vst.idx.msk $0xffff, v2  }
0x19b: {  	[spmem:s3] =	stream.indirect.scatter.add.f32 [tilespmem:s26], [sflag:$0x1], $0x8, s25, s19, $0xb8;
	[tilespmem:$0x1E480] =	vst v63  }
0x19c: {  	_ =	swait.ge [sflag:s22], $0x400  }
0x19d: {  	[sflag:s22] =	ssyncset.done $0x0  }
0x19e: {  	[sflag:s22] =	ssyncadd.s32 $0xFFFFFC00  }
0x19f: {  	[spmem:s3] =	stream.indirect.scatter.add.f32 [tilespmem:s26], [sflag:$0x1], $0x8, s16, s19, $0xb8;
	[tilespmem:$0x1E480] =	vst v63  }
0x1a0: {  	s0 =	sadd.s32 $0x1, s0;
	_ =	swait.ge [sflag:s22], $0x400  }
0x1a1: {  	p0 =	sne.s32 s0, $0x62;
	[sflag:s22] =	ssyncset.done $0x0  }
.Ltmp1:
0x1a2: {  	[sflag:s22] =	ssyncadd.s32 $0xFFFFFC00;
	(pc) =	sbr.rel @p0 .LBB2_2-.Ltmp1, $4  }
0x1a3: {  	[spmem:s3] =	stream.indirect.scatter.add.f32 [tilespmem:s26], [sflag:$0x1], $0x8, s18, s19, $0xb8;
	[tilespmem:$0x1E480] =	vst v63  }
0x1a4: {  	_ =	swait.ge [sflag:s22], $0x400  }
0x1a5: {  	[sflag:s22] =	ssyncset.done $0x0  }
0x1a6: {  	[sflag:s22] =	ssyncadd.s32 $0xFFFFFC00  }
0x1a7: {  	[bflag:$0x0] =	sbarrier.arrive $0xFFFF;
	s30 =	simm.s32 $0x0  }
.LBB2_6:
0x1a8: {  	s0 =	smul.u32 $0x310, s30;
	_ =	sdelay $0x1  }
0x1a9: {  	s1 =	sadd.s32 s8, s0  }
0x1aa: {  	s1 =	sshll.u32 s1, $0x3  }
0x1ab: {  	s1 =	sand.u32 $0x3FFFFFF8, s1  }
0x1ac: {  	s2 =	simm.s32 $0x0;
	s0 =	sadd.s32 s5, s0;
	s1 =	sadd.s32 s1, s3  }
0x1ad: {  	v2 =	vmov s2;
	[tilespmem:s28], [sflag:$0x1] =	stream.linear.gather [spmem:s1], $0x1880, $0x38;
	[tilespmem:$0x1E480] =	vst v63  }
0x1ae: {  	v2 =	vshll.u32 v2, $0x3;
	s15 =	sshll.u32 s0, $0x3;
	_ =	swait.ge [sflag:s22], $0x1880  }
0x1af: {  	v2 =	vor.u32 v0, v2;
	s1 =	sand.u32 $0x3FFFFFF8, s15;
	[sflag:s22] =	ssyncset.done $0x0  }
0x1b0: {  	v3 =	vor.u32 $0x3, v2;
	s1 =	sadd.s32 s1, s3;
	[sflag:s22] =	ssyncadd.s32 $0xFFFFE780  }
0x1b1: {  	[tilespmem:s23], [sflag:$0x1] =	stream.linear.gather [spmem:s1], $0x1880, $0x38;
	[tilespmem:$0x1E480] =	vst v63  }
0x1b2: {  	_ =	swait.ge [sflag:s22], $0x1880  }
0x1b3: {  	[sflag:s22] =	ssyncset.done $0x0  }
0x1b4: {  	[sflag:s22] =	ssyncadd.s32 $0xFFFFE780  }
0x1b5: {  	v3 =	vld.idx.msk [tilespmem:v3+s28+$0x0], $0xffff;
	_ =	sdelay $0x4  }
0x1b6: {  	v2 =	vor.u32 v1, v2;
	v4 =	vmul.f32 $6.666666860e-01, v3;
	_ =	sdelay $0x1  }
0x1b7: {  	v4 =	vadd.f32 $9.999999960e-13, v4;
	_ =	sdelay $0x1  }
0x1b8: {  	(erf) = vrcp.f32 v4  }
0x1b9: {  	v4 =	vld.idx.msk [tilespmem:v2+s23+$0x0], $0xffff;
	_ =	sdelay $0x1  }
0x1ba: {  	v5 =	vld.idx.msk [tilespmem:v2+s28+$0x0], $0xffff  }
0x1bb: {  	s2 =	simm.s32 $0x2  }
0x1bc: {  	v6 =	vmov s2  }
0x1bd: {  	v3 =	vmul.f32 v4, v3;
	v4 =	vshll.u32 v6, $0x3  }
0x1be: {  	v4 =	vor.u32 v0, v4  }
0x1bf: {  	v3 =	vsub.f32 v3, v5;
	v5 =	vor.u32 $0x3, v4  }
0x1c0: {  	v6 =	vpop (erf)  }
0x1c1: {  	v3 =	vmul.f32 v6, v3;
	_ =	sdelay $0x1  }
0x1c2: {  	[tilespmem:v2+s13+$0x0] =	vst.idx.msk $0xffff, v3  }
0x1c3: {  	v2 =	vld.idx.msk [tilespmem:v5+s28+$0x0], $0xffff;
	_ =	sdelay $0x4  }
0x1c4: {  	v3 =	vor.u32 v1, v4;
	v4 =	vmul.f32 $6.666666860e-01, v2;
	_ =	sdelay $0x1  }
0x1c5: {  	v4 =	vadd.f32 $9.999999960e-13, v4;
	_ =	sdelay $0x1  }
0x1c6: {  	(erf) = vrcp.f32 v4  }
0x1c7: {  	v4 =	vld.idx.msk [tilespmem:v3+s23+$0x0], $0xffff;
	_ =	sdelay $0x1  }
0x1c8: {  	v5 =	vld.idx.msk [tilespmem:v3+s28+$0x0], $0xffff  }
0x1c9: {  	s15 =	simm.s32 $0x4  }
0x1ca: {  	v6 =	vmov s15  }
0x1cb: {  	v2 =	vmul.f32 v4, v2;
	v4 =	vshll.u32 v6, $0x3  }
0x1cc: {  	v4 =	vor.u32 v0, v4  }
0x1cd: {  	v2 =	vsub.f32 v2, v5;
	v5 =	vor.u32 $0x3, v4  }
0x1ce: {  	v6 =	vpop (erf)  }
0x1cf: {  	v2 =	vmul.f32 v6, v2;
	_ =	sdelay $0x1  }
0x1d0: {  	[tilespmem:v3+s13+$0x0] =	vst.idx.msk $0xffff, v2  }
0x1d1: {  	v2 =	vld.idx.msk [tilespmem:v5+s28+$0x0], $0xffff;
	_ =	sdelay $0x4  }
0x1d2: {  	v3 =	vor.u32 v1, v4;
	v4 =	vmul.f32 $6.666666860e-01, v2;
	_ =	sdelay $0x1  }
0x1d3: {  	v4 =	vadd.f32 $9.999999960e-13, v4;
	_ =	sdelay $0x1  }
0x1d4: {  	(erf) = vrcp.f32 v4  }
0x1d5: {  	v4 =	vld.idx.msk [tilespmem:v3+s23+$0x0], $0xffff;
	_ =	sdelay $0x1  }
0x1d6: {  	v5 =	vld.idx.msk [tilespmem:v3+s28+$0x0], $0xffff  }
0x1d7: {  	s2 =	simm.s32 $0x6  }
0x1d8: {  	v6 =	vmov s2  }
0x1d9: {  	v2 =	vmul.f32 v4, v2;
	v4 =	vshll.u32 v6, $0x3  }
0x1da: {  	v4 =	vor.u32 v0, v4  }
0x1db: {  	v2 =	vsub.f32 v2, v5;
	v5 =	vor.u32 $0x3, v4  }
0x1dc: {  	v6 =	vpop (erf)  }
0x1dd: {  	v2 =	vmul.f32 v6, v2;
	_ =	sdelay $0x1  }
0x1de: {  	[tilespmem:v3+s13+$0x0] =	vst.idx.msk $0xffff, v2  }
0x1df: {  	v2 =	vld.idx.msk [tilespmem:v5+s28+$0x0], $0xffff;
	_ =	sdelay $0x4  }
0x1e0: {  	v3 =	vor.u32 v1, v4;
	v4 =	vmul.f32 $6.666666860e-01, v2;
	_ =	sdelay $0x1  }
0x1e1: {  	v4 =	vadd.f32 $9.999999960e-13, v4;
	_ =	sdelay $0x1  }
0x1e2: {  	(erf) = vrcp.f32 v4  }
0x1e3: {  	v4 =	vld.idx.msk [tilespmem:v3+s23+$0x0], $0xffff;
	_ =	sdelay $0x1  }
0x1e4: {  	v5 =	vld.idx.msk [tilespmem:v3+s28+$0x0], $0xffff  }
0x1e5: {  	s15 =	simm.s32 $0x8  }
0x1e6: {  	v6 =	vmov s15  }
0x1e7: {  	v2 =	vmul.f32 v4, v2;
	v4 =	vshll.u32 v6, $0x3  }
0x1e8: {  	v4 =	vor.u32 v0, v4  }
0x1e9: {  	v2 =	vsub.f32 v2, v5;
	v5 =	vor.u32 $0x3, v4  }
0x1ea: {  	v6 =	vpop (erf)  }
0x1eb: {  	v2 =	vmul.f32 v6, v2;
	_ =	sdelay $0x1  }
0x1ec: {  	[tilespmem:v3+s13+$0x0] =	vst.idx.msk $0xffff, v2  }
0x1ed: {  	v2 =	vld.idx.msk [tilespmem:v5+s28+$0x0], $0xffff;
	_ =	sdelay $0x4  }
0x1ee: {  	v3 =	vor.u32 v1, v4;
	v4 =	vmul.f32 $6.666666860e-01, v2;
	_ =	sdelay $0x1  }
0x1ef: {  	v4 =	vadd.f32 $9.999999960e-13, v4;
	_ =	sdelay $0x1  }
0x1f0: {  	(erf) = vrcp.f32 v4  }
0x1f1: {  	v4 =	vld.idx.msk [tilespmem:v3+s23+$0x0], $0xffff;
	_ =	sdelay $0x1  }
0x1f2: {  	v5 =	vld.idx.msk [tilespmem:v3+s28+$0x0], $0xffff  }
0x1f3: {  	s2 =	simm.s32 $0xA  }
0x1f4: {  	v6 =	vmov s2  }
0x1f5: {  	v2 =	vmul.f32 v4, v2;
	v4 =	vshll.u32 v6, $0x3  }
0x1f6: {  	v4 =	vor.u32 v0, v4  }
0x1f7: {  	v2 =	vsub.f32 v2, v5;
	v5 =	vor.u32 $0x3, v4  }
0x1f8: {  	v6 =	vpop (erf)  }
0x1f9: {  	v2 =	vmul.f32 v6, v2;
	_ =	sdelay $0x1  }
0x1fa: {  	[tilespmem:v3+s13+$0x0] =	vst.idx.msk $0xffff, v2  }
0x1fb: {  	v2 =	vld.idx.msk [tilespmem:v5+s28+$0x0], $0xffff;
	_ =	sdelay $0x4  }
0x1fc: {  	v3 =	vor.u32 v1, v4;
	v4 =	vmul.f32 $6.666666860e-01, v2;
	_ =	sdelay $0x1  }
0x1fd: {  	v4 =	vadd.f32 $9.999999960e-13, v4;
	_ =	sdelay $0x1  }
0x1fe: {  	(erf) = vrcp.f32 v4  }
0x1ff: {  	v4 =	vld.idx.msk [tilespmem:v3+s23+$0x0], $0xffff;
	_ =	sdelay $0x1  }
0x200: {  	v5 =	vld.idx.msk [tilespmem:v3+s28+$0x0], $0xffff  }
0x201: {  	s15 =	simm.s32 $0xC  }
0x202: {  	v6 =	vmov s15  }
0x203: {  	v2 =	vmul.f32 v4, v2;
	v4 =	vshll.u32 v6, $0x3  }
0x204: {  	v4 =	vor.u32 v0, v4  }
0x205: {  	v2 =	vsub.f32 v2, v5;
	v5 =	vor.u32 $0x3, v4  }
0x206: {  	v6 =	vpop (erf)  }
0x207: {  	v2 =	vmul.f32 v6, v2;
	_ =	sdelay $0x1  }
0x208: {  	[tilespmem:v3+s13+$0x0] =	vst.idx.msk $0xffff, v2  }
0x209: {  	v2 =	vld.idx.msk [tilespmem:v5+s28+$0x0], $0xffff;
	_ =	sdelay $0x4  }
0x20a: {  	v3 =	vor.u32 v1, v4;
	v4 =	vmul.f32 $6.666666860e-01, v2;
	_ =	sdelay $0x1  }
0x20b: {  	v4 =	vadd.f32 $9.999999960e-13, v4;
	_ =	sdelay $0x1  }
0x20c: {  	(erf) = vrcp.f32 v4  }
0x20d: {  	v4 =	vld.idx.msk [tilespmem:v3+s23+$0x0], $0xffff;
	_ =	sdelay $0x1  }
0x20e: {  	v5 =	vld.idx.msk [tilespmem:v3+s28+$0x0], $0xffff  }
0x20f: {  	s2 =	simm.s32 $0xE  }
0x210: {  	v6 =	vmov s2  }
0x211: {  	v2 =	vmul.f32 v4, v2;
	v4 =	vshll.u32 v6, $0x3  }
0x212: {  	v4 =	vor.u32 v0, v4  }
0x213: {  	v2 =	vsub.f32 v2, v5;
	v5 =	vor.u32 $0x3, v4  }
0x214: {  	v6 =	vpop (erf)  }
0x215: {  	v2 =	vmul.f32 v6, v2;
	_ =	sdelay $0x1  }
0x216: {  	[tilespmem:v3+s13+$0x0] =	vst.idx.msk $0xffff, v2  }
0x217: {  	v3 =	vld.idx.msk [tilespmem:v5+s28+$0x0], $0xffff;
	_ =	sdelay $0x3  }
0x218: {  	v2 =	vor.u32 v1, v4  }
0x219: {  	v4 =	vmul.f32 $6.666666860e-01, v3;
	_ =	sdelay $0x1  }
0x21a: {  	v4 =	vadd.f32 $9.999999960e-13, v4;
	_ =	sdelay $0x1  }
0x21b: {  	(erf) = vrcp.f32 v4;
	v4 =	vld.idx.msk [tilespmem:v2+s23+$0x0], $0xffff;
	_ =	sdelay $0x1  }
0x21c: {  	v5 =	vld.idx.msk [tilespmem:v2+s28+$0x0], $0xffff;
	_ =	sdelay $0x1  }
0x21d: {  	s15 =	simm.s32 $0x10  }
0x21e: {  	v3 =	vmul.f32 v4, v3;
	v4 =	vmov s15  }
0x21f: {  	v4 =	vshll.u32 v4, $0x3  }
0x220: {  	v5 =	vsub.f32 v3, v5;
	v3 =	vor.u32 v0, v4  }
0x221: {  	v4 =	vor.u32 $0x3, v3  }
0x222: {  	v6 =	vpop (erf)  }
0x223: {  	s1 =	simm.s32 $0x8;
	s2 =	simm.s32 $0x1E;
	v5 =	vmul.f32 v6, v5  }
.LBB2_7:
0x224: {  	_ = 	snop  }
0x225: {  	s1 =	sadd.s32 $0x8, s1;
	[tilespmem:v2+s13+$0x0] =	vst.idx.msk $0xffff, v5  }
0x226: {  	p0 =	slt.u32 s1, $0x180;
	v2 =	vld.idx.msk [tilespmem:v4+s28+$0x0], $0xffff;
	_ =	sdelay $0x4  }
0x227: {  	v3 =	vor.u32 v1, v3  }
0x228: {  	v4 =	vmul.f32 $6.666666860e-01, v2;
	_ =	sdelay $0x1  }
0x229: {  	v4 =	vadd.f32 $9.999999960e-13, v4;
	_ =	sdelay $0x1  }
0x22a: {  	v5 =	vld.idx.msk [tilespmem:v3+s23+$0x0], $0xffff;
	(erf) = vrcp.f32 v4;
	_ =	sdelay $0x1  }
0x22b: {  	v4 =	vld.idx.msk [tilespmem:v3+s28+$0x0], $0xffff;
	_ =	sdelay $0x1  }
0x22c: {  	s15 =	sadd.s32 $0xFFFFFFF4, s2  }
0x22d: {  	v6 =	vmov s15  }
0x22e: {  	v2 =	vmul.f32 v5, v2;
	v5 =	vshll.u32 v6, $0x3  }
0x22f: {  	v5 =	vor.u32 v0, v5  }
0x230: {  	v2 =	vsub.f32 v2, v4;
	v4 =	vor.u32 $0x3, v5  }
0x231: {  	v6 =	vpop (erf)  }
0x232: {  	v2 =	vmul.f32 v6, v2;
	_ =	sdelay $0x1  }
0x233: {  	[tilespmem:v3+s13+$0x0] =	vst.idx.msk $0xffff, v2  }
0x234: {  	v2 =	vld.idx.msk [tilespmem:v4+s28+$0x0], $0xffff;
	_ =	sdelay $0x4  }
0x235: {  	v3 =	vor.u32 v1, v5  }
0x236: {  	v4 =	vmul.f32 $6.666666860e-01, v2;
	_ =	sdelay $0x1  }
0x237: {  	v4 =	vadd.f32 $9.999999960e-13, v4;
	_ =	sdelay $0x1  }
0x238: {  	v5 =	vld.idx.msk [tilespmem:v3+s23+$0x0], $0xffff;
	(erf) = vrcp.f32 v4;
	_ =	sdelay $0x1  }
0x239: {  	v4 =	vld.idx.msk [tilespmem:v3+s28+$0x0], $0xffff;
	_ =	sdelay $0x1  }
0x23a: {  	s15 =	sadd.s32 $0xFFFFFFF6, s2  }
0x23b: {  	v6 =	vmov s15  }
0x23c: {  	v2 =	vmul.f32 v5, v2;
	v5 =	vshll.u32 v6, $0x3  }
0x23d: {  	v5 =	vor.u32 v0, v5  }
0x23e: {  	v2 =	vsub.f32 v2, v4;
	v4 =	vor.u32 $0x3, v5  }
0x23f: {  	v6 =	vpop (erf)  }
0x240: {  	v2 =	vmul.f32 v6, v2;
	_ =	sdelay $0x1  }
0x241: {  	[tilespmem:v3+s13+$0x0] =	vst.idx.msk $0xffff, v2  }
0x242: {  	v2 =	vld.idx.msk [tilespmem:v4+s28+$0x0], $0xffff;
	_ =	sdelay $0x4  }
0x243: {  	v3 =	vor.u32 v1, v5  }
0x244: {  	v4 =	vmul.f32 $6.666666860e-01, v2;
	_ =	sdelay $0x1  }
0x245: {  	v4 =	vadd.f32 $9.999999960e-13, v4;
	_ =	sdelay $0x1  }
0x246: {  	v5 =	vld.idx.msk [tilespmem:v3+s23+$0x0], $0xffff;
	(erf) = vrcp.f32 v4;
	_ =	sdelay $0x1  }
0x247: {  	v4 =	vld.idx.msk [tilespmem:v3+s28+$0x0], $0xffff;
	_ =	sdelay $0x1  }
0x248: {  	s15 =	sadd.s32 $0xFFFFFFF8, s2  }
0x249: {  	v6 =	vmov s15  }
0x24a: {  	v2 =	vmul.f32 v5, v2;
	v5 =	vshll.u32 v6, $0x3  }
0x24b: {  	v5 =	vor.u32 v0, v5  }
0x24c: {  	v2 =	vsub.f32 v2, v4;
	v4 =	vor.u32 $0x3, v5  }
0x24d: {  	v6 =	vpop (erf)  }
0x24e: {  	v2 =	vmul.f32 v6, v2;
	_ =	sdelay $0x1  }
0x24f: {  	[tilespmem:v3+s13+$0x0] =	vst.idx.msk $0xffff, v2  }
0x250: {  	v2 =	vld.idx.msk [tilespmem:v4+s28+$0x0], $0xffff;
	_ =	sdelay $0x4  }
0x251: {  	v3 =	vor.u32 v1, v5  }
0x252: {  	v4 =	vmul.f32 $6.666666860e-01, v2;
	_ =	sdelay $0x1  }
0x253: {  	v4 =	vadd.f32 $9.999999960e-13, v4;
	_ =	sdelay $0x1  }
0x254: {  	v5 =	vld.idx.msk [tilespmem:v3+s23+$0x0], $0xffff;
	(erf) = vrcp.f32 v4;
	_ =	sdelay $0x1  }
0x255: {  	v4 =	vld.idx.msk [tilespmem:v3+s28+$0x0], $0xffff;
	_ =	sdelay $0x1  }
0x256: {  	s15 =	sadd.s32 $0xFFFFFFFA, s2  }
0x257: {  	v6 =	vmov s15  }
0x258: {  	v2 =	vmul.f32 v5, v2;
	v5 =	vshll.u32 v6, $0x3  }
0x259: {  	v5 =	vor.u32 v0, v5  }
0x25a: {  	v2 =	vsub.f32 v2, v4;
	v4 =	vor.u32 $0x3, v5  }
0x25b: {  	v6 =	vpop (erf)  }
0x25c: {  	v2 =	vmul.f32 v6, v2;
	_ =	sdelay $0x1  }
0x25d: {  	[tilespmem:v3+s13+$0x0] =	vst.idx.msk $0xffff, v2  }
0x25e: {  	v2 =	vld.idx.msk [tilespmem:v4+s28+$0x0], $0xffff;
	_ =	sdelay $0x4  }
0x25f: {  	v3 =	vor.u32 v1, v5  }
0x260: {  	v4 =	vmul.f32 $6.666666860e-01, v2;
	_ =	sdelay $0x1  }
0x261: {  	v4 =	vadd.f32 $9.999999960e-13, v4;
	_ =	sdelay $0x1  }
0x262: {  	v5 =	vld.idx.msk [tilespmem:v3+s23+$0x0], $0xffff;
	(erf) = vrcp.f32 v4;
	_ =	sdelay $0x1  }
0x263: {  	v4 =	vld.idx.msk [tilespmem:v3+s28+$0x0], $0xffff;
	_ =	sdelay $0x1  }
0x264: {  	s15 =	sadd.s32 $0xFFFFFFFC, s2  }
0x265: {  	v6 =	vmov s15  }
0x266: {  	v2 =	vmul.f32 v5, v2;
	v5 =	vshll.u32 v6, $0x3  }
0x267: {  	v5 =	vor.u32 v0, v5  }
0x268: {  	v2 =	vsub.f32 v2, v4;
	v4 =	vor.u32 $0x3, v5  }
0x269: {  	v5 =	vor.u32 v1, v5;
	v6 =	vpop (erf)  }
0x26a: {  	v2 =	vmul.f32 v6, v2;
	_ =	sdelay $0x1  }
0x26b: {  	[tilespmem:v3+s13+$0x0] =	vst.idx.msk $0xffff, v2  }
0x26c: {  	v2 =	vld.idx.msk [tilespmem:v4+s28+$0x0], $0xffff  }
0x26d: {  	v3 =	vld.idx.msk [tilespmem:v5+s23+$0x0], $0xffff  }
0x26e: {  	v4 =	vld.idx.msk [tilespmem:v5+s28+$0x0], $0xffff;
	_ =	sdelay $0x3  }
0x26f: {  	v6 =	vmul.f32 $6.666666860e-01, v2  }
0x270: {  	v2 =	vmul.f32 v3, v2  }
0x271: {  	v3 =	vadd.f32 $9.999999960e-13, v6;
	_ =	sdelay $0x1  }
0x272: {  	(erf) = vrcp.f32 v3;
	_ =	sdelay $0x3  }
0x273: {  	s15 =	sadd.s32 $0xFFFFFFFE, s2  }
0x274: {  	v3 =	vmov s15  }
0x275: {  	v3 =	vshll.u32 v3, $0x3  }
0x276: {  	v3 =	vor.u32 v0, v3  }
0x277: {  	v2 =	vsub.f32 v2, v4;
	v4 =	vor.u32 $0x3, v3  }
0x278: {  	v3 =	vor.u32 v1, v3;
	v6 =	vpop (erf)  }
0x279: {  	v2 =	vmul.f32 v6, v2;
	_ =	sdelay $0x1  }
0x27a: {  	[tilespmem:v5+s13+$0x0] =	vst.idx.msk $0xffff, v2  }
0x27b: {  	v2 =	vld.idx.msk [tilespmem:v4+s28+$0x0], $0xffff  }
0x27c: {  	v4 =	vld.idx.msk [tilespmem:v3+s23+$0x0], $0xffff  }
0x27d: {  	v5 =	vld.idx.msk [tilespmem:v3+s28+$0x0], $0xffff;
	_ =	sdelay $0x3  }
0x27e: {  	v6 =	vmul.f32 $6.666666860e-01, v2  }
0x27f: {  	v2 =	vmul.f32 v4, v2  }
0x280: {  	v4 =	vadd.f32 $9.999999960e-13, v6;
	_ =	sdelay $0x1  }
0x281: {  	(erf) = vrcp.f32 v4;
	_ =	sdelay $0x4  }
0x282: {  	v4 =	vmov s2  }
0x283: {  	v4 =	vshll.u32 v4, $0x3  }
0x284: {  	v7 =	vor.u32 v0, v4  }
0x285: {  	v5 =	vsub.f32 v2, v5;
	v6 =	vor.u32 $0x3, v7  }
0x286: {  	v2 =	vor.u32 v1, v7;
	v4 =	vpop (erf)  }
0x287: {  	v4 =	vmul.f32 v4, v5;
	_ =	sdelay $0x1  }
0x288: {  	[tilespmem:v3+s13+$0x0] =	vst.idx.msk $0xffff, v4  }
0x289: {  	v3 =	vld.idx.msk [tilespmem:v6+s28+$0x0], $0xffff  }
0x28a: {  	v4 =	vld.idx.msk [tilespmem:v2+s23+$0x0], $0xffff  }
0x28b: {  	v5 =	vld.idx.msk [tilespmem:v2+s28+$0x0], $0xffff;
	_ =	sdelay $0x3  }
0x28c: {  	v6 =	vmul.f32 $6.666666860e-01, v3  }
0x28d: {  	v7 =	vmul.f32 v4, v3  }
0x28e: {  	v3 =	vadd.f32 $9.999999960e-13, v6;
	_ =	sdelay $0x1  }
0x28f: {  	(erf) = vrcp.f32 v3;
	_ =	sdelay $0x2  }
0x290: {  	s2 =	sadd.s32 $0x10, s2  }
0x291: {  	s15 =	sadd.s32 $0xFFFFFFF2, s2  }
0x292: {  	v3 =	vmov s15  }
.Ltmp2:
0x293: {  	v3 =	vshll.u32 v3, $0x3;
	(pc) =	sbr.rel @p0 .LBB2_7-.Ltmp2, $4  }
0x294: {  	v3 =	vor.u32 v0, v3  }
0x295: {  	v5 =	vsub.f32 v7, v5;
	v4 =	vor.u32 $0x3, v3  }
0x296: {  	v6 =	vpop (erf)  }
0x297: {  	v5 =	vmul.f32 v6, v5  }
0x298: {  	_ =	sdelay $0x3  }
0x299: {  	[tilespmem:v2+s13+$0x0] =	vst.idx.msk $0xffff, v5  }
0x29a: {  	v2 =	vld.idx.msk [tilespmem:v4+s28+$0x0], $0xffff;
	_ =	sdelay $0x4  }
0x29b: {  	v3 =	vor.u32 v1, v3;
	v4 =	vmul.f32 $6.666666860e-01, v2;
	_ =	sdelay $0x1  }
0x29c: {  	v4 =	vadd.f32 $9.999999960e-13, v4;
	_ =	sdelay $0x1  }
0x29d: {  	(erf) = vrcp.f32 v4  }
0x29e: {  	v14 =	vld.idx.msk [tilespmem:v3+s23+$0x0], $0xffff;
	_ =	sdelay $0x1  }
0x29f: {  	v5 =	vld.idx.msk [tilespmem:v3+s28+$0x0], $0xffff  }
0x2a0: {  	s1 =	sadd.s32 $0xFFFFFFF4, s2  }
0x2a1: {  	v6 =	vmov s1  }
0x2a2: {  	v15 =	vshll.u32 v6, $0x3;
	v2 =	vmul.f32 v14, v2  }
0x2a3: {  	v4 =	vor.u32 v0, v15  }
0x2a4: {  	v2 =	vsub.f32 v2, v5;
	v16 =	vor.u32 $0x3, v4  }
0x2a5: {  	v17 =	vpop (erf)  }
0x2a6: {  	v2 =	vmul.f32 v17, v2;
	_ =	sdelay $0x1  }
0x2a7: {  	[tilespmem:v3+s13+$0x0] =	vst.idx.msk $0xffff, v2  }
0x2a8: {  	v2 =	vld.idx.msk [tilespmem:v16+s28+$0x0], $0xffff;
	_ =	sdelay $0x4  }
0x2a9: {  	v3 =	vor.u32 v1, v4;
	v18 =	vmul.f32 $6.666666860e-01, v2;
	_ =	sdelay $0x1  }
0x2aa: {  	v4 =	vadd.f32 $9.999999960e-13, v18;
	_ =	sdelay $0x1  }
0x2ab: {  	(erf) = vrcp.f32 v4  }
0x2ac: {  	v19 =	vld.idx.msk [tilespmem:v3+s23+$0x0], $0xffff;
	_ =	sdelay $0x1  }
0x2ad: {  	v20 =	vld.idx.msk [tilespmem:v3+s28+$0x0], $0xffff  }
0x2ae: {  	s15 =	sadd.s32 $0xFFFFFFF6, s2  }
0x2af: {  	v21 =	vmov s15  }
0x2b0: {  	v22 =	vshll.u32 v21, $0x3;
	v2 =	vmul.f32 v19, v2  }
0x2b1: {  	v4 =	vor.u32 v0, v22  }
0x2b2: {  	v23 =	vor.u32 $0x3, v4;
	v2 =	vsub.f32 v2, v20  }
0x2b3: {  	v24 =	vpop (erf)  }
0x2b4: {  	v2 =	vmul.f32 v24, v2;
	_ =	sdelay $0x1  }
0x2b5: {  	[tilespmem:v3+s13+$0x0] =	vst.idx.msk $0xffff, v2  }
0x2b6: {  	v2 =	vld.idx.msk [tilespmem:v23+s28+$0x0], $0xffff;
	_ =	sdelay $0x4  }
0x2b7: {  	v3 =	vor.u32 v1, v4;
	v25 =	vmul.f32 $6.666666860e-01, v2;
	_ =	sdelay $0x1  }
0x2b8: {  	v4 =	vadd.f32 $9.999999960e-13, v25;
	_ =	sdelay $0x1  }
0x2b9: {  	(erf) = vrcp.f32 v4  }
0x2ba: {  	v26 =	vld.idx.msk [tilespmem:v3+s23+$0x0], $0xffff;
	_ =	sdelay $0x1  }
0x2bb: {  	v27 =	vld.idx.msk [tilespmem:v3+s28+$0x0], $0xffff  }
0x2bc: {  	s15 =	sadd.s32 $0xFFFFFFF8, s2  }
0x2bd: {  	v28 =	vmov s15  }
0x2be: {  	v29 =	vshll.u32 v28, $0x3;
	v2 =	vmul.f32 v26, v2  }
0x2bf: {  	v4 =	vor.u32 v0, v29  }
0x2c0: {  	v30 =	vor.u32 $0x3, v4;
	v2 =	vsub.f32 v2, v27  }
0x2c1: {  	v31 =	vpop (erf)  }
0x2c2: {  	v2 =	vmul.f32 v31, v2;
	_ =	sdelay $0x1  }
0x2c3: {  	[tilespmem:v3+s13+$0x0] =	vst.idx.msk $0xffff, v2  }
0x2c4: {  	v2 =	vld.idx.msk [tilespmem:v30+s28+$0x0], $0xffff;
	_ =	sdelay $0x4  }
0x2c5: {  	v3 =	vor.u32 v1, v4;
	v32 =	vmul.f32 $6.666666860e-01, v2;
	_ =	sdelay $0x1  }
0x2c6: {  	v4 =	vadd.f32 $9.999999960e-13, v32;
	_ =	sdelay $0x1  }
0x2c7: {  	(erf) = vrcp.f32 v4  }
0x2c8: {  	v33 =	vld.idx.msk [tilespmem:v3+s23+$0x0], $0xffff;
	_ =	sdelay $0x1  }
0x2c9: {  	v34 =	vld.idx.msk [tilespmem:v3+s28+$0x0], $0xffff  }
0x2ca: {  	s15 =	sadd.s32 $0xFFFFFFFA, s2  }
0x2cb: {  	v35 =	vmov s15  }
0x2cc: {  	v36 =	vshll.u32 v35, $0x3;
	v2 =	vmul.f32 v33, v2  }
0x2cd: {  	v4 =	vor.u32 v0, v36  }
0x2ce: {  	v37 =	vor.u32 $0x3, v4;
	v2 =	vsub.f32 v2, v34  }
0x2cf: {  	v38 =	vpop (erf)  }
0x2d0: {  	v2 =	vmul.f32 v38, v2;
	_ =	sdelay $0x1  }
0x2d1: {  	[tilespmem:v3+s13+$0x0] =	vst.idx.msk $0xffff, v2  }
0x2d2: {  	v2 =	vld.idx.msk [tilespmem:v37+s28+$0x0], $0xffff;
	_ =	sdelay $0x4  }
0x2d3: {  	v3 =	vor.u32 v1, v4;
	v39 =	vmul.f32 $6.666666860e-01, v2;
	_ =	sdelay $0x1  }
0x2d4: {  	v4 =	vadd.f32 $9.999999960e-13, v39;
	_ =	sdelay $0x1  }
0x2d5: {  	(erf) = vrcp.f32 v4  }
0x2d6: {  	v40 =	vld.idx.msk [tilespmem:v3+s23+$0x0], $0xffff;
	_ =	sdelay $0x1  }
0x2d7: {  	v41 =	vld.idx.msk [tilespmem:v3+s28+$0x0], $0xffff  }
0x2d8: {  	s15 =	sadd.s32 $0xFFFFFFFC, s2  }
0x2d9: {  	v42 =	vmov s15  }
0x2da: {  	v43 =	vshll.u32 v42, $0x3;
	v2 =	vmul.f32 v40, v2  }
0x2db: {  	v4 =	vor.u32 v0, v43  }
0x2dc: {  	v44 =	vor.u32 $0x3, v4;
	v2 =	vsub.f32 v2, v41  }
0x2dd: {  	v45 =	vpop (erf)  }
0x2de: {  	v2 =	vmul.f32 v45, v2;
	_ =	sdelay $0x1  }
0x2df: {  	[tilespmem:v3+s13+$0x0] =	vst.idx.msk $0xffff, v2  }
0x2e0: {  	v2 =	vld.idx.msk [tilespmem:v44+s28+$0x0], $0xffff;
	_ =	sdelay $0x4  }
0x2e1: {  	v3 =	vor.u32 v1, v4;
	v46 =	vmul.f32 $6.666666860e-01, v2;
	_ =	sdelay $0x1  }
0x2e2: {  	v4 =	vadd.f32 $9.999999960e-13, v46;
	_ =	sdelay $0x1  }
0x2e3: {  	(erf) = vrcp.f32 v4  }
0x2e4: {  	v47 =	vld.idx.msk [tilespmem:v3+s23+$0x0], $0xffff;
	_ =	sdelay $0x1  }
0x2e5: {  	v48 =	vld.idx.msk [tilespmem:v3+s28+$0x0], $0xffff  }
0x2e6: {  	s15 =	sadd.s32 $0xFFFFFFFE, s2  }
0x2e7: {  	v49 =	vmov s15  }
0x2e8: {  	v50 =	vshll.u32 v49, $0x3;
	v2 =	vmul.f32 v47, v2  }
0x2e9: {  	v4 =	vor.u32 v0, v50  }
0x2ea: {  	v51 =	vor.u32 $0x3, v4;
	v2 =	vsub.f32 v2, v48  }
0x2eb: {  	v52 =	vpop (erf)  }
0x2ec: {  	v2 =	vmul.f32 v52, v2;
	_ =	sdelay $0x1  }
0x2ed: {  	[tilespmem:v3+s13+$0x0] =	vst.idx.msk $0xffff, v2  }
0x2ee: {  	v2 =	vld.idx.msk [tilespmem:v51+s28+$0x0], $0xffff;
	_ =	sdelay $0x4  }
0x2ef: {  	v3 =	vor.u32 v1, v4;
	v53 =	vmul.f32 $6.666666860e-01, v2;
	_ =	sdelay $0x1  }
0x2f0: {  	v4 =	vadd.f32 $9.999999960e-13, v53;
	_ =	sdelay $0x1  }
0x2f1: {  	(erf) = vrcp.f32 v4  }
0x2f2: {  	v54 =	vld.idx.msk [tilespmem:v3+s23+$0x0], $0xffff;
	_ =	sdelay $0x1  }
0x2f3: {  	v55 =	vld.idx.msk [tilespmem:v3+s28+$0x0], $0xffff;
	_ =	sdelay $0x1  }
0x2f4: {  	v56 =	vmov s2  }
0x2f5: {  	v57 =	vshll.u32 v56, $0x3;
	v2 =	vmul.f32 v54, v2  }
0x2f6: {  	v4 =	vor.u32 v0, v57  }
0x2f7: {  	v58 =	vor.u32 $0x3, v4;
	v2 =	vsub.f32 v2, v55  }
0x2f8: {  	v59 =	vpop (erf)  }
0x2f9: {  	v2 =	vmul.f32 v59, v2;
	_ =	sdelay $0x1  }
0x2fa: {  	[tilespmem:v3+s13+$0x0] =	vst.idx.msk $0xffff, v2  }
0x2fb: {  	v2 =	vld.idx.msk [tilespmem:v58+s28+$0x0], $0xffff;
	_ =	sdelay $0x4  }
0x2fc: {  	v3 =	vor.u32 v1, v4;
	v60 =	vmul.f32 $6.666666860e-01, v2;
	_ =	sdelay $0x1  }
0x2fd: {  	v4 =	vadd.f32 $9.999999960e-13, v60;
	_ =	sdelay $0x1  }
0x2fe: {  	(erf) = vrcp.f32 v4  }
0x2ff: {  	v61 =	vld.idx.msk [tilespmem:v3+s23+$0x0], $0xffff;
	_ =	sdelay $0x1  }
0x300: {  	v62 =	vld.idx.msk [tilespmem:v3+s28+$0x0], $0xffff;
	_ =	sdelay $0x2  }
0x301: {  	v2 =	vmul.f32 v61, v2;
	_ =	sdelay $0x1  }
0x302: {  	v2 =	vsub.f32 v2, v62  }
0x303: {  	v63 =	vpop (erf)  }
0x304: {  	s30 =	sadd.s32 $0x1, s30;
	v2 =	vmul.f32 v63, v2  }
0x305: {  	p0 =	sne.s32 s30, $0x8  }
.Ltmp3:
0x306: {  	s0 =	sadd.s32 s0, s10;
	[tilespmem:v3+s13+$0x0] =	vst.idx.msk $0xffff, v2;
	(pc) =	sbr.rel @p0 .LBB2_6-.Ltmp3, $4  }
0x307: {  	[hbm4b:s0+s4] =	stream.linear.scatter [tilespmem:s13], [sflag:$0x1], $0x1880, $0x38;
	[tilespmem:$0x1E480] =	vst v63  }
0x308: {  	_ =	swait.ge [sflag:s22], $0x1880  }
0x309: {  	[sflag:s22] =	ssyncset.done $0x0  }
0x30a: {  	[sflag:s22] =	ssyncadd.s32 $0xFFFFE780  }
0x30b: {  	[bflag:$0x0] =	sbarrier.arrive $0xFFFF  }
0x30c: {  	s0 =	simm.s32 $0x0;
	s1 =	rddreg [dreg:$0x1]  }
0x30d: {  	[tilespmem:s13], [sflag:$0x1] =	stream.linear.gather [hbm4b:s1+s0], $0x1880, $0x38;
	[tilespmem:$0x1E480] =	vst v63  }
0x30e: {  	_ =	swait.ge [sflag:s22], $0x1880  }
0x30f: {  	[sflag:s22] =	ssyncset.done $0x0  }
0x310: {  	s2 =	rddreg [dreg:$0x5];
	[sflag:s22] =	ssyncadd.s32 $0xFFFFE780  }
0x311: {  	[spmem:s2] =	stream.linear.scatter [tilespmem:s13], [sflag:$0x1], $0x1880, $0x38;
	[tilespmem:$0x1E480] =	vst v63  }
0x312: {  	_ =	swait.ge [sflag:s22], $0x1880  }
0x313: {  	[sflag:s22] =	ssyncset.done $0x0  }
0x314: {  	s15 =	rddreg [dreg:$0x1d];
	[sflag:s22] =	ssyncadd.s32 $0xFFFFE780  }
0x315: {  	[tilespmem:s23], [sflag:$0x1] =	stream.linear.gather [hbm4b:s15+s0], $0x1880, $0x38;
	[tilespmem:$0x1E480] =	vst v63  }
0x316: {  	_ =	swait.ge [sflag:s22], $0x1880  }
0x317: {  	[sflag:s22] =	ssyncset.done $0x0  }
0x318: {  	s30 =	rddreg [dreg:$0x6];
	[sflag:s22] =	ssyncadd.s32 $0xFFFFE780  }
0x319: {  	[spmem:s30] =	stream.linear.scatter [tilespmem:s23], [sflag:$0x1], $0x1880, $0x38;
	[tilespmem:$0x1E480] =	vst v63  }
0x31a: {  	_ =	swait.ge [sflag:s22], $0x1880  }
0x31b: {  	[sflag:s22] =	ssyncset.done $0x0  }
0x31c: {  	s2 =	rddreg [dreg:$0x1e];
	[sflag:s22] =	ssyncadd.s32 $0xFFFFE780  }
0x31d: {  	[spmem:s2] =	stream.linear.scatter [tilespmem:s13], [sflag:$0x1], $0x1880, $0x38;
	[tilespmem:$0x1E480] =	vst v63  }
0x31e: {  	_ =	swait.ge [sflag:s22], $0x1880  }
0x31f: {  	[sflag:s22] =	ssyncset.done $0x0  }
0x320: {  	s15 =	rddreg [dreg:$0x16];
	[sflag:s22] =	ssyncadd.s32 $0xFFFFE780  }
0x321: {  	[tilespmem:s23], [sflag:$0x1] =	stream.linear.gather [hbm4b:s15+s0], $0x1880, $0x38;
	[tilespmem:$0x1E480] =	vst v63  }
0x322: {  	_ =	swait.ge [sflag:s22], $0x1880  }
0x323: {  	[sflag:s22] =	ssyncset.done $0x0  }
0x324: {  	s30 =	rddreg [dreg:$0x7];
	[sflag:s22] =	ssyncadd.s32 $0xFFFFE780  }
0x325: {  	[spmem:s30] =	stream.linear.scatter [tilespmem:s23], [sflag:$0x1], $0x1880, $0x38;
	[tilespmem:$0x1E480] =	vst v63  }
0x326: {  	_ =	swait.ge [sflag:s22], $0x1880  }
0x327: {  	[sflag:s22] =	ssyncset.done $0x0  }
0x328: {  	s2 =	rddreg [dreg:$0x1f];
	[sflag:s22] =	ssyncadd.s32 $0xFFFFE780  }
0x329: {  	[spmem:s2] =	stream.linear.scatter [tilespmem:s13], [sflag:$0x1], $0x1880, $0x38;
	[tilespmem:$0x1E480] =	vst v63  }
0x32a: {  	_ =	swait.ge [sflag:s22], $0x1880  }
0x32b: {  	[sflag:s22] =	ssyncset.done $0x0  }
0x32c: {  	s15 =	rddreg [dreg:$0x17];
	[sflag:s22] =	ssyncadd.s32 $0xFFFFE780  }
0x32d: {  	[tilespmem:s23], [sflag:$0x1] =	stream.linear.gather [hbm4b:s15+s0], $0x1880, $0x38;
	[tilespmem:$0x1E480] =	vst v63  }
0x32e: {  	_ =	swait.ge [sflag:s22], $0x1880  }
0x32f: {  	[sflag:s22] =	ssyncset.done $0x0  }
0x330: {  	s30 =	rddreg [dreg:$0x8];
	[sflag:s22] =	ssyncadd.s32 $0xFFFFE780  }
0x331: {  	[spmem:s30] =	stream.linear.scatter [tilespmem:s23], [sflag:$0x1], $0x1880, $0x38;
	[tilespmem:$0x1E480] =	vst v63  }
0x332: {  	_ =	swait.ge [sflag:s22], $0x1880  }
0x333: {  	s2 =	sld [smem:$0x7F9]  }
0x334: {  	[sflag:s22] =	ssyncset.done $0x0  }
0x335: {  	[sflag:s22] =	ssyncadd.s32 $0xFFFFE780  }
0x336: {  	[spmem:s2] =	stream.linear.scatter [tilespmem:s13], [sflag:$0x1], $0x1880, $0x38;
	[tilespmem:$0x1E480] =	vst v63  }
0x337: {  	_ =	swait.ge [sflag:s22], $0x1880  }
0x338: {  	[sflag:s22] =	ssyncset.done $0x0  }
0x339: {  	s15 =	rddreg [dreg:$0x18];
	[sflag:s22] =	ssyncadd.s32 $0xFFFFE780  }
0x33a: {  	[tilespmem:s23], [sflag:$0x1] =	stream.linear.gather [hbm4b:s15+s0], $0x1880, $0x38;
	[tilespmem:$0x1E480] =	vst v63  }
0x33b: {  	_ =	swait.ge [sflag:s22], $0x1880  }
0x33c: {  	[sflag:s22] =	ssyncset.done $0x0  }
0x33d: {  	s30 =	rddreg [dreg:$0x9];
	[sflag:s22] =	ssyncadd.s32 $0xFFFFE780  }
0x33e: {  	[spmem:s30] =	stream.linear.scatter [tilespmem:s23], [sflag:$0x1], $0x1880, $0x38;
	[tilespmem:$0x1E480] =	vst v63  }
0x33f: {  	_ =	swait.ge [sflag:s22], $0x1880  }
0x340: {  	s2 =	sld [smem:$0x7FA]  }
0x341: {  	[sflag:s22] =	ssyncset.done $0x0  }
0x342: {  	[sflag:s22] =	ssyncadd.s32 $0xFFFFE780  }
0x343: {  	[spmem:s2] =	stream.linear.scatter [tilespmem:s13], [sflag:$0x1], $0x1880, $0x38;
	[tilespmem:$0x1E480] =	vst v63  }
0x344: {  	_ =	swait.ge [sflag:s22], $0x1880  }
0x345: {  	[sflag:s22] =	ssyncset.done $0x0  }
0x346: {  	s15 =	rddreg [dreg:$0x19];
	[sflag:s22] =	ssyncadd.s32 $0xFFFFE780  }
0x347: {  	[tilespmem:s23], [sflag:$0x1] =	stream.linear.gather [hbm4b:s15+s0], $0x1880, $0x38;
	[tilespmem:$0x1E480] =	vst v63  }
0x348: {  	_ =	swait.ge [sflag:s22], $0x1880  }
0x349: {  	[sflag:s22] =	ssyncset.done $0x0  }
0x34a: {  	s30 =	rddreg [dreg:$0xa];
	[sflag:s22] =	ssyncadd.s32 $0xFFFFE780  }
0x34b: {  	[spmem:s30] =	stream.linear.scatter [tilespmem:s23], [sflag:$0x1], $0x1880, $0x38;
	[tilespmem:$0x1E480] =	vst v63  }
0x34c: {  	_ =	swait.ge [sflag:s22], $0x1880  }
0x34d: {  	s2 =	sld [smem:$0x7FB]  }
0x34e: {  	[sflag:s22] =	ssyncset.done $0x0  }
0x34f: {  	[sflag:s22] =	ssyncadd.s32 $0xFFFFE780  }
0x350: {  	[spmem:s2] =	stream.linear.scatter [tilespmem:s13], [sflag:$0x1], $0x1880, $0x38;
	[tilespmem:$0x1E480] =	vst v63  }
0x351: {  	_ =	swait.ge [sflag:s22], $0x1880  }
0x352: {  	[sflag:s22] =	ssyncset.done $0x0  }
0x353: {  	s15 =	rddreg [dreg:$0x1a];
	[sflag:s22] =	ssyncadd.s32 $0xFFFFE780  }
0x354: {  	[tilespmem:s23], [sflag:$0x1] =	stream.linear.gather [hbm4b:s15+s0], $0x1880, $0x38;
	[tilespmem:$0x1E480] =	vst v63  }
0x355: {  	_ =	swait.ge [sflag:s22], $0x1880  }
0x356: {  	[sflag:s22] =	ssyncset.done $0x0  }
0x357: {  	s30 =	rddreg [dreg:$0xb];
	[sflag:s22] =	ssyncadd.s32 $0xFFFFE780  }
0x358: {  	[spmem:s30] =	stream.linear.scatter [tilespmem:s23], [sflag:$0x1], $0x1880, $0x38;
	[tilespmem:$0x1E480] =	vst v63  }
0x359: {  	_ =	swait.ge [sflag:s22], $0x1880  }
0x35a: {  	s2 =	sld [smem:$0x7FC]  }
0x35b: {  	[sflag:s22] =	ssyncset.done $0x0  }
0x35c: {  	[sflag:s22] =	ssyncadd.s32 $0xFFFFE780  }
0x35d: {  	[spmem:s2] =	stream.linear.scatter [tilespmem:s13], [sflag:$0x1], $0x1880, $0x38;
	[tilespmem:$0x1E480] =	vst v63  }
0x35e: {  	_ =	swait.ge [sflag:s22], $0x1880  }
0x35f: {  	[sflag:s22] =	ssyncset.done $0x0  }
0x360: {  	s15 =	rddreg [dreg:$0x1b];
	[sflag:s22] =	ssyncadd.s32 $0xFFFFE780  }
0x361: {  	[tilespmem:s23], [sflag:$0x1] =	stream.linear.gather [hbm4b:s15+s0], $0x1880, $0x38;
	[tilespmem:$0x1E480] =	vst v63  }
0x362: {  	_ =	swait.ge [sflag:s22], $0x1880  }
0x363: {  	[sflag:s22] =	ssyncset.done $0x0  }
0x364: {  	s30 =	rddreg [dreg:$0xc];
	[sflag:s22] =	ssyncadd.s32 $0xFFFFE780  }
0x365: {  	[spmem:s30] =	stream.linear.scatter [tilespmem:s23], [sflag:$0x1], $0x1880, $0x38;
	[tilespmem:$0x1E480] =	vst v63  }
0x366: {  	_ =	swait.ge [sflag:s22], $0x1880  }
0x367: {  	s2 =	sld [smem:$0x7FD]  }
0x368: {  	[sflag:s22] =	ssyncset.done $0x0  }
0x369: {  	[sflag:s22] =	ssyncadd.s32 $0xFFFFE780  }
0x36a: {  	[spmem:s2] =	stream.linear.scatter [tilespmem:s13], [sflag:$0x1], $0x1880, $0x38;
	[tilespmem:$0x1E480] =	vst v63  }
0x36b: {  	_ =	swait.ge [sflag:s22], $0x1880  }
0x36c: {  	[sflag:s22] =	ssyncset.done $0x0  }
0x36d: {  	s15 =	rddreg [dreg:$0x1c];
	[sflag:s22] =	ssyncadd.s32 $0xFFFFE780  }
0x36e: {  	[tilespmem:s23], [sflag:$0x1] =	stream.linear.gather [hbm4b:s15+s0], $0x1880, $0x38;
	[tilespmem:$0x1E480] =	vst v63  }
0x36f: {  	_ =	swait.ge [sflag:s22], $0x1880  }
0x370: {  	[sflag:s22] =	ssyncset.done $0x0  }
0x371: {  	s30 =	rddreg [dreg:$0x15];
	[sflag:s22] =	ssyncadd.s32 $0xFFFFE780  }
0x372: {  	[spmem:s30] =	stream.linear.scatter [tilespmem:s23], [sflag:$0x1], $0x1880, $0x38;
	[tilespmem:$0x1E480] =	vst v63  }
0x373: {  	_ =	swait.ge [sflag:s22], $0x1880  }
0x374: {  	[sflag:s22] =	ssyncset.done $0x0  }
0x375: {  	[sflag:s22] =	ssyncadd.s32 $0xFFFFE780  }
0x376: {  	[bflag:$0x0] =	sbarrier.arrive $0xFFFF  }
.LBB2_10:
0x377: {  	s1 =	sshll.u32 s0, $0x7  }
0x378: {  	s1 =	sadd.s32 s1, s11  }
0x379: {  	s1 =	sshrl.u32 s1, $0x3  }
0x37a: {  	s2 =	sadd.s32 s6, s1  }
0x37b: {  	[tilespmem:s24], [sflag:$0x1] =	stream.linear.gather [hbm4b:s2+s4], $0x80, $0x38;
	[tilespmem:$0x1E480] =	vst v63  }
0x37c: {  	_ =	swait.ge [sflag:s22], $0x80  }
0x37d: {  	[sflag:s22] =	ssyncset.done $0x0  }
0x37e: {  	s15 =	sadd.s32 s7, s1;
	[sflag:s22] =	ssyncadd.s32 $0xFFFFFF80  }
0x37f: {  	[tilespmem:s25], [sflag:$0x1] =	stream.linear.gather [hbm4b:s15+s4], $0x80, $0x38;
	[tilespmem:$0x1E480] =	vst v63  }
0x380: {  	_ =	swait.ge [sflag:s22], $0x80  }
0x381: {  	s30 =	sadd.s32 $0x6200, s1;
	[sflag:s22] =	ssyncset.done $0x0  }
0x382: {  	s15 =	sadd.s32 s6, s30;
	[sflag:s22] =	ssyncadd.s32 $0xFFFFFF80  }
0x383: {  	[tilespmem:s14], [sflag:$0x1] =	stream.linear.gather [hbm4b:s15+s4], $0x80, $0x38;
	[tilespmem:$0x1E480] =	vst v63  }
0x384: {  	_ =	swait.ge [sflag:s22], $0x80  }
0x385: {  	[sflag:s22] =	ssyncset.done $0x0  }
0x386: {  	s2 =	sadd.s32 s7, s30;
	[sflag:s22] =	ssyncadd.s32 $0xFFFFFF80  }
0x387: {  	[tilespmem:s16], [sflag:$0x1] =	stream.linear.gather [hbm4b:s2+s4], $0x80, $0x38;
	[tilespmem:$0x1E480] =	vst v63  }
0x388: {  	_ =	swait.ge [sflag:s22], $0x80  }
0x389: {  	s1 =	sadd.s32 $0xC400, s1;
	[sflag:s22] =	ssyncset.done $0x0  }
0x38a: {  	s30 =	sadd.s32 s6, s1;
	[sflag:s22] =	ssyncadd.s32 $0xFFFFFF80  }
0x38b: {  	[tilespmem:s17], [sflag:$0x1] =	stream.linear.gather [hbm4b:s30+s4], $0x80, $0x38;
	[tilespmem:$0x1E480] =	vst v63  }
0x38c: {  	_ =	swait.ge [sflag:s22], $0x80  }
0x38d: {  	[sflag:s22] =	ssyncset.done $0x0  }
0x38e: {  	s1 =	sadd.s32 s7, s1;
	[sflag:s22] =	ssyncadd.s32 $0xFFFFFF80  }
0x38f: {  	[tilespmem:s18], [sflag:$0x1] =	stream.linear.gather [hbm4b:s1+s4], $0x80, $0x38;
	[tilespmem:$0x1E480] =	vst v63  }
0x390: {  	_ =	swait.ge [sflag:s22], $0x80  }
0x391: {  	[sflag:s22] =	ssyncset.done $0x0  }
0x392: {  	[sflag:s22] =	ssyncadd.s32 $0xFFFFFF80  }
0x393: {  	[tilespmem:s20], [sflag:$0x1] =	stream.indirect.gather [spmem:s3], $0x8, s24, s19, $0xb8;
	[tilespmem:$0x1E480] =	vst v63  }
0x394: {  	_ =	swait.ge [sflag:s22], $0x400  }
0x395: {  	[sflag:s22] =	ssyncset.done $0x0  }
0x396: {  	s15 =	simm.s32 $0x0;
	[sflag:s22] =	ssyncadd.s32 $0xFFFFFC00  }
0x397: {  	v2 =	vmov s15;
	[tilespmem:s21], [sflag:$0x1] =	stream.indirect.gather [spmem:s3], $0x8, s14, s19, $0xb8;
	[tilespmem:$0x1E480] =	vst v63  }
0x398: {  	v2 =	vshll.u32 v2, $0x3;
	_ =	swait.ge [sflag:s22], $0x400  }
0x399: {  	v2 =	vor.u32 v0, v2;
	[sflag:s22] =	ssyncset.done $0x0  }
0x39a: {  	v2 =	vor.u32 v1, v2;
	[sflag:s22] =	ssyncadd.s32 $0xFFFFFC00  }
0x39b: {  	[tilespmem:s31], [sflag:$0x1] =	stream.indirect.gather [spmem:s3], $0x8, s17, s19, $0xb8;
	[tilespmem:$0x1E480] =	vst v63  }
0x39c: {  	_ =	swait.ge [sflag:s22], $0x400  }
0x39d: {  	[sflag:s22] =	ssyncset.done $0x0  }
0x39e: {  	[sflag:s22] =	ssyncadd.s32 $0xFFFFFC00  }
0x39f: {  	v3 =	vld.idx.msk [tilespmem:v2+s20+$0x0], $0xffff  }
0x3a0: {  	v4 =	vld.idx.msk [tilespmem:v2+s21+$0x0], $0xffff  }
0x3a1: {  	s30 =	simm.s32 $0x2  }
0x3a2: {  	v6 =	vmov s30;
	v5 =	vld.idx.msk [tilespmem:v2+s31+$0x0], $0xffff  }
0x3a3: {  	v6 =	vshll.u32 v6, $0x3  }
0x3a4: {  	v6 =	vor.u32 v0, v6  }
0x3a5: {  	v3 =	vadd.f32 v4, v3;
	v4 =	vor.u32 v1, v6;
	_ =	sdelay $0x1  }
0x3a6: {  	v3 =	vadd.f32 v5, v3;
	_ =	sdelay $0x1  }
0x3a7: {  	[tilespmem:v2+s26+$0x0] =	vst.idx.msk $0xffff, v3  }
0x3a8: {  	v2 =	vld.idx.msk [tilespmem:v4+s20+$0x0], $0xffff  }
0x3a9: {  	v3 =	vld.idx.msk [tilespmem:v4+s21+$0x0], $0xffff  }
0x3aa: {  	s2 =	simm.s32 $0x4  }
0x3ab: {  	v6 =	vmov s2;
	v5 =	vld.idx.msk [tilespmem:v4+s31+$0x0], $0xffff  }
0x3ac: {  	v6 =	vshll.u32 v6, $0x3  }
0x3ad: {  	v6 =	vor.u32 v0, v6  }
0x3ae: {  	v2 =	vadd.f32 v3, v2;
	v3 =	vor.u32 v1, v6;
	_ =	sdelay $0x1  }
0x3af: {  	v2 =	vadd.f32 v5, v2;
	_ =	sdelay $0x1  }
0x3b0: {  	[tilespmem:v4+s26+$0x0] =	vst.idx.msk $0xffff, v2  }
0x3b1: {  	v2 =	vld.idx.msk [tilespmem:v3+s20+$0x0], $0xffff  }
0x3b2: {  	v4 =	vld.idx.msk [tilespmem:v3+s21+$0x0], $0xffff  }
0x3b3: {  	s15 =	simm.s32 $0x6  }
0x3b4: {  	v6 =	vmov s15;
	v5 =	vld.idx.msk [tilespmem:v3+s31+$0x0], $0xffff  }
0x3b5: {  	v6 =	vshll.u32 v6, $0x3  }
0x3b6: {  	v6 =	vor.u32 v0, v6  }
0x3b7: {  	v2 =	vadd.f32 v4, v2;
	v4 =	vor.u32 v1, v6;
	_ =	sdelay $0x1  }
0x3b8: {  	v2 =	vadd.f32 v5, v2;
	_ =	sdelay $0x1  }
0x3b9: {  	[tilespmem:v3+s26+$0x0] =	vst.idx.msk $0xffff, v2  }
0x3ba: {  	v2 =	vld.idx.msk [tilespmem:v4+s20+$0x0], $0xffff  }
0x3bb: {  	v3 =	vld.idx.msk [tilespmem:v4+s21+$0x0], $0xffff  }
0x3bc: {  	s30 =	simm.s32 $0x8  }
0x3bd: {  	v6 =	vmov s30;
	v5 =	vld.idx.msk [tilespmem:v4+s31+$0x0], $0xffff  }
0x3be: {  	v6 =	vshll.u32 v6, $0x3  }
0x3bf: {  	v6 =	vor.u32 v0, v6  }
0x3c0: {  	v2 =	vadd.f32 v3, v2;
	v3 =	vor.u32 v1, v6;
	_ =	sdelay $0x1  }
0x3c1: {  	v2 =	vadd.f32 v5, v2;
	_ =	sdelay $0x1  }
0x3c2: {  	[tilespmem:v4+s26+$0x0] =	vst.idx.msk $0xffff, v2  }
0x3c3: {  	v2 =	vld.idx.msk [tilespmem:v3+s20+$0x0], $0xffff  }
0x3c4: {  	v4 =	vld.idx.msk [tilespmem:v3+s21+$0x0], $0xffff  }
0x3c5: {  	s2 =	simm.s32 $0xA  }
0x3c6: {  	v6 =	vmov s2;
	v5 =	vld.idx.msk [tilespmem:v3+s31+$0x0], $0xffff  }
0x3c7: {  	v6 =	vshll.u32 v6, $0x3  }
0x3c8: {  	v6 =	vor.u32 v0, v6  }
0x3c9: {  	v2 =	vadd.f32 v4, v2;
	v4 =	vor.u32 v1, v6;
	_ =	sdelay $0x1  }
0x3ca: {  	v2 =	vadd.f32 v5, v2;
	_ =	sdelay $0x1  }
0x3cb: {  	[tilespmem:v3+s26+$0x0] =	vst.idx.msk $0xffff, v2  }
0x3cc: {  	v2 =	vld.idx.msk [tilespmem:v4+s20+$0x0], $0xffff  }
0x3cd: {  	v3 =	vld.idx.msk [tilespmem:v4+s21+$0x0], $0xffff  }
0x3ce: {  	s15 =	simm.s32 $0xC  }
0x3cf: {  	v6 =	vmov s15;
	v5 =	vld.idx.msk [tilespmem:v4+s31+$0x0], $0xffff  }
0x3d0: {  	v6 =	vshll.u32 v6, $0x3  }
0x3d1: {  	v6 =	vor.u32 v0, v6  }
0x3d2: {  	v2 =	vadd.f32 v3, v2;
	v3 =	vor.u32 v1, v6;
	_ =	sdelay $0x1  }
0x3d3: {  	v2 =	vadd.f32 v5, v2;
	_ =	sdelay $0x1  }
0x3d4: {  	[tilespmem:v4+s26+$0x0] =	vst.idx.msk $0xffff, v2  }
0x3d5: {  	v2 =	vld.idx.msk [tilespmem:v3+s20+$0x0], $0xffff  }
0x3d6: {  	v4 =	vld.idx.msk [tilespmem:v3+s21+$0x0], $0xffff  }
0x3d7: {  	s30 =	simm.s32 $0xE  }
0x3d8: {  	v6 =	vmov s30;
	v5 =	vld.idx.msk [tilespmem:v3+s31+$0x0], $0xffff  }
0x3d9: {  	v6 =	vshll.u32 v6, $0x3  }
0x3da: {  	v6 =	vor.u32 v0, v6  }
0x3db: {  	v4 =	vadd.f32 v4, v2;
	v2 =	vor.u32 v1, v6;
	_ =	sdelay $0x1  }
0x3dc: {  	v4 =	vadd.f32 v5, v4;
	_ =	sdelay $0x1  }
0x3dd: {  	[tilespmem:v3+s26+$0x0] =	vst.idx.msk $0xffff, v4  }
0x3de: {  	v3 =	vld.idx.msk [tilespmem:v2+s20+$0x0], $0xffff  }
0x3df: {  	s1 =	simm.s32 $0x1E;
	s2 =	simm.s32 $0x8;
	v4 =	vld.idx.msk [tilespmem:v2+s21+$0x0], $0xffff  }
.LBB2_11:
0x3e0: {  	s2 =	sadd.s32 $0x8, s2;
	s15 =	sadd.s32 $0xFFFFFFF2, s1;
	v5 =	vld.idx.msk [tilespmem:v2+s31+$0x0], $0xffff  }
0x3e1: {  	p0 =	slt.u32 s2, $0x38;
	v6 =	vmov s15  }
0x3e2: {  	v6 =	vshll.u32 v6, $0x3  }
0x3e3: {  	v6 =	vor.u32 v0, v6  }
0x3e4: {  	v6 =	vor.u32 v1, v6  }
0x3e5: {  	v3 =	vadd.f32 v4, v3;
	_ =	sdelay $0x1  }
0x3e6: {  	v3 =	vadd.f32 v5, v3;
	_ =	sdelay $0x1  }
0x3e7: {  	[tilespmem:v2+s26+$0x0] =	vst.idx.msk $0xffff, v3  }
0x3e8: {  	v2 =	vld.idx.msk [tilespmem:v6+s20+$0x0], $0xffff  }
0x3e9: {  	v3 =	vld.idx.msk [tilespmem:v6+s21+$0x0], $0xffff  }
0x3ea: {  	v4 =	vld.idx.msk [tilespmem:v6+s31+$0x0], $0xffff  }
0x3eb: {  	s15 =	sadd.s32 $0xFFFFFFF4, s1  }
0x3ec: {  	v5 =	vmov s15  }
0x3ed: {  	v5 =	vshll.u32 v5, $0x3  }
0x3ee: {  	v5 =	vor.u32 v0, v5  }
0x3ef: {  	v2 =	vadd.f32 v3, v2;
	v3 =	vor.u32 v1, v5;
	_ =	sdelay $0x1  }
0x3f0: {  	v2 =	vadd.f32 v4, v2;
	_ =	sdelay $0x1  }
0x3f1: {  	[tilespmem:v6+s26+$0x0] =	vst.idx.msk $0xffff, v2  }
0x3f2: {  	v2 =	vld.idx.msk [tilespmem:v3+s20+$0x0], $0xffff  }
0x3f3: {  	v4 =	vld.idx.msk [tilespmem:v3+s21+$0x0], $0xffff;
	_ =	sdelay $0x1  }
0x3f4: {  	s15 =	sadd.s32 $0xFFFFFFF6, s1;
	v5 =	vld.idx.msk [tilespmem:v3+s31+$0x0], $0xffff  }
0x3f5: {  	v6 =	vmov s15  }
0x3f6: {  	v6 =	vshll.u32 v6, $0x3  }
0x3f7: {  	v6 =	vor.u32 v0, v6  }
0x3f8: {  	v2 =	vadd.f32 v4, v2;
	v4 =	vor.u32 v1, v6;
	_ =	sdelay $0x1  }
0x3f9: {  	v2 =	vadd.f32 v5, v2;
	_ =	sdelay $0x1  }
0x3fa: {  	[tilespmem:v3+s26+$0x0] =	vst.idx.msk $0xffff, v2  }
0x3fb: {  	v2 =	vld.idx.msk [tilespmem:v4+s20+$0x0], $0xffff  }
0x3fc: {  	v3 =	vld.idx.msk [tilespmem:v4+s21+$0x0], $0xffff;
	_ =	sdelay $0x1  }
0x3fd: {  	s15 =	sadd.s32 $0xFFFFFFF8, s1;
	v5 =	vld.idx.msk [tilespmem:v4+s31+$0x0], $0xffff  }
0x3fe: {  	v6 =	vmov s15  }
0x3ff: {  	v6 =	vshll.u32 v6, $0x3  }
0x400: {  	v6 =	vor.u32 v0, v6  }
0x401: {  	v2 =	vadd.f32 v3, v2;
	v3 =	vor.u32 v1, v6;
	_ =	sdelay $0x1  }
0x402: {  	v2 =	vadd.f32 v5, v2;
	_ =	sdelay $0x1  }
0x403: {  	[tilespmem:v4+s26+$0x0] =	vst.idx.msk $0xffff, v2  }
0x404: {  	v2 =	vld.idx.msk [tilespmem:v3+s20+$0x0], $0xffff  }
0x405: {  	v4 =	vld.idx.msk [tilespmem:v3+s21+$0x0], $0xffff;
	_ =	sdelay $0x1  }
0x406: {  	s15 =	sadd.s32 $0xFFFFFFFA, s1;
	v5 =	vld.idx.msk [tilespmem:v3+s31+$0x0], $0xffff  }
0x407: {  	v6 =	vmov s15  }
0x408: {  	v6 =	vshll.u32 v6, $0x3  }
0x409: {  	v6 =	vor.u32 v0, v6  }
0x40a: {  	v2 =	vadd.f32 v4, v2;
	v4 =	vor.u32 v1, v6;
	_ =	sdelay $0x1  }
0x40b: {  	v2 =	vadd.f32 v5, v2;
	_ =	sdelay $0x1  }
0x40c: {  	[tilespmem:v3+s26+$0x0] =	vst.idx.msk $0xffff, v2  }
0x40d: {  	v2 =	vld.idx.msk [tilespmem:v4+s20+$0x0], $0xffff  }
0x40e: {  	v3 =	vld.idx.msk [tilespmem:v4+s21+$0x0], $0xffff  }
0x40f: {  	v5 =	vld.idx.msk [tilespmem:v4+s31+$0x0], $0xffff  }
0x410: {  	s15 =	sadd.s32 $0xFFFFFFFC, s1  }
0x411: {  	v6 =	vmov s15  }
0x412: {  	v6 =	vshll.u32 v6, $0x3  }
0x413: {  	v6 =	vor.u32 v0, v6  }
0x414: {  	v2 =	vadd.f32 v3, v2;
	v3 =	vor.u32 v1, v6;
	_ =	sdelay $0x1  }
0x415: {  	v2 =	vadd.f32 v5, v2;
	_ =	sdelay $0x1  }
0x416: {  	[tilespmem:v4+s26+$0x0] =	vst.idx.msk $0xffff, v2  }
0x417: {  	v2 =	vld.idx.msk [tilespmem:v3+s20+$0x0], $0xffff  }
0x418: {  	v4 =	vld.idx.msk [tilespmem:v3+s21+$0x0], $0xffff  }
0x419: {  	v5 =	vld.idx.msk [tilespmem:v3+s31+$0x0], $0xffff  }
0x41a: {  	s15 =	sadd.s32 $0xFFFFFFFE, s1  }
0x41b: {  	v6 =	vmov s15  }
0x41c: {  	v6 =	vshll.u32 v6, $0x3  }
0x41d: {  	v6 =	vor.u32 v0, v6  }
0x41e: {  	v2 =	vadd.f32 v4, v2;
	v4 =	vor.u32 v1, v6;
	_ =	sdelay $0x1  }
0x41f: {  	v2 =	vadd.f32 v5, v2;
	_ =	sdelay $0x1  }
0x420: {  	[tilespmem:v3+s26+$0x0] =	vst.idx.msk $0xffff, v2  }
0x421: {  	v2 =	vld.idx.msk [tilespmem:v4+s20+$0x0], $0xffff  }
0x422: {  	v3 =	vld.idx.msk [tilespmem:v4+s21+$0x0], $0xffff  }
0x423: {  	v5 =	vld.idx.msk [tilespmem:v4+s31+$0x0], $0xffff;
	_ =	sdelay $0x1  }
0x424: {  	v6 =	vmov s1  }
0x425: {  	v6 =	vshll.u32 v6, $0x3  }
0x426: {  	v6 =	vor.u32 v0, v6  }
0x427: {  	v3 =	vadd.f32 v3, v2;
	v2 =	vor.u32 v1, v6;
	_ =	sdelay $0x1  }
.Ltmp4:
0x428: {  	v3 =	vadd.f32 v5, v3;
	(pc) =	sbr.rel @p0 .LBB2_11-.Ltmp4, $4  }
0x429: {  	_ = 	snop  }
0x42a: {  	[tilespmem:v4+s26+$0x0] =	vst.idx.msk $0xffff, v3  }
0x42b: {  	v3 =	vld.idx.msk [tilespmem:v2+s20+$0x0], $0xffff  }
0x42c: {  	s1 =	sadd.s32 $0x10, s1;
	v4 =	vld.idx.msk [tilespmem:v2+s21+$0x0], $0xffff  }
0x42d: {  	_ =	sdelay $0x2  }
0x42e: {  	s2 =	sadd.s32 $0xFFFFFFF2, s1  }
0x42f: {  	v5 =	vld.idx.msk [tilespmem:v2+s31+$0x0], $0xffff;
	v6 =	vmov s2  }
0x430: {  	v6 =	vshll.u32 v6, $0x3  }
0x431: {  	v6 =	vor.u32 v0, v6  }
0x432: {  	v6 =	vor.u32 v1, v6;
	v3 =	vadd.f32 v4, v3;
	_ =	sdelay $0x1  }
0x433: {  	v3 =	vadd.f32 v5, v3;
	_ =	sdelay $0x1  }
0x434: {  	[tilespmem:v2+s26+$0x0] =	vst.idx.msk $0xffff, v3  }
0x435: {  	v2 =	vld.idx.msk [tilespmem:v6+s20+$0x0], $0xffff  }
0x436: {  	v3 =	vld.idx.msk [tilespmem:v6+s21+$0x0], $0xffff  }
0x437: {  	s15 =	sadd.s32 $0xFFFFFFF4, s1  }
0x438: {  	v47 =	vmov s15;
	v46 =	vld.idx.msk [tilespmem:v6+s31+$0x0], $0xffff  }
0x439: {  	v5 =	vshll.u32 v47, $0x3  }
0x43a: {  	v5 =	vor.u32 v0, v5  }
0x43b: {  	v2 =	vadd.f32 v3, v2;
	v3 =	vor.u32 v1, v5;
	_ =	sdelay $0x1  }
0x43c: {  	v2 =	vadd.f32 v46, v2;
	_ =	sdelay $0x1  }
0x43d: {  	[tilespmem:v6+s26+$0x0] =	vst.idx.msk $0xffff, v2  }
0x43e: {  	v2 =	vld.idx.msk [tilespmem:v3+s20+$0x0], $0xffff  }
0x43f: {  	v48 =	vld.idx.msk [tilespmem:v3+s21+$0x0], $0xffff  }
0x440: {  	s30 =	sadd.s32 $0xFFFFFFF6, s1  }
0x441: {  	v49 =	vmov s30;
	v5 =	vld.idx.msk [tilespmem:v3+s31+$0x0], $0xffff  }
0x442: {  	v6 =	vshll.u32 v49, $0x3  }
0x443: {  	v6 =	vor.u32 v0, v6  }
0x444: {  	v50 =	vor.u32 v1, v6;
	v2 =	vadd.f32 v48, v2;
	_ =	sdelay $0x1  }
0x445: {  	v2 =	vadd.f32 v5, v2;
	_ =	sdelay $0x1  }
0x446: {  	[tilespmem:v3+s26+$0x0] =	vst.idx.msk $0xffff, v2  }
0x447: {  	v2 =	vld.idx.msk [tilespmem:v50+s20+$0x0], $0xffff  }
0x448: {  	v3 =	vld.idx.msk [tilespmem:v50+s21+$0x0], $0xffff  }
0x449: {  	s15 =	sadd.s32 $0xFFFFFFF8, s1  }
0x44a: {  	v52 =	vmov s15;
	v51 =	vld.idx.msk [tilespmem:v50+s31+$0x0], $0xffff  }
0x44b: {  	v6 =	vshll.u32 v52, $0x3  }
0x44c: {  	v6 =	vor.u32 v0, v6  }
0x44d: {  	v2 =	vadd.f32 v3, v2;
	v3 =	vor.u32 v1, v6;
	_ =	sdelay $0x1  }
0x44e: {  	v2 =	vadd.f32 v51, v2;
	_ =	sdelay $0x1  }
0x44f: {  	[tilespmem:v50+s26+$0x0] =	vst.idx.msk $0xffff, v2  }
0x450: {  	v2 =	vld.idx.msk [tilespmem:v3+s20+$0x0], $0xffff  }
0x451: {  	v4 =	vld.idx.msk [tilespmem:v3+s21+$0x0], $0xffff  }
0x452: {  	s30 =	sadd.s32 $0xFFFFFFFA, s1  }
0x453: {  	v54 =	vmov s30;
	v53 =	vld.idx.msk [tilespmem:v3+s31+$0x0], $0xffff  }
0x454: {  	v6 =	vshll.u32 v54, $0x3  }
0x455: {  	v6 =	vor.u32 v0, v6  }
0x456: {  	v55 =	vor.u32 v1, v6;
	v2 =	vadd.f32 v4, v2;
	_ =	sdelay $0x1  }
0x457: {  	v2 =	vadd.f32 v53, v2;
	_ =	sdelay $0x1  }
0x458: {  	[tilespmem:v3+s26+$0x0] =	vst.idx.msk $0xffff, v2  }
0x459: {  	v2 =	vld.idx.msk [tilespmem:v55+s20+$0x0], $0xffff  }
0x45a: {  	v3 =	vld.idx.msk [tilespmem:v55+s21+$0x0], $0xffff  }
0x45b: {  	s15 =	sadd.s32 $0xFFFFFFFC, s1  }
0x45c: {  	v57 =	vmov s15;
	v56 =	vld.idx.msk [tilespmem:v55+s31+$0x0], $0xffff  }
0x45d: {  	v6 =	vshll.u32 v57, $0x3  }
0x45e: {  	v6 =	vor.u32 v0, v6  }
0x45f: {  	v2 =	vadd.f32 v3, v2;
	v3 =	vor.u32 v1, v6;
	_ =	sdelay $0x1  }
0x460: {  	v2 =	vadd.f32 v56, v2;
	_ =	sdelay $0x1  }
0x461: {  	[tilespmem:v55+s26+$0x0] =	vst.idx.msk $0xffff, v2  }
0x462: {  	v2 =	vld.idx.msk [tilespmem:v3+s20+$0x0], $0xffff  }
0x463: {  	v4 =	vld.idx.msk [tilespmem:v3+s21+$0x0], $0xffff  }
0x464: {  	s30 =	sadd.s32 $0xFFFFFFFE, s1  }
0x465: {  	v59 =	vmov s30;
	v58 =	vld.idx.msk [tilespmem:v3+s31+$0x0], $0xffff  }
0x466: {  	v6 =	vshll.u32 v59, $0x3  }
0x467: {  	v6 =	vor.u32 v0, v6  }
0x468: {  	v60 =	vor.u32 v1, v6;
	v2 =	vadd.f32 v4, v2;
	_ =	sdelay $0x1  }
0x469: {  	v2 =	vadd.f32 v58, v2;
	_ =	sdelay $0x1  }
0x46a: {  	[tilespmem:v3+s26+$0x0] =	vst.idx.msk $0xffff, v2  }
0x46b: {  	v2 =	vld.idx.msk [tilespmem:v60+s20+$0x0], $0xffff  }
0x46c: {  	v3 =	vld.idx.msk [tilespmem:v60+s21+$0x0], $0xffff;
	_ =	sdelay $0x1  }
0x46d: {  	v62 =	vmov s1;
	v61 =	vld.idx.msk [tilespmem:v60+s31+$0x0], $0xffff  }
0x46e: {  	v6 =	vshll.u32 v62, $0x3  }
0x46f: {  	v6 =	vor.u32 v0, v6  }
0x470: {  	v2 =	vadd.f32 v3, v2;
	v3 =	vor.u32 v1, v6;
	_ =	sdelay $0x1  }
0x471: {  	v2 =	vadd.f32 v61, v2;
	_ =	sdelay $0x1  }
0x472: {  	[tilespmem:v60+s26+$0x0] =	vst.idx.msk $0xffff, v2  }
0x473: {  	v2 =	vld.idx.msk [tilespmem:v3+s20+$0x0], $0xffff  }
0x474: {  	v4 =	vld.idx.msk [tilespmem:v3+s21+$0x0], $0xffff;
	_ =	sdelay $0x1  }
0x475: {  	v63 =	vld.idx.msk [tilespmem:v3+s31+$0x0], $0xffff;
	_ =	sdelay $0x2  }
0x476: {  	v2 =	vadd.f32 v4, v2;
	_ =	sdelay $0x1  }
0x477: {  	v2 =	vadd.f32 v63, v2;
	_ =	sdelay $0x1  }
0x478: {  	[tilespmem:v3+s26+$0x0] =	vst.idx.msk $0xffff, v2  }
0x479: {  	[spmem:s3] =	stream.indirect.scatter.add.f32 [tilespmem:s26], [sflag:$0x1], $0x8, s25, s19, $0xb8;
	[tilespmem:$0x1E480] =	vst v63  }
0x47a: {  	_ =	swait.ge [sflag:s22], $0x400  }
0x47b: {  	[sflag:s22] =	ssyncset.done $0x0  }
0x47c: {  	[sflag:s22] =	ssyncadd.s32 $0xFFFFFC00  }
0x47d: {  	[spmem:s3] =	stream.indirect.scatter.add.f32 [tilespmem:s26], [sflag:$0x1], $0x8, s16, s19, $0xb8;
	[tilespmem:$0x1E480] =	vst v63  }
0x47e: {  	s0 =	sadd.s32 $0x1, s0;
	_ =	swait.ge [sflag:s22], $0x400  }
0x47f: {  	p0 =	sne.s32 s0, $0x62;
	[sflag:s22] =	ssyncset.done $0x0  }
.Ltmp5:
0x480: {  	[sflag:s22] =	ssyncadd.s32 $0xFFFFFC00;
	(pc) =	sbr.rel @p0 .LBB2_10-.Ltmp5, $4  }
0x481: {  	[spmem:s3] =	stream.indirect.scatter.add.f32 [tilespmem:s26], [sflag:$0x1], $0x8, s18, s19, $0xb8;
	[tilespmem:$0x1E480] =	vst v63  }
0x482: {  	_ =	swait.ge [sflag:s22], $0x400  }
0x483: {  	[sflag:s22] =	ssyncset.done $0x0  }
0x484: {  	[sflag:s22] =	ssyncadd.s32 $0xFFFFFC00  }
0x485: {  	[bflag:$0x0] =	sbarrier.arrive $0xFFFF;
	s30 =	simm.s32 $0x0  }
.LBB2_14:
0x486: {  	s0 =	smul.u32 $0x310, s30;
	_ =	sdelay $0x1  }
0x487: {  	s1 =	sadd.s32 s8, s0  }
0x488: {  	s1 =	sshll.u32 s1, $0x3  }
0x489: {  	s1 =	sand.u32 $0x3FFFFFF8, s1  }
0x48a: {  	s2 =	simm.s32 $0x0;
	s0 =	sadd.s32 s5, s0;
	s1 =	sadd.s32 s1, s3  }
0x48b: {  	v2 =	vmov s2;
	[tilespmem:s28], [sflag:$0x1] =	stream.linear.gather [spmem:s1], $0x1880, $0x38;
	[tilespmem:$0x1E480] =	vst v63  }
0x48c: {  	v2 =	vshll.u32 v2, $0x3;
	s15 =	sshll.u32 s0, $0x3;
	_ =	swait.ge [sflag:s22], $0x1880  }
0x48d: {  	v2 =	vor.u32 v0, v2;
	s1 =	sand.u32 $0x3FFFFFF8, s15;
	[sflag:s22] =	ssyncset.done $0x0  }
0x48e: {  	v3 =	vor.u32 $0x3, v2;
	s1 =	sadd.s32 s1, s3;
	[sflag:s22] =	ssyncadd.s32 $0xFFFFE780  }
0x48f: {  	[tilespmem:s23], [sflag:$0x1] =	stream.linear.gather [spmem:s1], $0x1880, $0x38;
	[tilespmem:$0x1E480] =	vst v63  }
0x490: {  	_ =	swait.ge [sflag:s22], $0x1880  }
0x491: {  	[sflag:s22] =	ssyncset.done $0x0  }
0x492: {  	[sflag:s22] =	ssyncadd.s32 $0xFFFFE780  }
0x493: {  	v3 =	vld.idx.msk [tilespmem:v3+s28+$0x0], $0xffff;
	_ =	sdelay $0x4  }
0x494: {  	v2 =	vor.u32 v1, v2;
	v4 =	vmul.f32 $6.666666860e-01, v3;
	_ =	sdelay $0x1  }
0x495: {  	v4 =	vadd.f32 $9.999999960e-13, v4;
	_ =	sdelay $0x1  }
0x496: {  	(erf) = vrcp.f32 v4  }
0x497: {  	v4 =	vld.idx.msk [tilespmem:v2+s23+$0x0], $0xffff;
	_ =	sdelay $0x1  }
0x498: {  	v5 =	vld.idx.msk [tilespmem:v2+s28+$0x0], $0xffff  }
0x499: {  	s2 =	simm.s32 $0x2  }
0x49a: {  	v6 =	vmov s2  }
0x49b: {  	v3 =	vmul.f32 v4, v3;
	v4 =	vshll.u32 v6, $0x3  }
0x49c: {  	v4 =	vor.u32 v0, v4  }
0x49d: {  	v3 =	vsub.f32 v3, v5;
	v5 =	vor.u32 $0x3, v4  }
0x49e: {  	v6 =	vpop (erf)  }
0x49f: {  	v3 =	vmul.f32 v6, v3;
	_ =	sdelay $0x1  }
0x4a0: {  	[tilespmem:v2+s13+$0x0] =	vst.idx.msk $0xffff, v3  }
0x4a1: {  	v2 =	vld.idx.msk [tilespmem:v5+s28+$0x0], $0xffff;
	_ =	sdelay $0x4  }
0x4a2: {  	v3 =	vor.u32 v1, v4;
	v4 =	vmul.f32 $6.666666860e-01, v2;
	_ =	sdelay $0x1  }
0x4a3: {  	v4 =	vadd.f32 $9.999999960e-13, v4;
	_ =	sdelay $0x1  }
0x4a4: {  	(erf) = vrcp.f32 v4  }
0x4a5: {  	v4 =	vld.idx.msk [tilespmem:v3+s23+$0x0], $0xffff;
	_ =	sdelay $0x1  }
0x4a6: {  	v5 =	vld.idx.msk [tilespmem:v3+s28+$0x0], $0xffff  }
0x4a7: {  	s15 =	simm.s32 $0x4  }
0x4a8: {  	v6 =	vmov s15  }
0x4a9: {  	v2 =	vmul.f32 v4, v2;
	v4 =	vshll.u32 v6, $0x3  }
0x4aa: {  	v4 =	vor.u32 v0, v4  }
0x4ab: {  	v2 =	vsub.f32 v2, v5;
	v5 =	vor.u32 $0x3, v4  }
0x4ac: {  	v6 =	vpop (erf)  }
0x4ad: {  	v2 =	vmul.f32 v6, v2;
	_ =	sdelay $0x1  }
0x4ae: {  	[tilespmem:v3+s13+$0x0] =	vst.idx.msk $0xffff, v2  }
0x4af: {  	v2 =	vld.idx.msk [tilespmem:v5+s28+$0x0], $0xffff;
	_ =	sdelay $0x4  }
0x4b0: {  	v3 =	vor.u32 v1, v4;
	v4 =	vmul.f32 $6.666666860e-01, v2;
	_ =	sdelay $0x1  }
0x4b1: {  	v4 =	vadd.f32 $9.999999960e-13, v4;
	_ =	sdelay $0x1  }
0x4b2: {  	(erf) = vrcp.f32 v4  }
0x4b3: {  	v4 =	vld.idx.msk [tilespmem:v3+s23+$0x0], $0xffff;
	_ =	sdelay $0x1  }
0x4b4: {  	v5 =	vld.idx.msk [tilespmem:v3+s28+$0x0], $0xffff  }
0x4b5: {  	s2 =	simm.s32 $0x6  }
0x4b6: {  	v6 =	vmov s2  }
0x4b7: {  	v2 =	vmul.f32 v4, v2;
	v4 =	vshll.u32 v6, $0x3  }
0x4b8: {  	v4 =	vor.u32 v0, v4  }
0x4b9: {  	v2 =	vsub.f32 v2, v5;
	v5 =	vor.u32 $0x3, v4  }
0x4ba: {  	v6 =	vpop (erf)  }
0x4bb: {  	v2 =	vmul.f32 v6, v2;
	_ =	sdelay $0x1  }
0x4bc: {  	[tilespmem:v3+s13+$0x0] =	vst.idx.msk $0xffff, v2  }
0x4bd: {  	v2 =	vld.idx.msk [tilespmem:v5+s28+$0x0], $0xffff;
	_ =	sdelay $0x4  }
0x4be: {  	v3 =	vor.u32 v1, v4;
	v4 =	vmul.f32 $6.666666860e-01, v2;
	_ =	sdelay $0x1  }
0x4bf: {  	v4 =	vadd.f32 $9.999999960e-13, v4;
	_ =	sdelay $0x1  }
0x4c0: {  	(erf) = vrcp.f32 v4  }
0x4c1: {  	v4 =	vld.idx.msk [tilespmem:v3+s23+$0x0], $0xffff;
	_ =	sdelay $0x1  }
0x4c2: {  	v5 =	vld.idx.msk [tilespmem:v3+s28+$0x0], $0xffff  }
0x4c3: {  	s15 =	simm.s32 $0x8  }
0x4c4: {  	v6 =	vmov s15  }
0x4c5: {  	v2 =	vmul.f32 v4, v2;
	v4 =	vshll.u32 v6, $0x3  }
0x4c6: {  	v4 =	vor.u32 v0, v4  }
0x4c7: {  	v2 =	vsub.f32 v2, v5;
	v5 =	vor.u32 $0x3, v4  }
0x4c8: {  	v6 =	vpop (erf)  }
0x4c9: {  	v2 =	vmul.f32 v6, v2;
	_ =	sdelay $0x1  }
0x4ca: {  	[tilespmem:v3+s13+$0x0] =	vst.idx.msk $0xffff, v2  }
0x4cb: {  	v2 =	vld.idx.msk [tilespmem:v5+s28+$0x0], $0xffff;
	_ =	sdelay $0x4  }
0x4cc: {  	v3 =	vor.u32 v1, v4;
	v4 =	vmul.f32 $6.666666860e-01, v2;
	_ =	sdelay $0x1  }
0x4cd: {  	v4 =	vadd.f32 $9.999999960e-13, v4;
	_ =	sdelay $0x1  }
0x4ce: {  	(erf) = vrcp.f32 v4  }
0x4cf: {  	v4 =	vld.idx.msk [tilespmem:v3+s23+$0x0], $0xffff;
	_ =	sdelay $0x1  }
0x4d0: {  	v5 =	vld.idx.msk [tilespmem:v3+s28+$0x0], $0xffff  }
0x4d1: {  	s2 =	simm.s32 $0xA  }
0x4d2: {  	v6 =	vmov s2  }
0x4d3: {  	v2 =	vmul.f32 v4, v2;
	v4 =	vshll.u32 v6, $0x3  }
0x4d4: {  	v4 =	vor.u32 v0, v4  }
0x4d5: {  	v2 =	vsub.f32 v2, v5;
	v5 =	vor.u32 $0x3, v4  }
0x4d6: {  	v6 =	vpop (erf)  }
0x4d7: {  	v2 =	vmul.f32 v6, v2;
	_ =	sdelay $0x1  }
0x4d8: {  	[tilespmem:v3+s13+$0x0] =	vst.idx.msk $0xffff, v2  }
0x4d9: {  	v2 =	vld.idx.msk [tilespmem:v5+s28+$0x0], $0xffff;
	_ =	sdelay $0x4  }
0x4da: {  	v3 =	vor.u32 v1, v4;
	v4 =	vmul.f32 $6.666666860e-01, v2;
	_ =	sdelay $0x1  }
0x4db: {  	v4 =	vadd.f32 $9.999999960e-13, v4;
	_ =	sdelay $0x1  }
0x4dc: {  	(erf) = vrcp.f32 v4  }
0x4dd: {  	v4 =	vld.idx.msk [tilespmem:v3+s23+$0x0], $0xffff;
	_ =	sdelay $0x1  }
0x4de: {  	v5 =	vld.idx.msk [tilespmem:v3+s28+$0x0], $0xffff  }
0x4df: {  	s15 =	simm.s32 $0xC  }
0x4e0: {  	v6 =	vmov s15  }
0x4e1: {  	v2 =	vmul.f32 v4, v2;
	v4 =	vshll.u32 v6, $0x3  }
0x4e2: {  	v4 =	vor.u32 v0, v4  }
0x4e3: {  	v2 =	vsub.f32 v2, v5;
	v5 =	vor.u32 $0x3, v4  }
0x4e4: {  	v6 =	vpop (erf)  }
0x4e5: {  	v2 =	vmul.f32 v6, v2;
	_ =	sdelay $0x1  }
0x4e6: {  	[tilespmem:v3+s13+$0x0] =	vst.idx.msk $0xffff, v2  }
0x4e7: {  	v2 =	vld.idx.msk [tilespmem:v5+s28+$0x0], $0xffff;
	_ =	sdelay $0x4  }
0x4e8: {  	v3 =	vor.u32 v1, v4;
	v4 =	vmul.f32 $6.666666860e-01, v2;
	_ =	sdelay $0x1  }
0x4e9: {  	v4 =	vadd.f32 $9.999999960e-13, v4;
	_ =	sdelay $0x1  }
0x4ea: {  	(erf) = vrcp.f32 v4  }
0x4eb: {  	v4 =	vld.idx.msk [tilespmem:v3+s23+$0x0], $0xffff;
	_ =	sdelay $0x1  }
0x4ec: {  	v5 =	vld.idx.msk [tilespmem:v3+s28+$0x0], $0xffff  }
0x4ed: {  	s2 =	simm.s32 $0xE  }
0x4ee: {  	v6 =	vmov s2  }
0x4ef: {  	v2 =	vmul.f32 v4, v2;
	v4 =	vshll.u32 v6, $0x3  }
0x4f0: {  	v4 =	vor.u32 v0, v4  }
0x4f1: {  	v2 =	vsub.f32 v2, v5;
	v5 =	vor.u32 $0x3, v4  }
0x4f2: {  	v6 =	vpop (erf)  }
0x4f3: {  	v2 =	vmul.f32 v6, v2;
	_ =	sdelay $0x1  }
0x4f4: {  	[tilespmem:v3+s13+$0x0] =	vst.idx.msk $0xffff, v2  }
0x4f5: {  	v3 =	vld.idx.msk [tilespmem:v5+s28+$0x0], $0xffff;
	_ =	sdelay $0x3  }
0x4f6: {  	v2 =	vor.u32 v1, v4  }
0x4f7: {  	v4 =	vmul.f32 $6.666666860e-01, v3;
	_ =	sdelay $0x1  }
0x4f8: {  	v4 =	vadd.f32 $9.999999960e-13, v4;
	_ =	sdelay $0x1  }
0x4f9: {  	(erf) = vrcp.f32 v4;
	v4 =	vld.idx.msk [tilespmem:v2+s23+$0x0], $0xffff;
	_ =	sdelay $0x1  }
0x4fa: {  	v5 =	vld.idx.msk [tilespmem:v2+s28+$0x0], $0xffff;
	_ =	sdelay $0x1  }
0x4fb: {  	s15 =	simm.s32 $0x10  }
0x4fc: {  	v3 =	vmul.f32 v4, v3;
	v4 =	vmov s15  }
0x4fd: {  	v4 =	vshll.u32 v4, $0x3  }
0x4fe: {  	v5 =	vsub.f32 v3, v5;
	v3 =	vor.u32 v0, v4  }
0x4ff: {  	v4 =	vor.u32 $0x3, v3  }
0x500: {  	v6 =	vpop (erf)  }
0x501: {  	s1 =	simm.s32 $0x8;
	s2 =	simm.s32 $0x1E;
	v5 =	vmul.f32 v6, v5  }
.LBB2_15:
0x502: {  	_ = 	snop  }
0x503: {  	s1 =	sadd.s32 $0x8, s1;
	[tilespmem:v2+s13+$0x0] =	vst.idx.msk $0xffff, v5  }
0x504: {  	p0 =	slt.u32 s1, $0x180;
	v2 =	vld.idx.msk [tilespmem:v4+s28+$0x0], $0xffff;
	_ =	sdelay $0x4  }
0x505: {  	v3 =	vor.u32 v1, v3  }
0x506: {  	v4 =	vmul.f32 $6.666666860e-01, v2;
	_ =	sdelay $0x1  }
0x507: {  	v4 =	vadd.f32 $9.999999960e-13, v4;
	_ =	sdelay $0x1  }
0x508: {  	v5 =	vld.idx.msk [tilespmem:v3+s23+$0x0], $0xffff;
	(erf) = vrcp.f32 v4;
	_ =	sdelay $0x1  }
0x509: {  	v4 =	vld.idx.msk [tilespmem:v3+s28+$0x0], $0xffff;
	_ =	sdelay $0x1  }
0x50a: {  	s15 =	sadd.s32 $0xFFFFFFF4, s2  }
0x50b: {  	v6 =	vmov s15  }
0x50c: {  	v2 =	vmul.f32 v5, v2;
	v5 =	vshll.u32 v6, $0x3  }
0x50d: {  	v5 =	vor.u32 v0, v5  }
0x50e: {  	v2 =	vsub.f32 v2, v4;
	v4 =	vor.u32 $0x3, v5  }
0x50f: {  	v6 =	vpop (erf)  }
0x510: {  	v2 =	vmul.f32 v6, v2;
	_ =	sdelay $0x1  }
0x511: {  	[tilespmem:v3+s13+$0x0] =	vst.idx.msk $0xffff, v2  }
0x512: {  	v2 =	vld.idx.msk [tilespmem:v4+s28+$0x0], $0xffff;
	_ =	sdelay $0x4  }
0x513: {  	v3 =	vor.u32 v1, v5  }
0x514: {  	v4 =	vmul.f32 $6.666666860e-01, v2;
	_ =	sdelay $0x1  }
0x515: {  	v4 =	vadd.f32 $9.999999960e-13, v4;
	_ =	sdelay $0x1  }
0x516: {  	v5 =	vld.idx.msk [tilespmem:v3+s23+$0x0], $0xffff;
	(erf) = vrcp.f32 v4;
	_ =	sdelay $0x1  }
0x517: {  	v4 =	vld.idx.msk [tilespmem:v3+s28+$0x0], $0xffff;
	_ =	sdelay $0x1  }
0x518: {  	s15 =	sadd.s32 $0xFFFFFFF6, s2  }
0x519: {  	v6 =	vmov s15  }
0x51a: {  	v2 =	vmul.f32 v5, v2;
	v5 =	vshll.u32 v6, $0x3  }
0x51b: {  	v5 =	vor.u32 v0, v5  }
0x51c: {  	v2 =	vsub.f32 v2, v4;
	v4 =	vor.u32 $0x3, v5  }
0x51d: {  	v6 =	vpop (erf)  }
0x51e: {  	v2 =	vmul.f32 v6, v2;
	_ =	sdelay $0x1  }
0x51f: {  	[tilespmem:v3+s13+$0x0] =	vst.idx.msk $0xffff, v2  }
0x520: {  	v2 =	vld.idx.msk [tilespmem:v4+s28+$0x0], $0xffff;
	_ =	sdelay $0x4  }
0x521: {  	v3 =	vor.u32 v1, v5  }
0x522: {  	v4 =	vmul.f32 $6.666666860e-01, v2;
	_ =	sdelay $0x1  }
0x523: {  	v4 =	vadd.f32 $9.999999960e-13, v4;
	_ =	sdelay $0x1  }
0x524: {  	v5 =	vld.idx.msk [tilespmem:v3+s23+$0x0], $0xffff;
	(erf) = vrcp.f32 v4;
	_ =	sdelay $0x1  }
0x525: {  	v4 =	vld.idx.msk [tilespmem:v3+s28+$0x0], $0xffff;
	_ =	sdelay $0x1  }
0x526: {  	s15 =	sadd.s32 $0xFFFFFFF8, s2  }
0x527: {  	v6 =	vmov s15  }
0x528: {  	v2 =	vmul.f32 v5, v2;
	v5 =	vshll.u32 v6, $0x3  }
0x529: {  	v5 =	vor.u32 v0, v5  }
0x52a: {  	v2 =	vsub.f32 v2, v4;
	v4 =	vor.u32 $0x3, v5  }
0x52b: {  	v6 =	vpop (erf)  }
0x52c: {  	v2 =	vmul.f32 v6, v2;
	_ =	sdelay $0x1  }
0x52d: {  	[tilespmem:v3+s13+$0x0] =	vst.idx.msk $0xffff, v2  }
0x52e: {  	v2 =	vld.idx.msk [tilespmem:v4+s28+$0x0], $0xffff;
	_ =	sdelay $0x4  }
0x52f: {  	v3 =	vor.u32 v1, v5  }
0x530: {  	v4 =	vmul.f32 $6.666666860e-01, v2;
	_ =	sdelay $0x1  }
0x531: {  	v4 =	vadd.f32 $9.999999960e-13, v4;
	_ =	sdelay $0x1  }
0x532: {  	v5 =	vld.idx.msk [tilespmem:v3+s23+$0x0], $0xffff;
	(erf) = vrcp.f32 v4;
	_ =	sdelay $0x1  }
0x533: {  	v4 =	vld.idx.msk [tilespmem:v3+s28+$0x0], $0xffff;
	_ =	sdelay $0x1  }
0x534: {  	s15 =	sadd.s32 $0xFFFFFFFA, s2  }
0x535: {  	v6 =	vmov s15  }
0x536: {  	v2 =	vmul.f32 v5, v2;
	v5 =	vshll.u32 v6, $0x3  }
0x537: {  	v5 =	vor.u32 v0, v5  }
0x538: {  	v2 =	vsub.f32 v2, v4;
	v4 =	vor.u32 $0x3, v5  }
0x539: {  	v6 =	vpop (erf)  }
0x53a: {  	v2 =	vmul.f32 v6, v2;
	_ =	sdelay $0x1  }
0x53b: {  	[tilespmem:v3+s13+$0x0] =	vst.idx.msk $0xffff, v2  }
0x53c: {  	v2 =	vld.idx.msk [tilespmem:v4+s28+$0x0], $0xffff;
	_ =	sdelay $0x4  }
0x53d: {  	v3 =	vor.u32 v1, v5  }
0x53e: {  	v4 =	vmul.f32 $6.666666860e-01, v2;
	_ =	sdelay $0x1  }
0x53f: {  	v4 =	vadd.f32 $9.999999960e-13, v4;
	_ =	sdelay $0x1  }
0x540: {  	v5 =	vld.idx.msk [tilespmem:v3+s23+$0x0], $0xffff;
	(erf) = vrcp.f32 v4;
	_ =	sdelay $0x1  }
0x541: {  	v4 =	vld.idx.msk [tilespmem:v3+s28+$0x0], $0xffff;
	_ =	sdelay $0x1  }
0x542: {  	s15 =	sadd.s32 $0xFFFFFFFC, s2  }
0x543: {  	v6 =	vmov s15  }
0x544: {  	v2 =	vmul.f32 v5, v2;
	v5 =	vshll.u32 v6, $0x3  }
0x545: {  	v5 =	vor.u32 v0, v5  }
0x546: {  	v2 =	vsub.f32 v2, v4;
	v4 =	vor.u32 $0x3, v5  }
0x547: {  	v5 =	vor.u32 v1, v5;
	v6 =	vpop (erf)  }
0x548: {  	v2 =	vmul.f32 v6, v2;
	_ =	sdelay $0x1  }
0x549: {  	[tilespmem:v3+s13+$0x0] =	vst.idx.msk $0xffff, v2  }
0x54a: {  	v2 =	vld.idx.msk [tilespmem:v4+s28+$0x0], $0xffff  }
0x54b: {  	v3 =	vld.idx.msk [tilespmem:v5+s23+$0x0], $0xffff  }
0x54c: {  	v4 =	vld.idx.msk [tilespmem:v5+s28+$0x0], $0xffff;
	_ =	sdelay $0x3  }
0x54d: {  	v6 =	vmul.f32 $6.666666860e-01, v2  }
0x54e: {  	v2 =	vmul.f32 v3, v2  }
0x54f: {  	v3 =	vadd.f32 $9.999999960e-13, v6;
	_ =	sdelay $0x1  }
0x550: {  	(erf) = vrcp.f32 v3;
	_ =	sdelay $0x3  }
0x551: {  	s15 =	sadd.s32 $0xFFFFFFFE, s2  }
0x552: {  	v3 =	vmov s15  }
0x553: {  	v3 =	vshll.u32 v3, $0x3  }
0x554: {  	v3 =	vor.u32 v0, v3  }
0x555: {  	v2 =	vsub.f32 v2, v4;
	v4 =	vor.u32 $0x3, v3  }
0x556: {  	v3 =	vor.u32 v1, v3;
	v6 =	vpop (erf)  }
0x557: {  	v2 =	vmul.f32 v6, v2;
	_ =	sdelay $0x1  }
0x558: {  	[tilespmem:v5+s13+$0x0] =	vst.idx.msk $0xffff, v2  }
0x559: {  	v2 =	vld.idx.msk [tilespmem:v4+s28+$0x0], $0xffff  }
0x55a: {  	v4 =	vld.idx.msk [tilespmem:v3+s23+$0x0], $0xffff  }
0x55b: {  	v5 =	vld.idx.msk [tilespmem:v3+s28+$0x0], $0xffff;
	_ =	sdelay $0x3  }
0x55c: {  	v6 =	vmul.f32 $6.666666860e-01, v2  }
0x55d: {  	v2 =	vmul.f32 v4, v2  }
0x55e: {  	v4 =	vadd.f32 $9.999999960e-13, v6;
	_ =	sdelay $0x1  }
0x55f: {  	(erf) = vrcp.f32 v4;
	_ =	sdelay $0x4  }
0x560: {  	v4 =	vmov s2  }
0x561: {  	v4 =	vshll.u32 v4, $0x3  }
0x562: {  	v7 =	vor.u32 v0, v4  }
0x563: {  	v5 =	vsub.f32 v2, v5;
	v6 =	vor.u32 $0x3, v7  }
0x564: {  	v2 =	vor.u32 v1, v7;
	v4 =	vpop (erf)  }
0x565: {  	v4 =	vmul.f32 v4, v5;
	_ =	sdelay $0x1  }
0x566: {  	[tilespmem:v3+s13+$0x0] =	vst.idx.msk $0xffff, v4  }
0x567: {  	v3 =	vld.idx.msk [tilespmem:v6+s28+$0x0], $0xffff  }
0x568: {  	v4 =	vld.idx.msk [tilespmem:v2+s23+$0x0], $0xffff  }
0x569: {  	v5 =	vld.idx.msk [tilespmem:v2+s28+$0x0], $0xffff;
	_ =	sdelay $0x3  }
0x56a: {  	v6 =	vmul.f32 $6.666666860e-01, v3  }
0x56b: {  	v7 =	vmul.f32 v4, v3  }
0x56c: {  	v3 =	vadd.f32 $9.999999960e-13, v6;
	_ =	sdelay $0x1  }
0x56d: {  	(erf) = vrcp.f32 v3;
	_ =	sdelay $0x2  }
0x56e: {  	s2 =	sadd.s32 $0x10, s2  }
0x56f: {  	s15 =	sadd.s32 $0xFFFFFFF2, s2  }
0x570: {  	v3 =	vmov s15  }
.Ltmp6:
0x571: {  	v3 =	vshll.u32 v3, $0x3;
	(pc) =	sbr.rel @p0 .LBB2_15-.Ltmp6, $4  }
0x572: {  	v3 =	vor.u32 v0, v3  }
0x573: {  	v5 =	vsub.f32 v7, v5;
	v4 =	vor.u32 $0x3, v3  }
0x574: {  	v6 =	vpop (erf)  }
0x575: {  	v5 =	vmul.f32 v6, v5  }
0x576: {  	_ =	sdelay $0x3  }
0x577: {  	[tilespmem:v2+s13+$0x0] =	vst.idx.msk $0xffff, v5  }
0x578: {  	v2 =	vld.idx.msk [tilespmem:v4+s28+$0x0], $0xffff;
	_ =	sdelay $0x4  }
0x579: {  	v3 =	vor.u32 v1, v3;
	v4 =	vmul.f32 $6.666666860e-01, v2;
	_ =	sdelay $0x1  }
0x57a: {  	v4 =	vadd.f32 $9.999999960e-13, v4;
	_ =	sdelay $0x1  }
0x57b: {  	(erf) = vrcp.f32 v4  }
0x57c: {  	v14 =	vld.idx.msk [tilespmem:v3+s23+$0x0], $0xffff;
	_ =	sdelay $0x1  }
0x57d: {  	v5 =	vld.idx.msk [tilespmem:v3+s28+$0x0], $0xffff  }
0x57e: {  	s1 =	sadd.s32 $0xFFFFFFF4, s2  }
0x57f: {  	v6 =	vmov s1  }
0x580: {  	v15 =	vshll.u32 v6, $0x3;
	v2 =	vmul.f32 v14, v2  }
0x581: {  	v4 =	vor.u32 v0, v15  }
0x582: {  	v2 =	vsub.f32 v2, v5;
	v16 =	vor.u32 $0x3, v4  }
0x583: {  	v17 =	vpop (erf)  }
0x584: {  	v2 =	vmul.f32 v17, v2;
	_ =	sdelay $0x1  }
0x585: {  	[tilespmem:v3+s13+$0x0] =	vst.idx.msk $0xffff, v2  }
0x586: {  	v2 =	vld.idx.msk [tilespmem:v16+s28+$0x0], $0xffff;
	_ =	sdelay $0x4  }
0x587: {  	v3 =	vor.u32 v1, v4;
	v18 =	vmul.f32 $6.666666860e-01, v2;
	_ =	sdelay $0x1  }
0x588: {  	v4 =	vadd.f32 $9.999999960e-13, v18;
	_ =	sdelay $0x1  }
0x589: {  	(erf) = vrcp.f32 v4  }
0x58a: {  	v19 =	vld.idx.msk [tilespmem:v3+s23+$0x0], $0xffff;
	_ =	sdelay $0x1  }
0x58b: {  	v20 =	vld.idx.msk [tilespmem:v3+s28+$0x0], $0xffff  }
0x58c: {  	s15 =	sadd.s32 $0xFFFFFFF6, s2  }
0x58d: {  	v21 =	vmov s15  }
0x58e: {  	v22 =	vshll.u32 v21, $0x3;
	v2 =	vmul.f32 v19, v2  }
0x58f: {  	v4 =	vor.u32 v0, v22  }
0x590: {  	v23 =	vor.u32 $0x3, v4;
	v2 =	vsub.f32 v2, v20  }
0x591: {  	v24 =	vpop (erf)  }
0x592: {  	v2 =	vmul.f32 v24, v2;
	_ =	sdelay $0x1  }
0x593: {  	[tilespmem:v3+s13+$0x0] =	vst.idx.msk $0xffff, v2  }
0x594: {  	v2 =	vld.idx.msk [tilespmem:v23+s28+$0x0], $0xffff;
	_ =	sdelay $0x4  }
0x595: {  	v3 =	vor.u32 v1, v4;
	v25 =	vmul.f32 $6.666666860e-01, v2;
	_ =	sdelay $0x1  }
0x596: {  	v4 =	vadd.f32 $9.999999960e-13, v25;
	_ =	sdelay $0x1  }
0x597: {  	(erf) = vrcp.f32 v4  }
0x598: {  	v26 =	vld.idx.msk [tilespmem:v3+s23+$0x0], $0xffff;
	_ =	sdelay $0x1  }
0x599: {  	v27 =	vld.idx.msk [tilespmem:v3+s28+$0x0], $0xffff  }
0x59a: {  	s15 =	sadd.s32 $0xFFFFFFF8, s2  }
0x59b: {  	v28 =	vmov s15  }
0x59c: {  	v29 =	vshll.u32 v28, $0x3;
	v2 =	vmul.f32 v26, v2  }
0x59d: {  	v4 =	vor.u32 v0, v29  }
0x59e: {  	v30 =	vor.u32 $0x3, v4;
	v2 =	vsub.f32 v2, v27  }
0x59f: {  	v31 =	vpop (erf)  }
0x5a0: {  	v2 =	vmul.f32 v31, v2;
	_ =	sdelay $0x1  }
0x5a1: {  	[tilespmem:v3+s13+$0x0] =	vst.idx.msk $0xffff, v2  }
0x5a2: {  	v2 =	vld.idx.msk [tilespmem:v30+s28+$0x0], $0xffff;
	_ =	sdelay $0x4  }
0x5a3: {  	v3 =	vor.u32 v1, v4;
	v32 =	vmul.f32 $6.666666860e-01, v2;
	_ =	sdelay $0x1  }
0x5a4: {  	v4 =	vadd.f32 $9.999999960e-13, v32;
	_ =	sdelay $0x1  }
0x5a5: {  	(erf) = vrcp.f32 v4  }
0x5a6: {  	v33 =	vld.idx.msk [tilespmem:v3+s23+$0x0], $0xffff;
	_ =	sdelay $0x1  }
0x5a7: {  	v34 =	vld.idx.msk [tilespmem:v3+s28+$0x0], $0xffff  }
0x5a8: {  	s15 =	sadd.s32 $0xFFFFFFFA, s2  }
0x5a9: {  	v35 =	vmov s15  }
0x5aa: {  	v36 =	vshll.u32 v35, $0x3;
	v2 =	vmul.f32 v33, v2  }
0x5ab: {  	v4 =	vor.u32 v0, v36  }
0x5ac: {  	v37 =	vor.u32 $0x3, v4;
	v2 =	vsub.f32 v2, v34  }
0x5ad: {  	v38 =	vpop (erf)  }
0x5ae: {  	v2 =	vmul.f32 v38, v2;
	_ =	sdelay $0x1  }
0x5af: {  	[tilespmem:v3+s13+$0x0] =	vst.idx.msk $0xffff, v2  }
0x5b0: {  	v2 =	vld.idx.msk [tilespmem:v37+s28+$0x0], $0xffff;
	_ =	sdelay $0x4  }
0x5b1: {  	v3 =	vor.u32 v1, v4;
	v39 =	vmul.f32 $6.666666860e-01, v2;
	_ =	sdelay $0x1  }
0x5b2: {  	v4 =	vadd.f32 $9.999999960e-13, v39;
	_ =	sdelay $0x1  }
0x5b3: {  	(erf) = vrcp.f32 v4  }
0x5b4: {  	v40 =	vld.idx.msk [tilespmem:v3+s23+$0x0], $0xffff;
	_ =	sdelay $0x1  }
0x5b5: {  	v41 =	vld.idx.msk [tilespmem:v3+s28+$0x0], $0xffff  }
0x5b6: {  	s15 =	sadd.s32 $0xFFFFFFFC, s2  }
0x5b7: {  	v42 =	vmov s15  }
0x5b8: {  	v43 =	vshll.u32 v42, $0x3;
	v2 =	vmul.f32 v40, v2  }
0x5b9: {  	v4 =	vor.u32 v0, v43  }
0x5ba: {  	v44 =	vor.u32 $0x3, v4;
	v2 =	vsub.f32 v2, v41  }
0x5bb: {  	v45 =	vpop (erf)  }
0x5bc: {  	v2 =	vmul.f32 v45, v2;
	_ =	sdelay $0x1  }
0x5bd: {  	[tilespmem:v3+s13+$0x0] =	vst.idx.msk $0xffff, v2  }
0x5be: {  	v2 =	vld.idx.msk [tilespmem:v44+s28+$0x0], $0xffff;
	_ =	sdelay $0x4  }
0x5bf: {  	v3 =	vor.u32 v1, v4;
	v46 =	vmul.f32 $6.666666860e-01, v2;
	_ =	sdelay $0x1  }
0x5c0: {  	v4 =	vadd.f32 $9.999999960e-13, v46;
	_ =	sdelay $0x1  }
0x5c1: {  	(erf) = vrcp.f32 v4  }
0x5c2: {  	v47 =	vld.idx.msk [tilespmem:v3+s23+$0x0], $0xffff;
	_ =	sdelay $0x1  }
0x5c3: {  	v48 =	vld.idx.msk [tilespmem:v3+s28+$0x0], $0xffff  }
0x5c4: {  	s15 =	sadd.s32 $0xFFFFFFFE, s2  }
0x5c5: {  	v49 =	vmov s15  }
0x5c6: {  	v50 =	vshll.u32 v49, $0x3;
	v2 =	vmul.f32 v47, v2  }
0x5c7: {  	v4 =	vor.u32 v0, v50  }
0x5c8: {  	v51 =	vor.u32 $0x3, v4;
	v2 =	vsub.f32 v2, v48  }
0x5c9: {  	v52 =	vpop (erf)  }
0x5ca: {  	v2 =	vmul.f32 v52, v2;
	_ =	sdelay $0x1  }
0x5cb: {  	[tilespmem:v3+s13+$0x0] =	vst.idx.msk $0xffff, v2  }
0x5cc: {  	v2 =	vld.idx.msk [tilespmem:v51+s28+$0x0], $0xffff;
	_ =	sdelay $0x4  }
0x5cd: {  	v3 =	vor.u32 v1, v4;
	v53 =	vmul.f32 $6.666666860e-01, v2;
	_ =	sdelay $0x1  }
0x5ce: {  	v4 =	vadd.f32 $9.999999960e-13, v53;
	_ =	sdelay $0x1  }
0x5cf: {  	(erf) = vrcp.f32 v4  }
0x5d0: {  	v54 =	vld.idx.msk [tilespmem:v3+s23+$0x0], $0xffff;
	_ =	sdelay $0x1  }
0x5d1: {  	v55 =	vld.idx.msk [tilespmem:v3+s28+$0x0], $0xffff;
	_ =	sdelay $0x1  }
0x5d2: {  	v56 =	vmov s2  }
0x5d3: {  	v57 =	vshll.u32 v56, $0x3;
	v2 =	vmul.f32 v54, v2  }
0x5d4: {  	v4 =	vor.u32 v0, v57  }
0x5d5: {  	v58 =	vor.u32 $0x3, v4;
	v2 =	vsub.f32 v2, v55  }
0x5d6: {  	v59 =	vpop (erf)  }
0x5d7: {  	v2 =	vmul.f32 v59, v2;
	_ =	sdelay $0x1  }
0x5d8: {  	[tilespmem:v3+s13+$0x0] =	vst.idx.msk $0xffff, v2  }
0x5d9: {  	v2 =	vld.idx.msk [tilespmem:v58+s28+$0x0], $0xffff;
	_ =	sdelay $0x4  }
0x5da: {  	v3 =	vor.u32 v1, v4;
	v60 =	vmul.f32 $6.666666860e-01, v2;
	_ =	sdelay $0x1  }
0x5db: {  	v4 =	vadd.f32 $9.999999960e-13, v60;
	_ =	sdelay $0x1  }
0x5dc: {  	(erf) = vrcp.f32 v4  }
0x5dd: {  	v61 =	vld.idx.msk [tilespmem:v3+s23+$0x0], $0xffff;
	_ =	sdelay $0x1  }
0x5de: {  	v62 =	vld.idx.msk [tilespmem:v3+s28+$0x0], $0xffff;
	_ =	sdelay $0x2  }
0x5df: {  	v2 =	vmul.f32 v61, v2;
	_ =	sdelay $0x1  }
0x5e0: {  	v2 =	vsub.f32 v2, v62  }
0x5e1: {  	v63 =	vpop (erf)  }
0x5e2: {  	s30 =	sadd.s32 $0x1, s30;
	v2 =	vmul.f32 v63, v2  }
0x5e3: {  	p0 =	sne.s32 s30, $0x8  }
.Ltmp7:
0x5e4: {  	s0 =	sadd.s32 s0, s12;
	[tilespmem:v3+s13+$0x0] =	vst.idx.msk $0xffff, v2;
	(pc) =	sbr.rel @p0 .LBB2_14-.Ltmp7, $4  }
0x5e5: {  	[hbm4b:s0+s4] =	stream.linear.scatter [tilespmem:s13], [sflag:$0x1], $0x1880, $0x38;
	[tilespmem:$0x1E480] =	vst v63  }
0x5e6: {  	_ =	swait.ge [sflag:s22], $0x1880  }
0x5e7: {  	[sflag:s22] =	ssyncset.done $0x0  }
0x5e8: {  	[sflag:s22] =	ssyncadd.s32 $0xFFFFE780  }
0x5e9: {  	s29 =	sadd.s32 $0x1, s29;
	s0 =	rddreg [dreg:$0x4]  }
0x5ea: {  	p0 =	sne.s32 s29, s0  }
.Ltmp8:
0x5eb: {  	_ = 	snop;
	(pc) =	sbr.rel @p0 .LBB2_1-.Ltmp8, $1  }
0x5ec: {  	_ =	sdelay $0x3  }
0x5ed: {  	_ =	sfence.sel $0x180000  }
0x5ee: {  	[bflag:$0x0] =	sbarrier.arrive $0xFFFF  }
0x5ef: {  	_ =	strace $0x90000047  }
0x5f0: {  	s0 =	stileid.u32;
	[bflag:$0x2] =	sbarrier.arrive $0xFFFF  }
0x5f1: {  	p0 =	sne.s32 s0, $0x0;
	s0 =	rddreg [dreg:$0x3]  }
0x5f2: {  	s0 =	sadd.s32 @!p0 $0x100000, s0  }
0x5f3: {  	[sflag:s0] =	ssyncadd.tile.s32 @!p0 $0x1;
	_ =	shalt  }
.Lfunc_end2:
_tile_overlayer_lowered:
.L_overlay_start_2:
0x5f4: {  	(tag) =	ssettag $0x2  }
0x5f5: {  	s0 =	rddreg [dreg:$0x0];
	s2 =	stileid.u32  }
0x5f6: {  	s1 =	rddreg [dreg:$0x1];
	p0 =	sne.s32 s2, $0x0  }
0x5f7: {  	s3 =	rddreg [dreg:$0x2];
	[bflag:$0x3] =	sbarrier.arrive $0xFFFF;
	s2 =	simm.s32 @!p0 $0x1C01  }
0x5f8: {  	[timem:s3], [sflag:s2] =	dma.local @!p0 [hbm:s0], s1  }
0x5f9: {  	s0 =	simm.s32 @!p0 $0x1  }
0x5fa: {  	_ =	swait.ge @!p0 [sflag:s0], s1  }
0x5fb: {  	s1 =	ssub.s32 @!p0 $0x0, s1;
	[sflag:s0] =	ssyncset.done @!p0 $0x0  }
0x5fc: {  	[sflag:s0] =	ssyncadd.s32 @!p0 s1  }
0x5fd: {  	[bflag:$0x3] =	sbarrier.arrive $0xFFFF  }
0x5fe: {  	_ =	shalt  }

</sc_bundles>
